<compile_context>
chip_gen: v7x
topology: tpu7x:2x2x1
jax: 0.10.2.dev20260603
libtpu: 0.0.44.dev20260713+nightly
codegen_flags: <defaults>
</compile_context>

<pallas_src>
import jax
import jax.numpy as jnp
from jax import lax
from jax.experimental import pallas as pl
from jax.experimental.pallas import tpu as pltpu
from jax.experimental.pallas import tpu_sc as plsc

N = 10000
E = 160000
D = 256

NC = 2
NS = 16
T = NC * NS
L = 16

N_PAD = 10240
E_PAD = 163840
EPT = E_PAD // T
CHUNK = 1024
NCH = E_PAD // CHUNK
CPT = D // T
W4 = CPT // 2
DUMMY_DST = N + 16

BLK = 256
GRID = N_PAD // BLK


def _dense_kernel(h_ref, w_ref, al_ref, ar_ref, z16_ref, el_ref, er_ref):
    h = h_ref[...]
    z = jnp.dot(h, w_ref[...], preferred_element_type=jnp.float32)
    z16_ref[...] = z.astype(jnp.bfloat16)
    el = jnp.sum(z * al_ref[0:1, :], axis=1)
    er = jnp.sum(z * ar_ref[0:1, :], axis=1)
    el_ref[0:1, :] = el[None, :]
    er_ref[0:1, :] = er[None, :]


def _dense_fused_kernel(u_ref, dp_ref, b_ref, w_ref, al_ref, ar_ref,
                        z16_ref, el_ref, er_ref):
    d = jnp.sum(dp_ref[...], axis=0)
    d = jnp.maximum(d, 1e-9)
    h = u_ref[...] / d[:, None] + b_ref[0:1, :]
    h = jnp.maximum(h, 0.0)
    z = jnp.dot(h, w_ref[...], preferred_element_type=jnp.float32)
    z16_ref[...] = z.astype(jnp.bfloat16)
    el = jnp.sum(z * al_ref[0:1, :], axis=1)
    er = jnp.sum(z * ar_ref[0:1, :], axis=1)
    el_ref[0:1, :] = el[None, :]
    er_ref[0:1, :] = er[None, :]


def _finish_kernel(u_ref, dp_ref, b_ref, o_ref):
    d = jnp.sum(dp_ref[...], axis=0)
    d = jnp.maximum(d, 1e-9)
    o_ref[...] = u_ref[...] / d[:, None] + b_ref[0:1, :]


def _dense(h_pad, w, al, ar):
    al8 = jnp.broadcast_to(al[None, :], (8, D))
    ar8 = jnp.broadcast_to(ar[None, :], (8, D))
    z16, el8, er8 = pl.pallas_call(
        _dense_kernel,
        grid=(GRID,),
        in_specs=[
            pl.BlockSpec((BLK, D), lambda i: (i, 0)),
            pl.BlockSpec((D, D), lambda i: (0, 0)),
            pl.BlockSpec((8, D), lambda i: (0, 0)),
            pl.BlockSpec((8, D), lambda i: (0, 0)),
        ],
        out_specs=[
            pl.BlockSpec((BLK, D), lambda i: (i, 0)),
            pl.BlockSpec((8, BLK), lambda i: (0, i)),
            pl.BlockSpec((8, BLK), lambda i: (0, i)),
        ],
        out_shape=[
            jax.ShapeDtypeStruct((N_PAD, D), jnp.bfloat16),
            jax.ShapeDtypeStruct((8, N_PAD), jnp.float32),
            jax.ShapeDtypeStruct((8, N_PAD), jnp.float32),
        ],
    )(h_pad, w, al8, ar8)
    return z16, el8[0], er8[0]


def _dense_fused(u, dparts, b, w, al, ar):
    al8 = jnp.broadcast_to(al[None, :], (8, D))
    ar8 = jnp.broadcast_to(ar[None, :], (8, D))
    b8 = jnp.broadcast_to(b[None, :], (8, D))
    z16, el8, er8 = pl.pallas_call(
        _dense_fused_kernel,
        grid=(GRID,),
        in_specs=[
            pl.BlockSpec((BLK, D), lambda i: (i, 0)),
            pl.BlockSpec((T, BLK), lambda i: (0, i)),
            pl.BlockSpec((8, D), lambda i: (0, 0)),
            pl.BlockSpec((D, D), lambda i: (0, 0)),
            pl.BlockSpec((8, D), lambda i: (0, 0)),
            pl.BlockSpec((8, D), lambda i: (0, 0)),
        ],
        out_specs=[
            pl.BlockSpec((BLK, D), lambda i: (i, 0)),
            pl.BlockSpec((8, BLK), lambda i: (0, i)),
            pl.BlockSpec((8, BLK), lambda i: (0, i)),
        ],
        out_shape=[
            jax.ShapeDtypeStruct((N_PAD, D), jnp.bfloat16),
            jax.ShapeDtypeStruct((8, N_PAD), jnp.float32),
            jax.ShapeDtypeStruct((8, N_PAD), jnp.float32),
        ],
    )(u, dparts, b8, w, al8, ar8)
    return z16, el8[0], er8[0]


def _finish(u, dparts, b):
    b8 = jnp.broadcast_to(b[None, :], (8, D))
    return pl.pallas_call(
        _finish_kernel,
        grid=(GRID,),
        in_specs=[
            pl.BlockSpec((BLK, D), lambda i: (i, 0)),
            pl.BlockSpec((T, BLK), lambda i: (0, i)),
            pl.BlockSpec((8, D), lambda i: (0, 0)),
        ],
        out_specs=pl.BlockSpec((BLK, D), lambda i: (i, 0)),
        out_shape=jax.ShapeDtypeStruct((N_PAD, D), jnp.float32),
    )(u, dparts, b8)


def _sc_ex_body(el_hbm, er_hbm, src_hbm, dst_hbm, ex_hbm, dpart_hbm,
                el_v, er_v, src_v, dst_v, ex_v, den_v):
    c = lax.axis_index("c")
    s = lax.axis_index("s")
    t = c * NS + s
    off = t * EPT

    pltpu.sync_copy(el_hbm, el_v)
    pltpu.sync_copy(er_hbm, er_v)
    pltpu.sync_copy(src_hbm.at[pl.ds(off, EPT)], src_v)
    pltpu.sync_copy(dst_hbm.at[pl.ds(off, EPT)], dst_v)

    zeros16 = jnp.zeros((L,), jnp.float32)

    @plsc.parallel_loop(0, N_PAD // L, unroll=4)
    def _zero_den(i):
        den_v[pl.ds(i * L, L)] = zeros16

    @plsc.parallel_loop(0, EPT // L, unroll=4)
    def _ex_body(i):
        ds16 = pl.ds(i * L, L)
        sv = src_v[ds16]
        dv = dst_v[ds16]
        elg = plsc.load_gather(el_v, [sv])
        erg = plsc.load_gather(er_v, [dv])
        tt = elg + erg
        e = jnp.where(tt >= 0.0, tt, 0.2 * tt)
        ex = jnp.exp(e)
        ex_v[ds16] = ex
        plsc.addupdate_scatter(den_v, [dv], ex)

    pltpu.sync_copy(ex_v, ex_hbm.at[pl.ds(off, EPT)])
    pltpu.sync_copy(den_v, dpart_hbm.at[t])


def _sc_ex(el, er, src_p, dst_p):
    mesh = plsc.VectorSubcoreMesh(core_axis_name="c", subcore_axis_name="s",
                                  num_cores=NC, num_subcores=NS)
    f = pl.kernel(
        _sc_ex_body,
        out_type=[
            jax.ShapeDtypeStruct((E_PAD,), jnp.float32),
            jax.ShapeDtypeStruct((T, N_PAD), jnp.float32),
        ],
        mesh=mesh,
        compiler_params=pltpu.CompilerParams(needs_layout_passes=False),
        scratch_types=[
            pltpu.VMEM((N_PAD,), jnp.float32),
            pltpu.VMEM((N_PAD,), jnp.float32),
            pltpu.VMEM((EPT,), jnp.int32),
            pltpu.VMEM((EPT,), jnp.int32),
            pltpu.VMEM((EPT,), jnp.float32),
            pltpu.VMEM((N_PAD,), jnp.float32),
        ],
    )
    return f(el, er, src_p, dst_p)


def _sc_agg_body(zp_hbm, src_hbm, dst_hbm, ex_hbm, u3_hbm,
                 zt, acc, sb0, sb1, db0, db1, eb0, eb1, sem0, sem1):
    c = lax.axis_index("c")
    s = lax.axis_index("s")
    t = c * NS + s

    pltpu.sync_copy(zp_hbm.at[t], zt)

    zeros16 = jnp.zeros((L,), jnp.float32)

    @plsc.parallel_loop(0, N_PAD * CPT // L, unroll=4)
    def _zero_acc(i):
        acc[pl.ds(i * L, L)] = zeros16

    def issue(k, sb, db, eb, sem):
        off = k * CHUNK
        pltpu.async_copy(src_hbm.at[pl.ds(off, CHUNK)], sb, sem)
        pltpu.async_copy(dst_hbm.at[pl.ds(off, CHUNK)], db, sem)
        pltpu.async_copy(ex_hbm.at[pl.ds(off, CHUNK)], eb, sem)

    def wait(k, sb, db, eb, sem):
        off = k * CHUNK
        pltpu.make_async_copy(src_hbm.at[pl.ds(off, CHUNK)], sb, sem).wait()
        pltpu.make_async_copy(dst_hbm.at[pl.ds(off, CHUNK)], db, sem).wait()
        pltpu.make_async_copy(ex_hbm.at[pl.ds(off, CHUNK)], eb, sem).wait()

    def process(sb, db, eb):
        @plsc.parallel_loop(0, CHUNK // L, unroll=4)
        def _vec(i):
            ds16 = pl.ds(i * L, L)
            sv = sb[ds16]
            dv = db[ds16]
            exv = eb[ds16]
            for w in range(W4):
                g = plsc.load_gather(zt.at[pl.ds(w * N_PAD, N_PAD)], [sv])
                lo = plsc.bitcast(jnp.left_shift(g, 16), jnp.float32)
                hi = plsc.bitcast(jnp.bitwise_and(g, jnp.int32(-65536)),
                                  jnp.float32)
                plsc.addupdate_scatter(
                    acc.at[pl.ds((2 * w) * N_PAD, N_PAD)], [dv], lo * exv)
                plsc.addupdate_scatter(
                    acc.at[pl.ds((2 * w + 1) * N_PAD, N_PAD)], [dv], hi * exv)

    issue(0, sb0, db0, eb0, sem0)

    def super_body(k, _):
        issue(2 * k + 1, sb1, db1, eb1, sem1)
        wait(2 * k, sb0, db0, eb0, sem0)
        process(sb0, db0, eb0)

        @pl.when(k < NCH // 2 - 1)
        def _():
            issue(2 * k + 2, sb0, db0, eb0, sem0)

        wait(2 * k + 1, sb1, db1, eb1, sem1)
        process(sb1, db1, eb1)
        return 0

    lax.fori_loop(0, NCH // 2, super_body, 0)

    pltpu.sync_copy(acc, u3_hbm.at[t])


def _sc_agg(zp, src_p, dst_p, ex):
    mesh = plsc.VectorSubcoreMesh(core_axis_name="c", subcore_axis_name="s",
                                  num_cores=NC, num_subcores=NS)
    f = pl.kernel(
        _sc_agg_body,
        out_type=jax.ShapeDtypeStruct((T, N_PAD * CPT), jnp.float32),
        mesh=mesh,
        compiler_params=pltpu.CompilerParams(needs_layout_passes=False),
        scratch_types=[
            pltpu.VMEM((N_PAD * W4,), jnp.int32),
            pltpu.VMEM((N_PAD * CPT,), jnp.float32),
            pltpu.VMEM((CHUNK,), jnp.int32),
            pltpu.VMEM((CHUNK,), jnp.int32),
            pltpu.VMEM((CHUNK,), jnp.int32),
            pltpu.VMEM((CHUNK,), jnp.int32),
            pltpu.VMEM((CHUNK,), jnp.float32),
            pltpu.VMEM((CHUNK,), jnp.float32),
            pltpu.SemaphoreType.DMA,
            pltpu.SemaphoreType.DMA,
        ],
    )
    return f(zp, src_p, dst_p, ex)


def _pack_z(z16):
    zp = lax.bitcast_convert_type(z16.reshape(N_PAD, D // 2, 2), jnp.int32)
    return zp.reshape(N_PAD, T, W4).transpose(1, 2, 0).reshape(T, N_PAD * W4)


def _unpack_u(u3):
    return u3.reshape(T, CPT, N_PAD).transpose(2, 0, 1).reshape(N_PAD, D)


def kernel(x, edge_index, W1, al1, ar1, b1, W2, al2, ar2, b2):
    x_pad = jnp.pad(x, ((0, N_PAD - N), (0, 0)))
    src_p = jnp.pad(edge_index[0], (0, E_PAD - E))
    dst_p = jnp.pad(edge_index[1], (0, E_PAD - E),
                    constant_values=DUMMY_DST)

    z16, el1, er1 = _dense(x_pad, W1, al1, ar1)
    ex1, dp1 = _sc_ex(el1, er1, src_p, dst_p)
    u1 = _unpack_u(_sc_agg(_pack_z(z16), src_p, dst_p, ex1))

    z16b, el2, er2 = _dense_fused(u1, dp1, b1, W2, al2, ar2)
    ex2, dp2 = _sc_ex(el2, er2, src_p, dst_p)
    u2 = _unpack_u(_sc_agg(_pack_z(z16b), src_p, dst_p, ex2))

    out = _finish(u2, dp2, b2)
    return out[:N]

# --- scband reference (transcript-rebuilt; emitter-appended) ---
"""Pipeline reference for scband-gat-1709396984517 (READ-ONLY COPY).

The authoritative reference and input builder live on the scoring server;
editing this copy changes nothing except your own understanding.
"""

import jax, jax.numpy as jnp
import numpy as np

N = 10000
E = 160000
D = 256


def setup_inputs(seed: int = 0) -> dict:
    key = jax.random.key(seed)
    ks = jax.random.split(key, 12)
    x = jax.random.normal(ks[0], (N, D), dtype=jnp.float32)
    edge_index = jax.random.randint(ks[1], (2, E), 0, N, dtype=jnp.int32)
    s = 1.0 / np.sqrt(D)
    W1 = jax.random.normal(ks[2], (D, D), dtype=jnp.float32) * s
    al1 = jax.random.normal(ks[3], (D,), dtype=jnp.float32) * s
    ar1 = jax.random.normal(ks[4], (D,), dtype=jnp.float32) * s
    b1 = jnp.zeros((D,), dtype=jnp.float32)
    W2 = jax.random.normal(ks[5], (D, D), dtype=jnp.float32) * s
    al2 = jax.random.normal(ks[6], (D,), dtype=jnp.float32) * s
    ar2 = jax.random.normal(ks[7], (D,), dtype=jnp.float32) * s
    b2 = jnp.zeros((D,), dtype=jnp.float32)
    return {"x": x, "edge_index": edge_index, "W1": W1, "al1": al1, "ar1": ar1, "b1": b1,
            "W2": W2, "al2": al2, "ar2": ar2, "b2": b2}


def _gat_conv(h, src, dst, W, al, ar, b):
    # DGL GATConv with num_heads=1, full graph (src set == dst set).
    z = h @ W                              # [N, D] feat projection (fc)
    el = jnp.sum(z * al, axis=-1)          # [N]
    er = jnp.sum(z * ar, axis=-1)          # [N]
    e = jax.nn.leaky_relu(el[src] + er[dst], negative_slope=0.2)  # [E]
    m = jax.ops.segment_max(e, dst, num_segments=N)
    m = jnp.where(jnp.isfinite(m), m, 0.0)
    ex = jnp.exp(e - m[dst])
    denom = jax.ops.segment_sum(ex, dst, num_segments=N)
    alpha = ex / jnp.maximum(denom[dst], 1e-9)                    # edge softmax
    out = jax.ops.segment_sum(alpha[:, None] * z[src], dst, num_segments=N)
    return out + b


def reference(x, edge_index, W1, al1, ar1, b1, W2, al2, ar2, b2):
    src = edge_index[0]
    dst = edge_index[1]
    # layer 0: GATConv -> sum over head dim (num_heads=1) -> ReLU -> dropout(p=0)
    h = _gat_conv(x, src, dst, W1, al1, ar1, b1)
    h = jax.nn.relu(h)
    # layer 1 (output layer): GATConv -> sum over head dim
    h = _gat_conv(h, src, dst, W2, al2, ar2, b2)
    return h

if __name__ == "__main__":
    import jax
    _d = setup_inputs()
    print(jax.jit(kernel)(*tuple(_d.values())))

</pallas_src>

<mosaic_0001>
#map = affine_map<(d0, d1) -> (0)>
#map1 = affine_map<(d0, d1) -> (0, 0)>
module attributes {stable_mosaic.version = 14 : i64} {
  func.func @_sc_ex_body(%arg0: i32, %arg1: i32, %arg2: memref<10240xf32, #tpu.memory_space<hbm>>, %arg3: memref<10240xf32, #tpu.memory_space<hbm>>, %arg4: memref<163840xi32, #tpu.memory_space<hbm>>, %arg5: memref<163840xi32, #tpu.memory_space<hbm>>, %arg6: memref<163840xf32, #tpu.memory_space<hbm>>, %arg7: memref<32x10240xf32, #tpu.memory_space<hbm>>, %arg8: memref<10240xf32, #tpu.memory_space<vmem>>, %arg9: memref<10240xf32, #tpu.memory_space<vmem>>, %arg10: memref<5120xi32, #tpu.memory_space<vmem>>, %arg11: memref<5120xi32, #tpu.memory_space<vmem>>, %arg12: memref<5120xf32, #tpu.memory_space<vmem>>, %arg13: memref<10240xf32, #tpu.memory_space<vmem>>) attributes {dimension_semantics = [#tpu.dimension_semantics<core_parallel>, #tpu.dimension_semantics<subcore_parallel>], iteration_bounds = array<i64: 2, 16>, scalar_prefetch = 0 : i64, scratch_operands = 6 : i64, tpu.core_type = #tpu.core_type<sc_vector_subcore>, window_params = [{transform_indices = #map}, {transform_indices = #map}, {transform_indices = #map}, {transform_indices = #map}, {transform_indices = #map}, {transform_indices = #map1}]} {
    %mul3A = arith.constant 16 : i32
    %mul3A_0 = arith.muli %arg0, %mul3A : i32
    %add3A = arith.addi %mul3A_0, %arg1 : i32
    %mul3A_1 = arith.constant 5120 : i32
    %mul3A_2 = arith.muli %add3A, %mul3A_1 : i32
    "tpu.region"() ({
      %run_scoped3A = tpu.sem_alloc : memref<!tpu.dma_semaphore, #tpu.memory_space<semaphore_mem>>
      tpu.enqueue_dma source(%arg2 : memref<10240xf32, #tpu.memory_space<hbm>>) target(%arg8 : memref<10240xf32, #tpu.memory_space<vmem>>) target_semaphore(%run_scoped3A : memref<!tpu.dma_semaphore, #tpu.memory_space<semaphore_mem>>)
      tpu.wait_dma2 semaphore(%run_scoped3A : memref<!tpu.dma_semaphore, #tpu.memory_space<semaphore_mem>>) src(%arg2 : memref<10240xf32, #tpu.memory_space<hbm>>) dst(%arg8 : memref<10240xf32, #tpu.memory_space<vmem>>)
      tpu.yield
    }) : () -> ()
    "tpu.region"() ({
      %run_scoped3A = tpu.sem_alloc : memref<!tpu.dma_semaphore, #tpu.memory_space<semaphore_mem>>
      tpu.enqueue_dma source(%arg3 : memref<10240xf32, #tpu.memory_space<hbm>>) target(%arg9 : memref<10240xf32, #tpu.memory_space<vmem>>) target_semaphore(%run_scoped3A : memref<!tpu.dma_semaphore, #tpu.memory_space<semaphore_mem>>)
      tpu.wait_dma2 semaphore(%run_scoped3A : memref<!tpu.dma_semaphore, #tpu.memory_space<semaphore_mem>>) src(%arg3 : memref<10240xf32, #tpu.memory_space<hbm>>) dst(%arg9 : memref<10240xf32, #tpu.memory_space<vmem>>)
      tpu.yield
    }) : () -> ()
    "tpu.region"() ({
      %run_scoped3A = tpu.sem_alloc : memref<!tpu.dma_semaphore, #tpu.memory_space<semaphore_mem>>
      %dma_start3A = tpu.memref_slice %arg4[%mul3A_2] : memref<163840xi32, #tpu.memory_space<hbm>> -> memref<5120xi32, #tpu.memory_space<hbm>>
      %dma_start3A_9 = tpu.memref_slice %arg4[%mul3A_2] : memref<163840xi32, #tpu.memory_space<hbm>> -> memref<5120xi32, #tpu.memory_space<hbm>>
      tpu.enqueue_dma source(%dma_start3A_9 : memref<5120xi32, #tpu.memory_space<hbm>>) target(%arg10 : memref<5120xi32, #tpu.memory_space<vmem>>) target_semaphore(%run_scoped3A : memref<!tpu.dma_semaphore, #tpu.memory_space<semaphore_mem>>)
      %dma_wait3A = tpu.memref_slice %arg4[%mul3A_2] : memref<163840xi32, #tpu.memory_space<hbm>> -> memref<5120xi32, #tpu.memory_space<hbm>>
      %dma_wait3A_10 = tpu.memref_slice %arg4[%mul3A_2] : memref<163840xi32, #tpu.memory_space<hbm>> -> memref<5120xi32, #tpu.memory_space<hbm>>
      tpu.wait_dma2 semaphore(%run_scoped3A : memref<!tpu.dma_semaphore, #tpu.memory_space<semaphore_mem>>) src(%dma_wait3A_10 : memref<5120xi32, #tpu.memory_space<hbm>>) dst(%arg10 : memref<5120xi32, #tpu.memory_space<vmem>>)
      tpu.yield
    }) : () -> ()
    "tpu.region"() ({
      %run_scoped3A = tpu.sem_alloc : memref<!tpu.dma_semaphore, #tpu.memory_space<semaphore_mem>>
      %dma_start3A = tpu.memref_slice %arg5[%mul3A_2] : memref<163840xi32, #tpu.memory_space<hbm>> -> memref<5120xi32, #tpu.memory_space<hbm>>
      %dma_start3A_9 = tpu.memref_slice %arg5[%mul3A_2] : memref<163840xi32, #tpu.memory_space<hbm>> -> memref<5120xi32, #tpu.memory_space<hbm>>
      tpu.enqueue_dma source(%dma_start3A_9 : memref<5120xi32, #tpu.memory_space<hbm>>) target(%arg11 : memref<5120xi32, #tpu.memory_space<vmem>>) target_semaphore(%run_scoped3A : memref<!tpu.dma_semaphore, #tpu.memory_space<semaphore_mem>>)
      %dma_wait3A = tpu.memref_slice %arg5[%mul3A_2] : memref<163840xi32, #tpu.memory_space<hbm>> -> memref<5120xi32, #tpu.memory_space<hbm>>
      %dma_wait3A_10 = tpu.memref_slice %arg5[%mul3A_2] : memref<163840xi32, #tpu.memory_space<hbm>> -> memref<5120xi32, #tpu.memory_space<hbm>>
      tpu.wait_dma2 semaphore(%run_scoped3A : memref<!tpu.dma_semaphore, #tpu.memory_space<semaphore_mem>>) src(%dma_wait3A_10 : memref<5120xi32, #tpu.memory_space<hbm>>) dst(%arg11 : memref<5120xi32, #tpu.memory_space<vmem>>)
      tpu.yield
    }) : () -> ()
    %broadcast_in_dim3A = arith.constant 0.000000e+00 : f32
    %broadcast_in_dim3A_3 = vector.broadcast %broadcast_in_dim3A : f32 to vector<16xf32>
    %parallel_loop3A = arith.constant 0 : i32
    %parallel_loop3A_4 = arith.constant 640 : i32
    %parallel_loop3A_5 = arith.constant 1 : i32
    scf.for %parallel_loop3A_9 = %parallel_loop3A to %parallel_loop3A_4 step %parallel_loop3A_5  : i32 {
      %parallel_loop3A_10 = arith.constant 16 : i32
      %parallel_loop3A_11 = arith.muli %parallel_loop3A_9, %parallel_loop3A_10 : i32
      %parallel_loop3A_12 = arith.index_cast %parallel_loop3A_11 : i32 to index
      %parallel_loop3A_13 = tpu.vector_load %arg13[%parallel_loop3A_12] {strides = array<i32>} : memref<10240xf32, #tpu.memory_space<vmem>>, vector<16xf32>,
      tpu.vector_store %arg13[%parallel_loop3A_12], %broadcast_in_dim3A_3 {strides = array<i32>} : memref<10240xf32, #tpu.memory_space<vmem>>, vector<16xf32>,
    } {sc.loop_unroll_factor = 4 : i64, sc.parallel_access}
    %parallel_loop3A_6 = arith.constant 0 : i32
    %parallel_loop3A_7 = arith.constant 320 : i32
    %parallel_loop3A_8 = arith.constant 1 : i32
    scf.for %parallel_loop3A_9 = %parallel_loop3A_6 to %parallel_loop3A_7 step %parallel_loop3A_8  : i32 {
      %parallel_loop3A_10 = arith.constant 16 : i32
      %parallel_loop3A_11 = arith.muli %parallel_loop3A_9, %parallel_loop3A_10 : i32
      %parallel_loop3A_12 = arith.index_cast %parallel_loop3A_11 : i32 to index
      %parallel_loop3A_13 = tpu.vector_load %arg10[%parallel_loop3A_12] {strides = array<i32>} : memref<5120xi32, #tpu.memory_space<vmem>>, vector<16xi32>,
      %parallel_loop3A_14 = arith.index_cast %parallel_loop3A_11 : i32 to index
      %parallel_loop3A_15 = tpu.vector_load %arg11[%parallel_loop3A_14] {strides = array<i32>} : memref<5120xi32, #tpu.memory_space<vmem>>, vector<16xi32>,
      %parallel_loop3A_16 = tpu.vector_load_idx %arg8[%parallel_loop3A_13] : memref<10240xf32, #tpu.memory_space<vmem>>[vector<16xi32>], vector<16xf32>,
      %parallel_loop3A_17 = tpu.vector_load_idx %arg9[%parallel_loop3A_15] : memref<10240xf32, #tpu.memory_space<vmem>>[vector<16xi32>], vector<16xf32>,
      %parallel_loop3A_18 = arith.addf %parallel_loop3A_16, %parallel_loop3A_17 : vector<16xf32>
      %parallel_loop3A_19 = arith.constant 0.000000e+00 : f32
      %parallel_loop3A_20 = vector.broadcast %parallel_loop3A_19 : f32 to vector<16xf32>
      %parallel_loop3A_21 = arith.cmpf oge, %parallel_loop3A_18, %parallel_loop3A_20 : vector<16xf32>
      %parallel_loop3A_22 = arith.constant 2.000000e-01 : f32
      %parallel_loop3A_23 = vector.broadcast %parallel_loop3A_22 : f32 to vector<16xf32>
      %parallel_loop3A_24 = arith.mulf %parallel_loop3A_23, %parallel_loop3A_18 : vector<16xf32>
      %parallel_loop3A_25 = arith.select %parallel_loop3A_21, %parallel_loop3A_18, %parallel_loop3A_24 : vector<16xi1>, vector<16xf32>
      %parallel_loop3A_26 = math.exp %parallel_loop3A_25 : vector<16xf32>
      %parallel_loop3A_27 = arith.index_cast %parallel_loop3A_11 : i32 to index
      %parallel_loop3A_28 = tpu.vector_load %arg12[%parallel_loop3A_27] {strides = array<i32>} : memref<5120xf32, #tpu.memory_space<vmem>>, vector<16xf32>,
      tpu.vector_store %arg12[%parallel_loop3A_27], %parallel_loop3A_26 {strides = array<i32>} : memref<5120xf32, #tpu.memory_space<vmem>>, vector<16xf32>,
      tpu.vector_store_idx %arg13[%parallel_loop3A_15], %parallel_loop3A_26 {add = true} : memref<10240xf32, #tpu.memory_space<vmem>>[vector<16xi32>], vector<16xf32>,
    } {sc.loop_unroll_factor = 4 : i64, sc.parallel_access}
    "tpu.region"() ({
      %run_scoped3A = tpu.sem_alloc : memref<!tpu.dma_semaphore, #tpu.memory_space<semaphore_mem>>
      %dma_start3A = tpu.memref_slice %arg6[%mul3A_2] : memref<163840xf32, #tpu.memory_space<hbm>> -> memref<5120xf32, #tpu.memory_space<hbm>>
      %dma_start3A_9 = tpu.memref_slice %arg6[%mul3A_2] : memref<163840xf32, #tpu.memory_space<hbm>> -> memref<5120xf32, #tpu.memory_space<hbm>>
      tpu.enqueue_dma source(%arg12 : memref<5120xf32, #tpu.memory_space<vmem>>) target(%dma_start3A_9 : memref<5120xf32, #tpu.memory_space<hbm>>) target_semaphore(%run_scoped3A : memref<!tpu.dma_semaphore, #tpu.memory_space<semaphore_mem>>)
      %dma_wait3A = tpu.memref_slice %arg6[%mul3A_2] : memref<163840xf32, #tpu.memory_space<hbm>> -> memref<5120xf32, #tpu.memory_space<hbm>>
      %dma_wait3A_10 = tpu.memref_slice %arg6[%mul3A_2] : memref<163840xf32, #tpu.memory_space<hbm>> -> memref<5120xf32, #tpu.memory_space<hbm>>
      tpu.wait_dma2 semaphore(%run_scoped3A : memref<!tpu.dma_semaphore, #tpu.memory_space<semaphore_mem>>) src(%arg12 : memref<5120xf32, #tpu.memory_space<vmem>>) dst(%dma_wait3A_10 : memref<5120xf32, #tpu.memory_space<hbm>>)
      tpu.yield
    }) : () -> ()
    "tpu.region"() ({
      %run_scoped3A = tpu.sem_alloc : memref<!tpu.dma_semaphore, #tpu.memory_space<semaphore_mem>>
      %dma_start3A = arith.constant 0 : i32
      %dma_start3A_9 = tpu.memref_slice %arg7[%add3A, %dma_start3A] : memref<32x10240xf32, #tpu.memory_space<hbm>> -> memref<1x10240xf32, #tpu.memory_space<hbm>>
      %dma_start3A_10 = tpu.memref_squeeze %dma_start3A_9 : memref<1x10240xf32, #tpu.memory_space<hbm>> -> memref<10240xf32, #tpu.memory_space<hbm>>
      %dma_start3A_11 = arith.constant 0 : i32
      %dma_start3A_12 = tpu.memref_slice %arg7[%add3A, %dma_start3A_11] : memref<32x10240xf32, #tpu.memory_space<hbm>> -> memref<1x10240xf32, #tpu.memory_space<hbm>>
      %dma_start3A_13 = tpu.memref_squeeze %dma_start3A_12 : memref<1x10240xf32, #tpu.memory_space<hbm>> -> memref<10240xf32, #tpu.memory_space<hbm>>
      tpu.enqueue_dma source(%arg13 : memref<10240xf32, #tpu.memory_space<vmem>>) target(%dma_start3A_13 : memref<10240xf32, #tpu.memory_space<hbm>>) target_semaphore(%run_scoped3A : memref<!tpu.dma_semaphore, #tpu.memory_space<semaphore_mem>>)
      %dma_wait3A = arith.constant 0 : i32
      %dma_wait3A_14 = tpu.memref_slice %arg7[%add3A, %dma_wait3A] : memref<32x10240xf32, #tpu.memory_space<hbm>> -> memref<1x10240xf32, #tpu.memory_space<hbm>>
      %dma_wait3A_15 = tpu.memref_squeeze %dma_wait3A_14 : memref<1x10240xf32, #tpu.memory_space<hbm>> -> memref<10240xf32, #tpu.memory_space<hbm>>
      %dma_wait3A_16 = arith.constant 0 : i32
      %dma_wait3A_17 = tpu.memref_slice %arg7[%add3A, %dma_wait3A_16] : memref<32x10240xf32, #tpu.memory_space<hbm>> -> memref<1x10240xf32, #tpu.memory_space<hbm>>
      %dma_wait3A_18 = tpu.memref_squeeze %dma_wait3A_17 : memref<1x10240xf32, #tpu.memory_space<hbm>> -> memref<10240xf32, #tpu.memory_space<hbm>>
      tpu.wait_dma2 semaphore(%run_scoped3A : memref<!tpu.dma_semaphore, #tpu.memory_space<semaphore_mem>>) src(%arg13 : memref<10240xf32, #tpu.memory_space<vmem>>) dst(%dma_wait3A_18 : memref<10240xf32, #tpu.memory_space<hbm>>)
      tpu.yield
    }) : () -> ()
    return
  }
}

#map = affine_map<(d0, d1) -> (0)>
#map1 = affine_map<(d0, d1) -> (0, 0)>
module attributes {stable_mosaic.version = 14 : i64} {
  func.func @_sc_ex_body(%arg0: i32, %arg1: i32, %arg2: memref<10240xf32, #tpu.memory_space<hbm>>, %arg3: memref<10240xf32, #tpu.memory_space<hbm>>, %arg4: memref<163840xi32, #tpu.memory_space<hbm>>, %arg5: memref<163840xi32, #tpu.memory_space<hbm>>, %arg6: memref<163840xf32, #tpu.memory_space<hbm>>, %arg7: memref<32x10240xf32, #tpu.memory_space<hbm>>, %arg8: memref<10240xf32, #tpu.memory_space<vmem>>, %arg9: memref<10240xf32, #tpu.memory_space<vmem>>, %arg10: memref<5120xi32, #tpu.memory_space<vmem>>, %arg11: memref<5120xi32, #tpu.memory_space<vmem>>, %arg12: memref<5120xf32, #tpu.memory_space<vmem>>, %arg13: memref<10240xf32, #tpu.memory_space<vmem>>) attributes {dimension_semantics = [#tpu.dimension_semantics<core_parallel>, #tpu.dimension_semantics<subcore_parallel>], iteration_bounds = array<i64: 2, 16>, scalar_prefetch = 0 : i64, scratch_operands = 6 : i64, tpu.core_type = #tpu.core_type<sc_vector_subcore>, window_params = [{transform_indices = #map}, {transform_indices = #map}, {transform_indices = #map}, {transform_indices = #map}, {transform_indices = #map}, {transform_indices = #map1}]} {
    %mul3A = arith.constant 16 : i32
    %mul3A_0 = arith.muli %arg0, %mul3A : i32
    %add3A = arith.addi %mul3A_0, %arg1 : i32
    %mul3A_1 = arith.constant 5120 : i32
    %mul3A_2 = arith.muli %add3A, %mul3A_1 : i32
    "tpu.region"() ({
      %run_scoped3A = tpu.sem_alloc : memref<!tpu.dma_semaphore, #tpu.memory_space<semaphore_mem>>
      tpu.enqueue_dma source(%arg2 : memref<10240xf32, #tpu.memory_space<hbm>>) target(%arg8 : memref<10240xf32, #tpu.memory_space<vmem>>) target_semaphore(%run_scoped3A : memref<!tpu.dma_semaphore, #tpu.memory_space<semaphore_mem>>)
      tpu.wait_dma2 semaphore(%run_scoped3A : memref<!tpu.dma_semaphore, #tpu.memory_space<semaphore_mem>>) src(%arg2 : memref<10240xf32, #tpu.memory_space<hbm>>) dst(%arg8 : memref<10240xf32, #tpu.memory_space<vmem>>)
      tpu.yield
    }) : () -> ()
    "tpu.region"() ({
      %run_scoped3A = tpu.sem_alloc : memref<!tpu.dma_semaphore, #tpu.memory_space<semaphore_mem>>
      tpu.enqueue_dma source(%arg3 : memref<10240xf32, #tpu.memory_space<hbm>>) target(%arg9 : memref<10240xf32, #tpu.memory_space<vmem>>) target_semaphore(%run_scoped3A : memref<!tpu.dma_semaphore, #tpu.memory_space<semaphore_mem>>)
      tpu.wait_dma2 semaphore(%run_scoped3A : memref<!tpu.dma_semaphore, #tpu.memory_space<semaphore_mem>>) src(%arg3 : memref<10240xf32, #tpu.memory_space<hbm>>) dst(%arg9 : memref<10240xf32, #tpu.memory_space<vmem>>)
      tpu.yield
    }) : () -> ()
    "tpu.region"() ({
      %run_scoped3A = tpu.sem_alloc : memref<!tpu.dma_semaphore, #tpu.memory_space<semaphore_mem>>
      %dma_start3A = tpu.memref_slice %arg4[%mul3A_2] : memref<163840xi32, #tpu.memory_space<hbm>> -> memref<5120xi32, #tpu.memory_space<hbm>>
      %dma_start3A_9 = tpu.memref_slice %arg4[%mul3A_2] : memref<163840xi32, #tpu.memory_space<hbm>> -> memref<5120xi32, #tpu.memory_space<hbm>>
      tpu.enqueue_dma source(%dma_start3A_9 : memref<5120xi32, #tpu.memory_space<hbm>>) target(%arg10 : memref<5120xi32, #tpu.memory_space<vmem>>) target_semaphore(%run_scoped3A : memref<!tpu.dma_semaphore, #tpu.memory_space<semaphore_mem>>)
      %dma_wait3A = tpu.memref_slice %arg4[%mul3A_2] : memref<163840xi32, #tpu.memory_space<hbm>> -> memref<5120xi32, #tpu.memory_space<hbm>>
      %dma_wait3A_10 = tpu.memref_slice %arg4[%mul3A_2] : memref<163840xi32, #tpu.memory_space<hbm>> -> memref<5120xi32, #tpu.memory_space<hbm>>
      tpu.wait_dma2 semaphore(%run_scoped3A : memref<!tpu.dma_semaphore, #tpu.memory_space<semaphore_mem>>) src(%dma_wait3A_10 : memref<5120xi32, #tpu.memory_space<hbm>>) dst(%arg10 : memref<5120xi32, #tpu.memory_space<vmem>>)
      tpu.yield
    }) : () -> ()
    "tpu.region"() ({
      %run_scoped3A = tpu.sem_alloc : memref<!tpu.dma_semaphore, #tpu.memory_space<semaphore_mem>>
      %dma_start3A = tpu.memref_slice %arg5[%mul3A_2] : memref<163840xi32, #tpu.memory_space<hbm>> -> memref<5120xi32, #tpu.memory_space<hbm>>
      %dma_start3A_9 = tpu.memref_slice %arg5[%mul3A_2] : memref<163840xi32, #tpu.memory_space<hbm>> -> memref<5120xi32, #tpu.memory_space<hbm>>
      tpu.enqueue_dma source(%dma_start3A_9 : memref<5120xi32, #tpu.memory_space<hbm>>) target(%arg11 : memref<5120xi32, #tpu.memory_space<vmem>>) target_semaphore(%run_scoped3A : memref<!tpu.dma_semaphore, #tpu.memory_space<semaphore_mem>>)
      %dma_wait3A = tpu.memref_slice %arg5[%mul3A_2] : memref<163840xi32, #tpu.memory_space<hbm>> -> memref<5120xi32, #tpu.memory_space<hbm>>
      %dma_wait3A_10 = tpu.memref_slice %arg5[%mul3A_2] : memref<163840xi32, #tpu.memory_space<hbm>> -> memref<5120xi32, #tpu.memory_space<hbm>>
      tpu.wait_dma2 semaphore(%run_scoped3A : memref<!tpu.dma_semaphore, #tpu.memory_space<semaphore_mem>>) src(%dma_wait3A_10 : memref<5120xi32, #tpu.memory_space<hbm>>) dst(%arg11 : memref<5120xi32, #tpu.memory_space<vmem>>)
      tpu.yield
    }) : () -> ()
    %broadcast_in_dim3A = arith.constant 0.000000e+00 : f32
    %broadcast_in_dim3A_3 = vector.broadcast %broadcast_in_dim3A : f32 to vector<16xf32>
    %parallel_loop3A = arith.constant 0 : i32
    %parallel_loop3A_4 = arith.constant 640 : i32
    %parallel_loop3A_5 = arith.constant 1 : i32
    scf.for %parallel_loop3A_9 = %parallel_loop3A to %parallel_loop3A_4 step %parallel_loop3A_5  : i32 {
      %parallel_loop3A_10 = arith.constant 16 : i32
      %parallel_loop3A_11 = arith.muli %parallel_loop3A_9, %parallel_loop3A_10 : i32
      %parallel_loop3A_12 = arith.index_cast %parallel_loop3A_11 : i32 to index
      %parallel_loop3A_13 = tpu.vector_load %arg13[%parallel_loop3A_12] {strides = array<i32>} : memref<10240xf32, #tpu.memory_space<vmem>>, vector<16xf32>,
      tpu.vector_store %arg13[%parallel_loop3A_12], %broadcast_in_dim3A_3 {strides = array<i32>} : memref<10240xf32, #tpu.memory_space<vmem>>, vector<16xf32>,
    } {sc.loop_unroll_factor = 4 : i64, sc.parallel_access}
    %parallel_loop3A_6 = arith.constant 0 : i32
    %parallel_loop3A_7 = arith.constant 320 : i32
    %parallel_loop3A_8 = arith.constant 1 : i32
    scf.for %parallel_loop3A_9 = %parallel_loop3A_6 to %parallel_loop3A_7 step %parallel_loop3A_8  : i32 {
      %parallel_loop3A_10 = arith.constant 16 : i32
      %parallel_loop3A_11 = arith.muli %parallel_loop3A_9, %parallel_loop3A_10 : i32
      %parallel_loop3A_12 = arith.index_cast %parallel_loop3A_11 : i32 to index
      %parallel_loop3A_13 = tpu.vector_load %arg10[%parallel_loop3A_12] {strides = array<i32>} : memref<5120xi32, #tpu.memory_space<vmem>>, vector<16xi32>,
      %parallel_loop3A_14 = arith.index_cast %parallel_loop3A_11 : i32 to index
      %parallel_loop3A_15 = tpu.vector_load %arg11[%parallel_loop3A_14] {strides = array<i32>} : memref<5120xi32, #tpu.memory_space<vmem>>, vector<16xi32>,
      %parallel_loop3A_16 = tpu.vector_load_idx %arg8[%parallel_loop3A_13] : memref<10240xf32, #tpu.memory_space<vmem>>[vector<16xi32>], vector<16xf32>,
      %parallel_loop3A_17 = tpu.vector_load_idx %arg9[%parallel_loop3A_15] : memref<10240xf32, #tpu.memory_space<vmem>>[vector<16xi32>], vector<16xf32>,
      %parallel_loop3A_18 = arith.addf %parallel_loop3A_16, %parallel_loop3A_17 : vector<16xf32>
      %parallel_loop3A_19 = arith.constant 0.000000e+00 : f32
      %parallel_loop3A_20 = vector.broadcast %parallel_loop3A_19 : f32 to vector<16xf32>
      %parallel_loop3A_21 = arith.cmpf oge, %parallel_loop3A_18, %parallel_loop3A_20 : vector<16xf32>
      %parallel_loop3A_22 = arith.constant 2.000000e-01 : f32
      %parallel_loop3A_23 = vector.broadcast %parallel_loop3A_22 : f32 to vector<16xf32>
      %parallel_loop3A_24 = arith.mulf %parallel_loop3A_23, %parallel_loop3A_18 : vector<16xf32>
      %parallel_loop3A_25 = arith.select %parallel_loop3A_21, %parallel_loop3A_18, %parallel_loop3A_24 : vector<16xi1>, vector<16xf32>
      %parallel_loop3A_26 = math.exp %parallel_loop3A_25 : vector<16xf32>
      %parallel_loop3A_27 = arith.index_cast %parallel_loop3A_11 : i32 to index
      %parallel_loop3A_28 = tpu.vector_load %arg12[%parallel_loop3A_27] {strides = array<i32>} : memref<5120xf32, #tpu.memory_space<vmem>>, vector<16xf32>,
      tpu.vector_store %arg12[%parallel_loop3A_27], %parallel_loop3A_26 {strides = array<i32>} : memref<5120xf32, #tpu.memory_space<vmem>>, vector<16xf32>,
      tpu.vector_store_idx %arg13[%parallel_loop3A_15], %parallel_loop3A_26 {add = true} : memref<10240xf32, #tpu.memory_space<vmem>>[vector<16xi32>], vector<16xf32>,
    } {sc.loop_unroll_factor = 4 : i64, sc.parallel_access}
    "tpu.region"() ({
      %run_scoped3A = tpu.sem_alloc : memref<!tpu.dma_semaphore, #tpu.memory_space<semaphore_mem>>
      %dma_start3A = tpu.memref_slice %arg6[%mul3A_2] : memref<163840xf32, #tpu.memory_space<hbm>> -> memref<5120xf32, #tpu.memory_space<hbm>>
      %dma_start3A_9 = tpu.memref_slice %arg6[%mul3A_2] : memref<163840xf32, #tpu.memory_space<hbm>> -> memref<5120xf32, #tpu.memory_space<hbm>>
      tpu.enqueue_dma source(%arg12 : memref<5120xf32, #tpu.memory_space<vmem>>) target(%dma_start3A_9 : memref<5120xf32, #tpu.memory_space<hbm>>) target_semaphore(%run_scoped3A : memref<!tpu.dma_semaphore, #tpu.memory_space<semaphore_mem>>)
      %dma_wait3A = tpu.memref_slice %arg6[%mul3A_2] : memref<163840xf32, #tpu.memory_space<hbm>> -> memref<5120xf32, #tpu.memory_space<hbm>>
      %dma_wait3A_10 = tpu.memref_slice %arg6[%mul3A_2] : memref<163840xf32, #tpu.memory_space<hbm>> -> memref<5120xf32, #tpu.memory_space<hbm>>
      tpu.wait_dma2 semaphore(%run_scoped3A : memref<!tpu.dma_semaphore, #tpu.memory_space<semaphore_mem>>) src(%arg12 : memref<5120xf32, #tpu.memory_space<vmem>>) dst(%dma_wait3A_10 : memref<5120xf32, #tpu.memory_space<hbm>>)
      tpu.yield
    }) : () -> ()
    "tpu.region"() ({
      %run_scoped3A = tpu.sem_alloc : memref<!tpu.dma_semaphore, #tpu.memory_space<semaphore_mem>>
      %dma_start3A = arith.constant 0 : i32
      %dma_start3A_9 = tpu.memref_slice %arg7[%add3A, %dma_start3A] : memref<32x10240xf32, #tpu.memory_space<hbm>> -> memref<1x10240xf32, #tpu.memory_space<hbm>>
      %dma_start3A_10 = tpu.memref_squeeze %dma_start3A_9 : memref<1x10240xf32, #tpu.memory_space<hbm>> -> memref<10240xf32, #tpu.memory_space<hbm>>
      %dma_start3A_11 = arith.constant 0 : i32
      %dma_start3A_12 = tpu.memref_slice %arg7[%add3A, %dma_start3A_11] : memref<32x10240xf32, #tpu.memory_space<hbm>> -> memref<1x10240xf32, #tpu.memory_space<hbm>>
      %dma_start3A_13 = tpu.memref_squeeze %dma_start3A_12 : memref<1x10240xf32, #tpu.memory_space<hbm>> -> memref<10240xf32, #tpu.memory_space<hbm>>
      tpu.enqueue_dma source(%arg13 : memref<10240xf32, #tpu.memory_space<vmem>>) target(%dma_start3A_13 : memref<10240xf32, #tpu.memory_space<hbm>>) target_semaphore(%run_scoped3A : memref<!tpu.dma_semaphore, #tpu.memory_space<semaphore_mem>>)
      %dma_wait3A = arith.constant 0 : i32
      %dma_wait3A_14 = tpu.memref_slice %arg7[%add3A, %dma_wait3A] : memref<32x10240xf32, #tpu.memory_space<hbm>> -> memref<1x10240xf32, #tpu.memory_space<hbm>>
      %dma_wait3A_15 = tpu.memref_squeeze %dma_wait3A_14 : memref<1x10240xf32, #tpu.memory_space<hbm>> -> memref<10240xf32, #tpu.memory_space<hbm>>
      %dma_wait3A_16 = arith.constant 0 : i32
      %dma_wait3A_17 = tpu.memref_slice %arg7[%add3A, %dma_wait3A_16] : memref<32x10240xf32, #tpu.memory_space<hbm>> -> memref<1x10240xf32, #tpu.memory_space<hbm>>
      %dma_wait3A_18 = tpu.memref_squeeze %dma_wait3A_17 : memref<1x10240xf32, #tpu.memory_space<hbm>> -> memref<10240xf32, #tpu.memory_space<hbm>>
      tpu.wait_dma2 semaphore(%run_scoped3A : memref<!tpu.dma_semaphore, #tpu.memory_space<semaphore_mem>>) src(%arg13 : memref<10240xf32, #tpu.memory_space<vmem>>) dst(%dma_wait3A_18 : memref<10240xf32, #tpu.memory_space<hbm>>)
      tpu.yield
    }) : () -> ()
    return
  }
}

#map = affine_map<(d0, d1) -> (0, 0)>
#map1 = affine_map<(d0, d1) -> (0)>
module attributes {stable_mosaic.version = 14 : i64} {
  func.func @_sc_agg_body(%arg0: i32, %arg1: i32, %arg2: memref<32x40960xi32, #tpu.memory_space<hbm>>, %arg3: memref<163840xi32, #tpu.memory_space<hbm>>, %arg4: memref<163840xi32, #tpu.memory_space<hbm>>, %arg5: memref<163840xf32, #tpu.memory_space<hbm>>, %arg6: memref<32x81920xf32, #tpu.memory_space<hbm>>, %arg7: memref<40960xi32, #tpu.memory_space<vmem>>, %arg8: memref<81920xf32, #tpu.memory_space<vmem>>, %arg9: memref<1024xi32, #tpu.memory_space<vmem>>, %arg10: memref<1024xi32, #tpu.memory_space<vmem>>, %arg11: memref<1024xi32, #tpu.memory_space<vmem>>, %arg12: memref<1024xi32, #tpu.memory_space<vmem>>, %arg13: memref<1024xf32, #tpu.memory_space<vmem>>, %arg14: memref<1024xf32, #tpu.memory_space<vmem>>, %arg15: memref<!tpu.dma_semaphore, #tpu.memory_space<semaphore_mem>>, %arg16: memref<!tpu.dma_semaphore, #tpu.memory_space<semaphore_mem>>) attributes {dimension_semantics = [#tpu.dimension_semantics<core_parallel>, #tpu.dimension_semantics<subcore_parallel>], iteration_bounds = array<i64: 2, 16>, scalar_prefetch = 0 : i64, scratch_operands = 10 : i64, tpu.core_type = #tpu.core_type<sc_vector_subcore>, window_params = [{transform_indices = #map}, {transform_indices = #map1}, {transform_indices = #map1}, {transform_indices = #map1}, {transform_indices = #map}]} {
    %mul3A = arith.constant 16 : i32
    %mul3A_0 = arith.muli %arg0, %mul3A : i32
    %add3A = arith.addi %mul3A_0, %arg1 : i32
    "tpu.region"() ({
      %run_scoped3A = tpu.sem_alloc : memref<!tpu.dma_semaphore, #tpu.memory_space<semaphore_mem>>
      %dma_start3A_21 = arith.constant 0 : i32
      %dma_start3A_22 = tpu.memref_slice %arg2[%add3A, %dma_start3A_21] : memref<32x40960xi32, #tpu.memory_space<hbm>> -> memref<1x40960xi32, #tpu.memory_space<hbm>>
      %dma_start3A_23 = tpu.memref_squeeze %dma_start3A_22 : memref<1x40960xi32, #tpu.memory_space<hbm>> -> memref<40960xi32, #tpu.memory_space<hbm>>
      %dma_start3A_24 = arith.constant 0 : i32
      %dma_start3A_25 = tpu.memref_slice %arg2[%add3A, %dma_start3A_24] : memref<32x40960xi32, #tpu.memory_space<hbm>> -> memref<1x40960xi32, #tpu.memory_space<hbm>>
      %dma_start3A_26 = tpu.memref_squeeze %dma_start3A_25 : memref<1x40960xi32, #tpu.memory_space<hbm>> -> memref<40960xi32, #tpu.memory_space<hbm>>
      tpu.enqueue_dma source(%dma_start3A_26 : memref<40960xi32, #tpu.memory_space<hbm>>) target(%arg7 : memref<40960xi32, #tpu.memory_space<vmem>>) target_semaphore(%run_scoped3A : memref<!tpu.dma_semaphore, #tpu.memory_space<semaphore_mem>>)
      %dma_wait3A = arith.constant 0 : i32
      %dma_wait3A_27 = tpu.memref_slice %arg2[%add3A, %dma_wait3A] : memref<32x40960xi32, #tpu.memory_space<hbm>> -> memref<1x40960xi32, #tpu.memory_space<hbm>>
      %dma_wait3A_28 = tpu.memref_squeeze %dma_wait3A_27 : memref<1x40960xi32, #tpu.memory_space<hbm>> -> memref<40960xi32, #tpu.memory_space<hbm>>
      %dma_wait3A_29 = arith.constant 0 : i32
      %dma_wait3A_30 = tpu.memref_slice %arg2[%add3A, %dma_wait3A_29] : memref<32x40960xi32, #tpu.memory_space<hbm>> -> memref<1x40960xi32, #tpu.memory_space<hbm>>
      %dma_wait3A_31 = tpu.memref_squeeze %dma_wait3A_30 : memref<1x40960xi32, #tpu.memory_space<hbm>> -> memref<40960xi32, #tpu.memory_space<hbm>>
      tpu.wait_dma2 semaphore(%run_scoped3A : memref<!tpu.dma_semaphore, #tpu.memory_space<semaphore_mem>>) src(%dma_wait3A_31 : memref<40960xi32, #tpu.memory_space<hbm>>) dst(%arg7 : memref<40960xi32, #tpu.memory_space<vmem>>)
      tpu.yield
    }) : () -> ()
    %broadcast_in_dim3A = arith.constant 0.000000e+00 : f32
    %broadcast_in_dim3A_1 = vector.broadcast %broadcast_in_dim3A : f32 to vector<16xf32>
    %parallel_loop3A = arith.constant 0 : i32
    %parallel_loop3A_2 = arith.constant 5120 : i32
    %parallel_loop3A_3 = arith.constant 1 : i32
    scf.for %parallel_loop3A_21 = %parallel_loop3A to %parallel_loop3A_2 step %parallel_loop3A_3  : i32 {
      %parallel_loop3A_22 = arith.constant 16 : i32
      %parallel_loop3A_23 = arith.muli %parallel_loop3A_21, %parallel_loop3A_22 : i32
      %parallel_loop3A_24 = arith.index_cast %parallel_loop3A_23 : i32 to index
      %parallel_loop3A_25 = tpu.vector_load %arg8[%parallel_loop3A_24] {strides = array<i32>} : memref<81920xf32, #tpu.memory_space<vmem>>, vector<16xf32>,
      tpu.vector_store %arg8[%parallel_loop3A_24], %broadcast_in_dim3A_1 {strides = array<i32>} : memref<81920xf32, #tpu.memory_space<vmem>>, vector<16xf32>,
    } {sc.loop_unroll_factor = 4 : i64, sc.parallel_access}
    %dma_start3A = arith.constant 0 : i32
    %dma_start3A_4 = tpu.memref_slice %arg3[%dma_start3A] : memref<163840xi32, #tpu.memory_space<hbm>> -> memref<1024xi32, #tpu.memory_space<hbm>>
    %dma_start3A_5 = arith.constant 0 : i32
    %dma_start3A_6 = tpu.memref_slice %arg3[%dma_start3A_5] : memref<163840xi32, #tpu.memory_space<hbm>> -> memref<1024xi32, #tpu.memory_space<hbm>>
    tpu.enqueue_dma source(%dma_start3A_6 : memref<1024xi32, #tpu.memory_space<hbm>>) target(%arg9 : memref<1024xi32, #tpu.memory_space<vmem>>) target_semaphore(%arg15 : memref<!tpu.dma_semaphore, #tpu.memory_space<semaphore_mem>>)
    %dma_start3A_7 = arith.constant 0 : i32
    %dma_start3A_8 = tpu.memref_slice %arg4[%dma_start3A_7] : memref<163840xi32, #tpu.memory_space<hbm>> -> memref<1024xi32, #tpu.memory_space<hbm>>
    %dma_start3A_9 = arith.constant 0 : i32
    %dma_start3A_10 = tpu.memref_slice %arg4[%dma_start3A_9] : memref<163840xi32, #tpu.memory_space<hbm>> -> memref<1024xi32, #tpu.memory_space<hbm>>
    tpu.enqueue_dma source(%dma_start3A_10 : memref<1024xi32, #tpu.memory_space<hbm>>) target(%arg11 : memref<1024xi32, #tpu.memory_space<vmem>>) target_semaphore(%arg15 : memref<!tpu.dma_semaphore, #tpu.memory_space<semaphore_mem>>)
    %dma_start3A_11 = arith.constant 0 : i32
    %dma_start3A_12 = tpu.memref_slice %arg5[%dma_start3A_11] : memref<163840xf32, #tpu.memory_space<hbm>> -> memref<1024xf32, #tpu.memory_space<hbm>>
    %dma_start3A_13 = arith.constant 0 : i32
    %dma_start3A_14 = tpu.memref_slice %arg5[%dma_start3A_13] : memref<163840xf32, #tpu.memory_space<hbm>> -> memref<1024xf32, #tpu.memory_space<hbm>>
    tpu.enqueue_dma source(%dma_start3A_14 : memref<1024xf32, #tpu.memory_space<hbm>>) target(%arg13 : memref<1024xf32, #tpu.memory_space<vmem>>) target_semaphore(%arg15 : memref<!tpu.dma_semaphore, #tpu.memory_space<semaphore_mem>>)
    %scan3A = arith.constant 0 : i32
    %scan3A_15 = arith.constant 0 : i32
    %scan3A_16 = arith.constant 80 : i32
    %scan3A_17 = arith.addi %scan3A_15, %scan3A_16 : i32
    %scan3A_18 = arith.constant 1 : i32
    %scan3A_19 = scf.for %scan3A_21 = %scan3A_15 to %scan3A_17 step %scan3A_18 iter_args(%scan3A_22 = %scan3A) -> (i32)  : i32 {
      %mul3A_23 = arith.constant 2 : i32
      %mul3A_24 = arith.muli %mul3A_23, %scan3A_21 : i32
      %add3A_25 = arith.constant 1 : i32
      %add3A_26 = arith.addi %mul3A_24, %add3A_25 : i32
      %mul3A_27 = arith.constant 1024 : i32
      %mul3A_28 = arith.muli %add3A_26, %mul3A_27 : i32
      %dma_start3A_29 = tpu.memref_slice %arg3[%mul3A_28] : memref<163840xi32, #tpu.memory_space<hbm>> -> memref<1024xi32, #tpu.memory_space<hbm>>
      %dma_start3A_30 = tpu.memref_slice %arg3[%mul3A_28] : memref<163840xi32, #tpu.memory_space<hbm>> -> memref<1024xi32, #tpu.memory_space<hbm>>
      tpu.enqueue_dma source(%dma_start3A_30 : memref<1024xi32, #tpu.memory_space<hbm>>) target(%arg10 : memref<1024xi32, #tpu.memory_space<vmem>>) target_semaphore(%arg16 : memref<!tpu.dma_semaphore, #tpu.memory_space<semaphore_mem>>)
      %dma_start3A_31 = tpu.memref_slice %arg4[%mul3A_28] : memref<163840xi32, #tpu.memory_space<hbm>> -> memref<1024xi32, #tpu.memory_space<hbm>>
      %dma_start3A_32 = tpu.memref_slice %arg4[%mul3A_28] : memref<163840xi32, #tpu.memory_space<hbm>> -> memref<1024xi32, #tpu.memory_space<hbm>>
      tpu.enqueue_dma source(%dma_start3A_32 : memref<1024xi32, #tpu.memory_space<hbm>>) target(%arg12 : memref<1024xi32, #tpu.memory_space<vmem>>) target_semaphore(%arg16 : memref<!tpu.dma_semaphore, #tpu.memory_space<semaphore_mem>>)
      %dma_start3A_33 = tpu.memref_slice %arg5[%mul3A_28] : memref<163840xf32, #tpu.memory_space<hbm>> -> memref<1024xf32, #tpu.memory_space<hbm>>
      %dma_start3A_34 = tpu.memref_slice %arg5[%mul3A_28] : memref<163840xf32, #tpu.memory_space<hbm>> -> memref<1024xf32, #tpu.memory_space<hbm>>
      tpu.enqueue_dma source(%dma_start3A_34 : memref<1024xf32, #tpu.memory_space<hbm>>) target(%arg14 : memref<1024xf32, #tpu.memory_space<vmem>>) target_semaphore(%arg16 : memref<!tpu.dma_semaphore, #tpu.memory_space<semaphore_mem>>)
      %mul3A_35 = arith.constant 2 : i32
      %mul3A_36 = arith.muli %mul3A_35, %scan3A_21 : i32
      %mul3A_37 = arith.constant 1024 : i32
      %mul3A_38 = arith.muli %mul3A_36, %mul3A_37 : i32
      %dma_wait3A = tpu.memref_slice %arg3[%mul3A_38] : memref<163840xi32, #tpu.memory_space<hbm>> -> memref<1024xi32, #tpu.memory_space<hbm>>
      %dma_wait3A_39 = tpu.memref_slice %arg3[%mul3A_38] : memref<163840xi32, #tpu.memory_space<hbm>> -> memref<1024xi32, #tpu.memory_space<hbm>>
      tpu.wait_dma2 semaphore(%arg15 : memref<!tpu.dma_semaphore, #tpu.memory_space<semaphore_mem>>) src(%dma_wait3A_39 : memref<1024xi32, #tpu.memory_space<hbm>>) dst(%arg9 : memref<1024xi32, #tpu.memory_space<vmem>>)
      %dma_wait3A_40 = tpu.memref_slice %arg4[%mul3A_38] : memref<163840xi32, #tpu.memory_space<hbm>> -> memref<1024xi32, #tpu.memory_space<hbm>>
      %dma_wait3A_41 = tpu.memref_slice %arg4[%mul3A_38] : memref<163840xi32, #tpu.memory_space<hbm>> -> memref<1024xi32, #tpu.memory_space<hbm>>
      tpu.wait_dma2 semaphore(%arg15 : memref<!tpu.dma_semaphore, #tpu.memory_space<semaphore_mem>>) src(%dma_wait3A_41 : memref<1024xi32, #tpu.memory_space<hbm>>) dst(%arg11 : memref<1024xi32, #tpu.memory_space<vmem>>)
      %dma_wait3A_42 = tpu.memref_slice %arg5[%mul3A_38] : memref<163840xf32, #tpu.memory_space<hbm>> -> memref<1024xf32, #tpu.memory_space<hbm>>
      %dma_wait3A_43 = tpu.memref_slice %arg5[%mul3A_38] : memref<163840xf32, #tpu.memory_space<hbm>> -> memref<1024xf32, #tpu.memory_space<hbm>>
      tpu.wait_dma2 semaphore(%arg15 : memref<!tpu.dma_semaphore, #tpu.memory_space<semaphore_mem>>) src(%dma_wait3A_43 : memref<1024xf32, #tpu.memory_space<hbm>>) dst(%arg13 : memref<1024xf32, #tpu.memory_space<vmem>>)
      %parallel_loop3A_44 = arith.constant 0 : i32
      %parallel_loop3A_45 = arith.constant 64 : i32
      %parallel_loop3A_46 = arith.constant 1 : i32
      scf.for %parallel_loop3A_65 = %parallel_loop3A_44 to %parallel_loop3A_45 step %parallel_loop3A_46  : i32 {
        %parallel_loop3A_66 = arith.constant 16 : i32
        %parallel_loop3A_67 = arith.muli %parallel_loop3A_65, %parallel_loop3A_66 : i32
        %parallel_loop3A_68 = arith.index_cast %parallel_loop3A_67 : i32 to index
        %parallel_loop3A_69 = tpu.vector_load %arg9[%parallel_loop3A_68] {strides = array<i32>} : memref<1024xi32, #tpu.memory_space<vmem>>, vector<16xi32>,
        %parallel_loop3A_70 = arith.index_cast %parallel_loop3A_67 : i32 to index
        %parallel_loop3A_71 = tpu.vector_load %arg11[%parallel_loop3A_70] {strides = array<i32>} : memref<1024xi32, #tpu.memory_space<vmem>>, vector<16xi32>,
        %parallel_loop3A_72 = arith.index_cast %parallel_loop3A_67 : i32 to index
        %parallel_loop3A_73 = tpu.vector_load %arg13[%parallel_loop3A_72] {strides = array<i32>} : memref<1024xf32, #tpu.memory_space<vmem>>, vector<16xf32>,
        %parallel_loop3A_74 = arith.constant 0 : i32
        %parallel_loop3A_75 = tpu.memref_slice %arg7[%parallel_loop3A_74] : memref<40960xi32, #tpu.memory_space<vmem>> -> memref<10240xi32, #tpu.memory_space<vmem>>
        %parallel_loop3A_76 = tpu.vector_load_idx %parallel_loop3A_75[%parallel_loop3A_69] : memref<10240xi32, #tpu.memory_space<vmem>>[vector<16xi32>], vector<16xi32>,
        %parallel_loop3A_77 = arith.constant 16 : i32
        %parallel_loop3A_78 = vector.broadcast %parallel_loop3A_77 : i32 to vector<16xi32>
        %parallel_loop3A_79 = arith.shli %parallel_loop3A_76, %parallel_loop3A_78 : vector<16xi32>
        %parallel_loop3A_80 = vector.bitcast %parallel_loop3A_79 : vector<16xi32> to vector<16xf32>
        %parallel_loop3A_81 = arith.constant -65536 : i32
        %parallel_loop3A_82 = vector.broadcast %parallel_loop3A_81 : i32 to vector<16xi32>
        %parallel_loop3A_83 = arith.andi %parallel_loop3A_76, %parallel_loop3A_82 : vector<16xi32>
        %parallel_loop3A_84 = vector.bitcast %parallel_loop3A_83 : vector<16xi32> to vector<16xf32>
        %parallel_loop3A_85 = arith.mulf %parallel_loop3A_80, %parallel_loop3A_73 : vector<16xf32>
        %parallel_loop3A_86 = arith.constant 0 : i32
        %parallel_loop3A_87 = tpu.memref_slice %arg8[%parallel_loop3A_86] : memref<81920xf32, #tpu.memory_space<vmem>> -> memref<10240xf32, #tpu.memory_space<vmem>>
        tpu.vector_store_idx %parallel_loop3A_87[%parallel_loop3A_71], %parallel_loop3A_85 {add = true} : memref<10240xf32, #tpu.memory_space<vmem>>[vector<16xi32>], vector<16xf32>,
        %parallel_loop3A_88 = arith.mulf %parallel_loop3A_84, %parallel_loop3A_73 : vector<16xf32>
        %parallel_loop3A_89 = arith.constant 10240 : i32
        %parallel_loop3A_90 = tpu.memref_slice %arg8[%parallel_loop3A_89] : memref<81920xf32, #tpu.memory_space<vmem>> -> memref<10240xf32, #tpu.memory_space<vmem>>
        tpu.vector_store_idx %parallel_loop3A_90[%parallel_loop3A_71], %parallel_loop3A_88 {add = true} : memref<10240xf32, #tpu.memory_space<vmem>>[vector<16xi32>], vector<16xf32>,
        %parallel_loop3A_91 = arith.constant 10240 : i32
        %parallel_loop3A_92 = tpu.memref_slice %arg7[%parallel_loop3A_91] : memref<40960xi32, #tpu.memory_space<vmem>> -> memref<10240xi32, #tpu.memory_space<vmem>>
        %parallel_loop3A_93 = tpu.vector_load_idx %parallel_loop3A_92[%parallel_loop3A_69] : memref<10240xi32, #tpu.memory_space<vmem>>[vector<16xi32>], vector<16xi32>,
        %parallel_loop3A_94 = arith.constant 16 : i32
        %parallel_loop3A_95 = vector.broadcast %parallel_loop3A_94 : i32 to vector<16xi32>
        %parallel_loop3A_96 = arith.shli %parallel_loop3A_93, %parallel_loop3A_95 : vector<16xi32>
        %parallel_loop3A_97 = vector.bitcast %parallel_loop3A_96 : vector<16xi32> to vector<16xf32>
        %parallel_loop3A_98 = arith.constant -65536 : i32
        %parallel_loop3A_99 = vector.broadcast %parallel_loop3A_98 : i32 to vector<16xi32>
        %parallel_loop3A_100 = arith.andi %parallel_loop3A_93, %parallel_loop3A_99 : vector<16xi32>
        %parallel_loop3A_101 = vector.bitcast %parallel_loop3A_100 : vector<16xi32> to vector<16xf32>
        %parallel_loop3A_102 = arith.mulf %parallel_loop3A_97, %parallel_loop3A_73 : vector<16xf32>
        %parallel_loop3A_103 = arith.constant 20480 : i32
        %parallel_loop3A_104 = tpu.memref_slice %arg8[%parallel_loop3A_103] : memref<81920xf32, #tpu.memory_space<vmem>> -> memref<10240xf32, #tpu.memory_space<vmem>>
        tpu.vector_store_idx %parallel_loop3A_104[%parallel_loop3A_71], %parallel_loop3A_102 {add = true} : memref<10240xf32, #tpu.memory_space<vmem>>[vector<16xi32>], vector<16xf32>,
        %parallel_loop3A_105 = arith.mulf %parallel_loop3A_101, %parallel_loop3A_73 : vector<16xf32>
        %parallel_loop3A_106 = arith.constant 30720 : i32
        %parallel_loop3A_107 = tpu.memref_slice %arg8[%parallel_loop3A_106] : memref<81920xf32, #tpu.memory_space<vmem>> -> memref<10240xf32, #tpu.memory_space<vmem>>
        tpu.vector_store_idx %parallel_loop3A_107[%parallel_loop3A_71], %parallel_loop3A_105 {add = true} : memref<10240xf32, #tpu.memory_space<vmem>>[vector<16xi32>], vector<16xf32>,
        %parallel_loop3A_108 = arith.constant 20480 : i32
        %parallel_loop3A_109 = tpu.memref_slice %arg7[%parallel_loop3A_108] : memref<40960xi32, #tpu.memory_space<vmem>> -> memref<10240xi32, #tpu.memory_space<vmem>>
        %parallel_loop3A_110 = tpu.vector_load_idx %parallel_loop3A_109[%parallel_loop3A_69] : memref<10240xi32, #tpu.memory_space<vmem>>[vector<16xi32>], vector<16xi32>,
        %parallel_loop3A_111 = arith.constant 16 : i32
        %parallel_loop3A_112 = vector.broadcast %parallel_loop3A_111 : i32 to vector<16xi32>
        %parallel_loop3A_113 = arith.shli %parallel_loop3A_110, %parallel_loop3A_112 : vector<16xi32>
        %parallel_loop3A_114 = vector.bitcast %parallel_loop3A_113 : vector<16xi32> to vector<16xf32>
        %parallel_loop3A_115 = arith.constant -65536 : i32
        %parallel_loop3A_116 = vector.broadcast %parallel_loop3A_115 : i32 to vector<16xi32>
        %parallel_loop3A_117 = arith.andi %parallel_loop3A_110, %parallel_loop3A_116 : vector<16xi32>
        %parallel_loop3A_118 = vector.bitcast %parallel_loop3A_117 : vector<16xi32> to vector<16xf32>
        %parallel_loop3A_119 = arith.mulf %parallel_loop3A_114, %parallel_loop3A_73 : vector<16xf32>
        %parallel_loop3A_120 = arith.constant 40960 : i32
        %parallel_loop3A_121 = tpu.memref_slice %arg8[%parallel_loop3A_120] : memref<81920xf32, #tpu.memory_space<vmem>> -> memref<10240xf32, #tpu.memory_space<vmem>>
        tpu.vector_store_idx %parallel_loop3A_121[%parallel_loop3A_71], %parallel_loop3A_119 {add = true} : memref<10240xf32, #tpu.memory_space<vmem>>[vector<16xi32>], vector<16xf32>,
        %parallel_loop3A_122 = arith.mulf %parallel_loop3A_118, %parallel_loop3A_73 : vector<16xf32>
        %parallel_loop3A_123 = arith.constant 51200 : i32
        %parallel_loop3A_124 = tpu.memref_slice %arg8[%parallel_loop3A_123] : memref<81920xf32, #tpu.memory_space<vmem>> -> memref<10240xf32, #tpu.memory_space<vmem>>
        tpu.vector_store_idx %parallel_loop3A_124[%parallel_loop3A_71], %parallel_loop3A_122 {add = true} : memref<10240xf32, #tpu.memory_space<vmem>>[vector<16xi32>], vector<16xf32>,
        %parallel_loop3A_125 = arith.constant 30720 : i32
        %parallel_loop3A_126 = tpu.memref_slice %arg7[%parallel_loop3A_125] : memref<40960xi32, #tpu.memory_space<vmem>> -> memref<10240xi32, #tpu.memory_space<vmem>>
        %parallel_loop3A_127 = tpu.vector_load_idx %parallel_loop3A_126[%parallel_loop3A_69] : memref<10240xi32, #tpu.memory_space<vmem>>[vector<16xi32>], vector<16xi32>,
        %parallel_loop3A_128 = arith.constant 16 : i32
        %parallel_loop3A_129 = vector.broadcast %parallel_loop3A_128 : i32 to vector<16xi32>
        %parallel_loop3A_130 = arith.shli %parallel_loop3A_127, %parallel_loop3A_129 : vector<16xi32>
        %parallel_loop3A_131 = vector.bitcast %parallel_loop3A_130 : vector<16xi32> to vector<16xf32>
        %parallel_loop3A_132 = arith.constant -65536 : i32
        %parallel_loop3A_133 = vector.broadcast %parallel_loop3A_132 : i32 to vector<16xi32>
        %parallel_loop3A_134 = arith.andi %parallel_loop3A_127, %parallel_loop3A_133 : vector<16xi32>
        %parallel_loop3A_135 = vector.bitcast %parallel_loop3A_134 : vector<16xi32> to vector<16xf32>
        %parallel_loop3A_136 = arith.mulf %parallel_loop3A_131, %parallel_loop3A_73 : vector<16xf32>
        %parallel_loop3A_137 = arith.constant 61440 : i32
        %parallel_loop3A_138 = tpu.memref_slice %arg8[%parallel_loop3A_137] : memref<81920xf32, #tpu.memory_space<vmem>> -> memref<10240xf32, #tpu.memory_space<vmem>>
        tpu.vector_store_idx %parallel_loop3A_138[%parallel_loop3A_71], %parallel_loop3A_136 {add = true} : memref<10240xf32, #tpu.memory_space<vmem>>[vector<16xi32>], vector<16xf32>,
        %parallel_loop3A_139 = arith.mulf %parallel_loop3A_135, %parallel_loop3A_73 : vector<16xf32>
        %parallel_loop3A_140 = arith.constant 71680 : i32
        %parallel_loop3A_141 = tpu.memref_slice %arg8[%parallel_loop3A_140] : memref<81920xf32, #tpu.memory_space<vmem>> -> memref<10240xf32, #tpu.memory_space<vmem>>
        tpu.vector_store_idx %parallel_loop3A_141[%parallel_loop3A_71], %parallel_loop3A_139 {add = true} : memref<10240xf32, #tpu.memory_space<vmem>>[vector<16xi32>], vector<16xf32>,
      } {sc.loop_unroll_factor = 4 : i64, sc.parallel_access}
      %lt3A = arith.constant 79 : i32
      %lt3A_47 = arith.cmpi slt, %scan3A_21, %lt3A : i32
      %convert_element_type3A = arith.extui %lt3A_47 : i1 to i32
      %cond3A = arith.constant 0 : i32
      %cond3A_48 = arith.cmpi ne, %convert_element_type3A, %cond3A : i32
      scf.if %cond3A_48 {
        %mul3A_65 = arith.constant 2 : i32
        %mul3A_66 = arith.muli %mul3A_65, %scan3A_21 : i32
        %add3A_67 = arith.constant 2 : i32
        %add3A_68 = arith.addi %mul3A_66, %add3A_67 : i32
        %mul3A_69 = arith.constant 1024 : i32
        %mul3A_70 = arith.muli %add3A_68, %mul3A_69 : i32
        %dma_start3A_71 = tpu.memref_slice %arg3[%mul3A_70] : memref<163840xi32, #tpu.memory_space<hbm>> -> memref<1024xi32, #tpu.memory_space<hbm>>
        %dma_start3A_72 = tpu.memref_slice %arg3[%mul3A_70] : memref<163840xi32, #tpu.memory_space<hbm>> -> memref<1024xi32, #tpu.memory_space<hbm>>
        tpu.enqueue_dma source(%dma_start3A_72 : memref<1024xi32, #tpu.memory_space<hbm>>) target(%arg9 : memref<1024xi32, #tpu.memory_space<vmem>>) target_semaphore(%arg15 : memref<!tpu.dma_semaphore, #tpu.memory_space<semaphore_mem>>)
        %dma_start3A_73 = tpu.memref_slice %arg4[%mul3A_70] : memref<163840xi32, #tpu.memory_space<hbm>> -> memref<1024xi32, #tpu.memory_space<hbm>>
        %dma_start3A_74 = tpu.memref_slice %arg4[%mul3A_70] : memref<163840xi32, #tpu.memory_space<hbm>> -> memref<1024xi32, #tpu.memory_space<hbm>>
        tpu.enqueue_dma source(%dma_start3A_74 : memref<1024xi32, #tpu.memory_space<hbm>>) target(%arg11 : memref<1024xi32, #tpu.memory_space<vmem>>) target_semaphore(%arg15 : memref<!tpu.dma_semaphore, #tpu.memory_space<semaphore_mem>>)
        %dma_start3A_75 = tpu.memref_slice %arg5[%mul3A_70] : memref<163840xf32, #tpu.memory_space<hbm>> -> memref<1024xf32, #tpu.memory_space<hbm>>
        %dma_start3A_76 = tpu.memref_slice %arg5[%mul3A_70] : memref<163840xf32, #tpu.memory_space<hbm>> -> memref<1024xf32, #tpu.memory_space<hbm>>
        tpu.enqueue_dma source(%dma_start3A_76 : memref<1024xf32, #tpu.memory_space<hbm>>) target(%arg13 : memref<1024xf32, #tpu.memory_space<vmem>>) target_semaphore(%arg15 : memref<!tpu.dma_semaphore, #tpu.memory_space<semaphore_mem>>)
      } else {
      }
      %mul3A_49 = arith.constant 2 : i32
      %mul3A_50 = arith.muli %mul3A_49, %scan3A_21 : i32
      %add3A_51 = arith.constant 1 : i32
      %add3A_52 = arith.addi %mul3A_50, %add3A_51 : i32
      %mul3A_53 = arith.constant 1024 : i32
      %mul3A_54 = arith.muli %add3A_52, %mul3A_53 : i32
      %dma_wait3A_55 = tpu.memref_slice %arg3[%mul3A_54] : memref<163840xi32, #tpu.memory_space<hbm>> -> memref<1024xi32, #tpu.memory_space<hbm>>
      %dma_wait3A_56 = tpu.memref_slice %arg3[%mul3A_54] : memref<163840xi32, #tpu.memory_space<hbm>> -> memref<1024xi32, #tpu.memory_space<hbm>>
      tpu.wait_dma2 semaphore(%arg16 : memref<!tpu.dma_semaphore, #tpu.memory_space<semaphore_mem>>) src(%dma_wait3A_56 : memref<1024xi32, #tpu.memory_space<hbm>>) dst(%arg10 : memref<1024xi32, #tpu.memory_space<vmem>>)
      %dma_wait3A_57 = tpu.memref_slice %arg4[%mul3A_54] : memref<163840xi32, #tpu.memory_space<hbm>> -> memref<1024xi32, #tpu.memory_space<hbm>>
      %dma_wait3A_58 = tpu.memref_slice %arg4[%mul3A_54] : memref<163840xi32, #tpu.memory_space<hbm>> -> memref<1024xi32, #tpu.memory_space<hbm>>
      tpu.wait_dma2 semaphore(%arg16 : memref<!tpu.dma_semaphore, #tpu.memory_space<semaphore_mem>>) src(%dma_wait3A_58 : memref<1024xi32, #tpu.memory_space<hbm>>) dst(%arg12 : memref<1024xi32, #tpu.memory_space<vmem>>)
      %dma_wait3A_59 = tpu.memref_slice %arg5[%mul3A_54] : memref<163840xf32, #tpu.memory_space<hbm>> -> memref<1024xf32, #tpu.memory_space<hbm>>
      %dma_wait3A_60 = tpu.memref_slice %arg5[%mul3A_54] : memref<163840xf32, #tpu.memory_space<hbm>> -> memref<1024xf32, #tpu.memory_space<hbm>>
      tpu.wait_dma2 semaphore(%arg16 : memref<!tpu.dma_semaphore, #tpu.memory_space<semaphore_mem>>) src(%dma_wait3A_60 : memref<1024xf32, #tpu.memory_space<hbm>>) dst(%arg14 : memref<1024xf32, #tpu.memory_space<vmem>>)
      %parallel_loop3A_61 = arith.constant 0 : i32
      %parallel_loop3A_62 = arith.constant 64 : i32
      %parallel_loop3A_63 = arith.constant 1 : i32
      scf.for %parallel_loop3A_65 = %parallel_loop3A_61 to %parallel_loop3A_62 step %parallel_loop3A_63  : i32 {
        %parallel_loop3A_66 = arith.constant 16 : i32
        %parallel_loop3A_67 = arith.muli %parallel_loop3A_65, %parallel_loop3A_66 : i32
        %parallel_loop3A_68 = arith.index_cast %parallel_loop3A_67 : i32 to index
        %parallel_loop3A_69 = tpu.vector_load %arg10[%parallel_loop3A_68] {strides = array<i32>} : memref<1024xi32, #tpu.memory_space<vmem>>, vector<16xi32>,
        %parallel_loop3A_70 = arith.index_cast %parallel_loop3A_67 : i32 to index
        %parallel_loop3A_71 = tpu.vector_load %arg12[%parallel_loop3A_70] {strides = array<i32>} : memref<1024xi32, #tpu.memory_space<vmem>>, vector<16xi32>,
        %parallel_loop3A_72 = arith.index_cast %parallel_loop3A_67 : i32 to index
        %parallel_loop3A_73 = tpu.vector_load %arg14[%parallel_loop3A_72] {strides = array<i32>} : memref<1024xf32, #tpu.memory_space<vmem>>, vector<16xf32>,
        %parallel_loop3A_74 = arith.constant 0 : i32
        %parallel_loop3A_75 = tpu.memref_slice %arg7[%parallel_loop3A_74] : memref<40960xi32, #tpu.memory_space<vmem>> -> memref<10240xi32, #tpu.memory_space<vmem>>
        %parallel_loop3A_76 = tpu.vector_load_idx %parallel_loop3A_75[%parallel_loop3A_69] : memref<10240xi32, #tpu.memory_space<vmem>>[vector<16xi32>], vector<16xi32>,
        %parallel_loop3A_77 = arith.constant 16 : i32
        %parallel_loop3A_78 = vector.broadcast %parallel_loop3A_77 : i32 to vector<16xi32>
        %parallel_loop3A_79 = arith.shli %parallel_loop3A_76, %parallel_loop3A_78 : vector<16xi32>
        %parallel_loop3A_80 = vector.bitcast %parallel_loop3A_79 : vector<16xi32> to vector<16xf32>
        %parallel_loop3A_81 = arith.constant -65536 : i32
        %parallel_loop3A_82 = vector.broadcast %parallel_loop3A_81 : i32 to vector<16xi32>
        %parallel_loop3A_83 = arith.andi %parallel_loop3A_76, %parallel_loop3A_82 : vector<16xi32>
        %parallel_loop3A_84 = vector.bitcast %parallel_loop3A_83 : vector<16xi32> to vector<16xf32>
        %parallel_loop3A_85 = arith.mulf %parallel_loop3A_80, %parallel_loop3A_73 : vector<16xf32>
        %parallel_loop3A_86 = arith.constant 0 : i32
        %parallel_loop3A_87 = tpu.memref_slice %arg8[%parallel_loop3A_86] : memref<81920xf32, #tpu.memory_space<vmem>> -> memref<10240xf32, #tpu.memory_space<vmem>>
        tpu.vector_store_idx %parallel_loop3A_87[%parallel_loop3A_71], %parallel_loop3A_85 {add = true} : memref<10240xf32, #tpu.memory_space<vmem>>[vector<16xi32>], vector<16xf32>,
        %parallel_loop3A_88 = arith.mulf %parallel_loop3A_84, %parallel_loop3A_73 : vector<16xf32>
        %parallel_loop3A_89 = arith.constant 10240 : i32
        %parallel_loop3A_90 = tpu.memref_slice %arg8[%parallel_loop3A_89] : memref<81920xf32, #tpu.memory_space<vmem>> -> memref<10240xf32, #tpu.memory_space<vmem>>
        tpu.vector_store_idx %parallel_loop3A_90[%parallel_loop3A_71], %parallel_loop3A_88 {add = true} : memref<10240xf32, #tpu.memory_space<vmem>>[vector<16xi32>], vector<16xf32>,
        %parallel_loop3A_91 = arith.constant 10240 : i32
        %parallel_loop3A_92 = tpu.memref_slice %arg7[%parallel_loop3A_91] : memref<40960xi32, #tpu.memory_space<vmem>> -> memref<10240xi32, #tpu.memory_space<vmem>>
        %parallel_loop3A_93 = tpu.vector_load_idx %parallel_loop3A_92[%parallel_loop3A_69] : memref<10240xi32, #tpu.memory_space<vmem>>[vector<16xi32>], vector<16xi32>,
        %parallel_loop3A_94 = arith.constant 16 : i32
        %parallel_loop3A_95 = vector.broadcast %parallel_loop3A_94 : i32 to vector<16xi32>
        %parallel_loop3A_96 = arith.shli %parallel_loop3A_93, %parallel_loop3A_95 : vector<16xi32>
        %parallel_loop3A_97 = vector.bitcast %parallel_loop3A_96 : vector<16xi32> to vector<16xf32>
        %parallel_loop3A_98 = arith.constant -65536 : i32
        %parallel_loop3A_99 = vector.broadcast %parallel_loop3A_98 : i32 to vector<16xi32>
        %parallel_loop3A_100 = arith.andi %parallel_loop3A_93, %parallel_loop3A_99 : vector<16xi32>
        %parallel_loop3A_101 = vector.bitcast %parallel_loop3A_100 : vector<16xi32> to vector<16xf32>
        %parallel_loop3A_102 = arith.mulf %parallel_loop3A_97, %parallel_loop3A_73 : vector<16xf32>
        %parallel_loop3A_103 = arith.constant 20480 : i32
        %parallel_loop3A_104 = tpu.memref_slice %arg8[%parallel_loop3A_103] : memref<81920xf32, #tpu.memory_space<vmem>> -> memref<10240xf32, #tpu.memory_space<vmem>>
        tpu.vector_store_idx %parallel_loop3A_104[%parallel_loop3A_71], %parallel_loop3A_102 {add = true} : memref<10240xf32, #tpu.memory_space<vmem>>[vector<16xi32>], vector<16xf32>,
        %parallel_loop3A_105 = arith.mulf %parallel_loop3A_101, %parallel_loop3A_73 : vector<16xf32>
        %parallel_loop3A_106 = arith.constant 30720 : i32
        %parallel_loop3A_107 = tpu.memref_slice %arg8[%parallel_loop3A_106] : memref<81920xf32, #tpu.memory_space<vmem>> -> memref<10240xf32, #tpu.memory_space<vmem>>
        tpu.vector_store_idx %parallel_loop3A_107[%parallel_loop3A_71], %parallel_loop3A_105 {add = true} : memref<10240xf32, #tpu.memory_space<vmem>>[vector<16xi32>], vector<16xf32>,
        %parallel_loop3A_108 = arith.constant 20480 : i32
        %parallel_loop3A_109 = tpu.memref_slice %arg7[%parallel_loop3A_108] : memref<40960xi32, #tpu.memory_space<vmem>> -> memref<10240xi32, #tpu.memory_space<vmem>>
        %parallel_loop3A_110 = tpu.vector_load_idx %parallel_loop3A_109[%parallel_loop3A_69] : memref<10240xi32, #tpu.memory_space<vmem>>[vector<16xi32>], vector<16xi32>,
        %parallel_loop3A_111 = arith.constant 16 : i32
        %parallel_loop3A_112 = vector.broadcast %parallel_loop3A_111 : i32 to vector<16xi32>
        %parallel_loop3A_113 = arith.shli %parallel_loop3A_110, %parallel_loop3A_112 : vector<16xi32>
        %parallel_loop3A_114 = vector.bitcast %parallel_loop3A_113 : vector<16xi32> to vector<16xf32>
        %parallel_loop3A_115 = arith.constant -65536 : i32
        %parallel_loop3A_116 = vector.broadcast %parallel_loop3A_115 : i32 to vector<16xi32>
        %parallel_loop3A_117 = arith.andi %parallel_loop3A_110, %parallel_loop3A_116 : vector<16xi32>
        %parallel_loop3A_118 = vector.bitcast %parallel_loop3A_117 : vector<16xi32> to vector<16xf32>
        %parallel_loop3A_119 = arith.mulf %parallel_loop3A_114, %parallel_loop3A_73 : vector<16xf32>
        %parallel_loop3A_120 = arith.constant 40960 : i32
        %parallel_loop3A_121 = tpu.memref_slice %arg8[%parallel_loop3A_120] : memref<81920xf32, #tpu.memory_space<vmem>> -> memref<10240xf32, #tpu.memory_space<vmem>>
        tpu.vector_store_idx %parallel_loop3A_121[%parallel_loop3A_71], %parallel_loop3A_119 {add = true} : memref<10240xf32, #tpu.memory_space<vmem>>[vector<16xi32>], vector<16xf32>,
        %parallel_loop3A_122 = arith.mulf %parallel_loop3A_118, %parallel_loop3A_73 : vector<16xf32>
        %parallel_loop3A_123 = arith.constant 51200 : i32
        %parallel_loop3A_124 = tpu.memref_slice %arg8[%parallel_loop3A_123] : memref<81920xf32, #tpu.memory_space<vmem>> -> memref<10240xf32, #tpu.memory_space<vmem>>
        tpu.vector_store_idx %parallel_loop3A_124[%parallel_loop3A_71], %parallel_loop3A_122 {add = true} : memref<10240xf32, #tpu.memory_space<vmem>>[vector<16xi32>], vector<16xf32>,
        %parallel_loop3A_125 = arith.constant 30720 : i32
        %parallel_loop3A_126 = tpu.memref_slice %arg7[%parallel_loop3A_125] : memref<40960xi32, #tpu.memory_space<vmem>> -> memref<10240xi32, #tpu.memory_space<vmem>>
        %parallel_loop3A_127 = tpu.vector_load_idx %parallel_loop3A_126[%parallel_loop3A_69] : memref<10240xi32, #tpu.memory_space<vmem>>[vector<16xi32>], vector<16xi32>,
        %parallel_loop3A_128 = arith.constant 16 : i32
        %parallel_loop3A_129 = vector.broadcast %parallel_loop3A_128 : i32 to vector<16xi32>
        %parallel_loop3A_130 = arith.shli %parallel_loop3A_127, %parallel_loop3A_129 : vector<16xi32>
        %parallel_loop3A_131 = vector.bitcast %parallel_loop3A_130 : vector<16xi32> to vector<16xf32>
        %parallel_loop3A_132 = arith.constant -65536 : i32
        %parallel_loop3A_133 = vector.broadcast %parallel_loop3A_132 : i32 to vector<16xi32>
        %parallel_loop3A_134 = arith.andi %parallel_loop3A_127, %parallel_loop3A_133 : vector<16xi32>
        %parallel_loop3A_135 = vector.bitcast %parallel_loop3A_134 : vector<16xi32> to vector<16xf32>
        %parallel_loop3A_136 = arith.mulf %parallel_loop3A_131, %parallel_loop3A_73 : vector<16xf32>
        %parallel_loop3A_137 = arith.constant 61440 : i32
        %parallel_loop3A_138 = tpu.memref_slice %arg8[%parallel_loop3A_137] : memref<81920xf32, #tpu.memory_space<vmem>> -> memref<10240xf32, #tpu.memory_space<vmem>>
        tpu.vector_store_idx %parallel_loop3A_138[%parallel_loop3A_71], %parallel_loop3A_136 {add = true} : memref<10240xf32, #tpu.memory_space<vmem>>[vector<16xi32>], vector<16xf32>,
        %parallel_loop3A_139 = arith.mulf %parallel_loop3A_135, %parallel_loop3A_73 : vector<16xf32>
        %parallel_loop3A_140 = arith.constant 71680 : i32
        %parallel_loop3A_141 = tpu.memref_slice %arg8[%parallel_loop3A_140] : memref<81920xf32, #tpu.memory_space<vmem>> -> memref<10240xf32, #tpu.memory_space<vmem>>
        tpu.vector_store_idx %parallel_loop3A_141[%parallel_loop3A_71], %parallel_loop3A_139 {add = true} : memref<10240xf32, #tpu.memory_space<vmem>>[vector<16xi32>], vector<16xf32>,
      } {sc.loop_unroll_factor = 4 : i64, sc.parallel_access}
      %scan3A_64 = arith.constant 0 : i32
      scf.yield %scan3A_64 : i32
    }
    %scan3A_20 = arith.constant 80 : i32
    "tpu.region"() ({
      %run_scoped3A = tpu.sem_alloc : memref<!tpu.dma_semaphore, #tpu.memory_space<semaphore_mem>>
      %dma_start3A_21 = arith.constant 0 : i32
      %dma_start3A_22 = tpu.memref_slice %arg6[%add3A, %dma_start3A_21] : memref<32x81920xf32, #tpu.memory_space<hbm>> -> memref<1x81920xf32, #tpu.memory_space<hbm>>
      %dma_start3A_23 = tpu.memref_squeeze %dma_start3A_22 : memref<1x81920xf32, #tpu.memory_space<hbm>> -> memref<81920xf32, #tpu.memory_space<hbm>>
      %dma_start3A_24 = arith.constant 0 : i32
      %dma_start3A_25 = tpu.memref_slice %arg6[%add3A, %dma_start3A_24] : memref<32x81920xf32, #tpu.memory_space<hbm>> -> memref<1x81920xf32, #tpu.memory_space<hbm>>
      %dma_start3A_26 = tpu.memref_squeeze %dma_start3A_25 : memref<1x81920xf32, #tpu.memory_space<hbm>> -> memref<81920xf32, #tpu.memory_space<hbm>>
      tpu.enqueue_dma source(%arg8 : memref<81920xf32, #tpu.memory_space<vmem>>) target(%dma_start3A_26 : memref<81920xf32, #tpu.memory_space<hbm>>) target_semaphore(%run_scoped3A : memref<!tpu.dma_semaphore, #tpu.memory_space<semaphore_mem>>)
      %dma_wait3A = arith.constant 0 : i32
      %dma_wait3A_27 = tpu.memref_slice %arg6[%add3A, %dma_wait3A] : memref<32x81920xf32, #tpu.memory_space<hbm>> -> memref<1x81920xf32, #tpu.memory_space<hbm>>
      %dma_wait3A_28 = tpu.memref_squeeze %dma_wait3A_27 : memref<1x81920xf32, #tpu.memory_space<hbm>> -> memref<81920xf32, #tpu.memory_space<hbm>>
      %dma_wait3A_29 = arith.constant 0 : i32
      %dma_wait3A_30 = tpu.memref_slice %arg6[%add3A, %dma_wait3A_29] : memref<32x81920xf32, #tpu.memory_space<hbm>> -> memref<1x81920xf32, #tpu.memory_space<hbm>>
      %dma_wait3A_31 = tpu.memref_squeeze %dma_wait3A_30 : memref<1x81920xf32, #tpu.memory_space<hbm>> -> memref<81920xf32, #tpu.memory_space<hbm>>
      tpu.wait_dma2 semaphore(%run_scoped3A : memref<!tpu.dma_semaphore, #tpu.memory_space<semaphore_mem>>) src(%arg8 : memref<81920xf32, #tpu.memory_space<vmem>>) dst(%dma_wait3A_31 : memref<81920xf32, #tpu.memory_space<hbm>>)
      tpu.yield
    }) : () -> ()
    return
  }
}

#map = affine_map<(d0, d1) -> (0, 0)>
#map1 = affine_map<(d0, d1) -> (0)>
module attributes {stable_mosaic.version = 14 : i64} {
  func.func @_sc_agg_body(%arg0: i32, %arg1: i32, %arg2: memref<32x40960xi32, #tpu.memory_space<hbm>>, %arg3: memref<163840xi32, #tpu.memory_space<hbm>>, %arg4: memref<163840xi32, #tpu.memory_space<hbm>>, %arg5: memref<163840xf32, #tpu.memory_space<hbm>>, %arg6: memref<32x81920xf32, #tpu.memory_space<hbm>>, %arg7: memref<40960xi32, #tpu.memory_space<vmem>>, %arg8: memref<81920xf32, #tpu.memory_space<vmem>>, %arg9: memref<1024xi32, #tpu.memory_space<vmem>>, %arg10: memref<1024xi32, #tpu.memory_space<vmem>>, %arg11: memref<1024xi32, #tpu.memory_space<vmem>>, %arg12: memref<1024xi32, #tpu.memory_space<vmem>>, %arg13: memref<1024xf32, #tpu.memory_space<vmem>>, %arg14: memref<1024xf32, #tpu.memory_space<vmem>>, %arg15: memref<!tpu.dma_semaphore, #tpu.memory_space<semaphore_mem>>, %arg16: memref<!tpu.dma_semaphore, #tpu.memory_space<semaphore_mem>>) attributes {dimension_semantics = [#tpu.dimension_semantics<core_parallel>, #tpu.dimension_semantics<subcore_parallel>], iteration_bounds = array<i64: 2, 16>, scalar_prefetch = 0 : i64, scratch_operands = 10 : i64, tpu.core_type = #tpu.core_type<sc_vector_subcore>, window_params = [{transform_indices = #map}, {transform_indices = #map1}, {transform_indices = #map1}, {transform_indices = #map1}, {transform_indices = #map}]} {
    %mul3A = arith.constant 16 : i32
    %mul3A_0 = arith.muli %arg0, %mul3A : i32
    %add3A = arith.addi %mul3A_0, %arg1 : i32
    "tpu.region"() ({
      %run_scoped3A = tpu.sem_alloc : memref<!tpu.dma_semaphore, #tpu.memory_space<semaphore_mem>>
      %dma_start3A_21 = arith.constant 0 : i32
      %dma_start3A_22 = tpu.memref_slice %arg2[%add3A, %dma_start3A_21] : memref<32x40960xi32, #tpu.memory_space<hbm>> -> memref<1x40960xi32, #tpu.memory_space<hbm>>
      %dma_start3A_23 = tpu.memref_squeeze %dma_start3A_22 : memref<1x40960xi32, #tpu.memory_space<hbm>> -> memref<40960xi32, #tpu.memory_space<hbm>>
      %dma_start3A_24 = arith.constant 0 : i32
      %dma_start3A_25 = tpu.memref_slice %arg2[%add3A, %dma_start3A_24] : memref<32x40960xi32, #tpu.memory_space<hbm>> -> memref<1x40960xi32, #tpu.memory_space<hbm>>
      %dma_start3A_26 = tpu.memref_squeeze %dma_start3A_25 : memref<1x40960xi32, #tpu.memory_space<hbm>> -> memref<40960xi32, #tpu.memory_space<hbm>>
      tpu.enqueue_dma source(%dma_start3A_26 : memref<40960xi32, #tpu.memory_space<hbm>>) target(%arg7 : memref<40960xi32, #tpu.memory_space<vmem>>) target_semaphore(%run_scoped3A : memref<!tpu.dma_semaphore, #tpu.memory_space<semaphore_mem>>)
      %dma_wait3A = arith.constant 0 : i32
      %dma_wait3A_27 = tpu.memref_slice %arg2[%add3A, %dma_wait3A] : memref<32x40960xi32, #tpu.memory_space<hbm>> -> memref<1x40960xi32, #tpu.memory_space<hbm>>
      %dma_wait3A_28 = tpu.memref_squeeze %dma_wait3A_27 : memref<1x40960xi32, #tpu.memory_space<hbm>> -> memref<40960xi32, #tpu.memory_space<hbm>>
      %dma_wait3A_29 = arith.constant 0 : i32
      %dma_wait3A_30 = tpu.memref_slice %arg2[%add3A, %dma_wait3A_29] : memref<32x40960xi32, #tpu.memory_space<hbm>> -> memref<1x40960xi32, #tpu.memory_space<hbm>>
      %dma_wait3A_31 = tpu.memref_squeeze %dma_wait3A_30 : memref<1x40960xi32, #tpu.memory_space<hbm>> -> memref<40960xi32, #tpu.memory_space<hbm>>
      tpu.wait_dma2 semaphore(%run_scoped3A : memref<!tpu.dma_semaphore, #tpu.memory_space<semaphore_mem>>) src(%dma_wait3A_31 : memref<40960xi32, #tpu.memory_space<hbm>>) dst(%arg7 : memref<40960xi32, #tpu.memory_space<vmem>>)
      tpu.yield
    }) : () -> ()
    %broadcast_in_dim3A = arith.constant 0.000000e+00 : f32
    %broadcast_in_dim3A_1 = vector.broadcast %broadcast_in_dim3A : f32 to vector<16xf32>
    %parallel_loop3A = arith.constant 0 : i32
    %parallel_loop3A_2 = arith.constant 5120 : i32
    %parallel_loop3A_3 = arith.constant 1 : i32
    scf.for %parallel_loop3A_21 = %parallel_loop3A to %parallel_loop3A_2 step %parallel_loop3A_3  : i32 {
      %parallel_loop3A_22 = arith.constant 16 : i32
      %parallel_loop3A_23 = arith.muli %parallel_loop3A_21, %parallel_loop3A_22 : i32
      %parallel_loop3A_24 = arith.index_cast %parallel_loop3A_23 : i32 to index
      %parallel_loop3A_25 = tpu.vector_load %arg8[%parallel_loop3A_24] {strides = array<i32>} : memref<81920xf32, #tpu.memory_space<vmem>>, vector<16xf32>,
      tpu.vector_store %arg8[%parallel_loop3A_24], %broadcast_in_dim3A_1 {strides = array<i32>} : memref<81920xf32, #tpu.memory_space<vmem>>, vector<16xf32>,
    } {sc.loop_unroll_factor = 4 : i64, sc.parallel_access}
    %dma_start3A = arith.constant 0 : i32
    %dma_start3A_4 = tpu.memref_slice %arg3[%dma_start3A] : memref<163840xi32, #tpu.memory_space<hbm>> -> memref<1024xi32, #tpu.memory_space<hbm>>
    %dma_start3A_5 = arith.constant 0 : i32
    %dma_start3A_6 = tpu.memref_slice %arg3[%dma_start3A_5] : memref<163840xi32, #tpu.memory_space<hbm>> -> memref<1024xi32, #tpu.memory_space<hbm>>
    tpu.enqueue_dma source(%dma_start3A_6 : memref<1024xi32, #tpu.memory_space<hbm>>) target(%arg9 : memref<1024xi32, #tpu.memory_space<vmem>>) target_semaphore(%arg15 : memref<!tpu.dma_semaphore, #tpu.memory_space<semaphore_mem>>)
    %dma_start3A_7 = arith.constant 0 : i32
    %dma_start3A_8 = tpu.memref_slice %arg4[%dma_start3A_7] : memref<163840xi32, #tpu.memory_space<hbm>> -> memref<1024xi32, #tpu.memory_space<hbm>>
    %dma_start3A_9 = arith.constant 0 : i32
    %dma_start3A_10 = tpu.memref_slice %arg4[%dma_start3A_9] : memref<163840xi32, #tpu.memory_space<hbm>> -> memref<1024xi32, #tpu.memory_space<hbm>>
    tpu.enqueue_dma source(%dma_start3A_10 : memref<1024xi32, #tpu.memory_space<hbm>>) target(%arg11 : memref<1024xi32, #tpu.memory_space<vmem>>) target_semaphore(%arg15 : memref<!tpu.dma_semaphore, #tpu.memory_space<semaphore_mem>>)
    %dma_start3A_11 = arith.constant 0 : i32
    %dma_start3A_12 = tpu.memref_slice %arg5[%dma_start3A_11] : memref<163840xf32, #tpu.memory_space<hbm>> -> memref<1024xf32, #tpu.memory_space<hbm>>
    %dma_start3A_13 = arith.constant 0 : i32
    %dma_start3A_14 = tpu.memref_slice %arg5[%dma_start3A_13] : memref<163840xf32, #tpu.memory_space<hbm>> -> memref<1024xf32, #tpu.memory_space<hbm>>
    tpu.enqueue_dma source(%dma_start3A_14 : memref<1024xf32, #tpu.memory_space<hbm>>) target(%arg13 : memref<1024xf32, #tpu.memory_space<vmem>>) target_semaphore(%arg15 : memref<!tpu.dma_semaphore, #tpu.memory_space<semaphore_mem>>)
    %scan3A = arith.constant 0 : i32
    %scan3A_15 = arith.constant 0 : i32
    %scan3A_16 = arith.constant 80 : i32
    %scan3A_17 = arith.addi %scan3A_15, %scan3A_16 : i32
    %scan3A_18 = arith.constant 1 : i32
    %scan3A_19 = scf.for %scan3A_21 = %scan3A_15 to %scan3A_17 step %scan3A_18 iter_args(%scan3A_22 = %scan3A) -> (i32)  : i32 {
      %mul3A_23 = arith.constant 2 : i32
      %mul3A_24 = arith.muli %mul3A_23, %scan3A_21 : i32
      %add3A_25 = arith.constant 1 : i32
      %add3A_26 = arith.addi %mul3A_24, %add3A_25 : i32
      %mul3A_27 = arith.constant 1024 : i32
      %mul3A_28 = arith.muli %add3A_26, %mul3A_27 : i32
      %dma_start3A_29 = tpu.memref_slice %arg3[%mul3A_28] : memref<163840xi32, #tpu.memory_space<hbm>> -> memref<1024xi32, #tpu.memory_space<hbm>>
      %dma_start3A_30 = tpu.memref_slice %arg3[%mul3A_28] : memref<163840xi32, #tpu.memory_space<hbm>> -> memref<1024xi32, #tpu.memory_space<hbm>>
      tpu.enqueue_dma source(%dma_start3A_30 : memref<1024xi32, #tpu.memory_space<hbm>>) target(%arg10 : memref<1024xi32, #tpu.memory_space<vmem>>) target_semaphore(%arg16 : memref<!tpu.dma_semaphore, #tpu.memory_space<semaphore_mem>>)
      %dma_start3A_31 = tpu.memref_slice %arg4[%mul3A_28] : memref<163840xi32, #tpu.memory_space<hbm>> -> memref<1024xi32, #tpu.memory_space<hbm>>
      %dma_start3A_32 = tpu.memref_slice %arg4[%mul3A_28] : memref<163840xi32, #tpu.memory_space<hbm>> -> memref<1024xi32, #tpu.memory_space<hbm>>
      tpu.enqueue_dma source(%dma_start3A_32 : memref<1024xi32, #tpu.memory_space<hbm>>) target(%arg12 : memref<1024xi32, #tpu.memory_space<vmem>>) target_semaphore(%arg16 : memref<!tpu.dma_semaphore, #tpu.memory_space<semaphore_mem>>)
      %dma_start3A_33 = tpu.memref_slice %arg5[%mul3A_28] : memref<163840xf32, #tpu.memory_space<hbm>> -> memref<1024xf32, #tpu.memory_space<hbm>>
      %dma_start3A_34 = tpu.memref_slice %arg5[%mul3A_28] : memref<163840xf32, #tpu.memory_space<hbm>> -> memref<1024xf32, #tpu.memory_space<hbm>>
      tpu.enqueue_dma source(%dma_start3A_34 : memref<1024xf32, #tpu.memory_space<hbm>>) target(%arg14 : memref<1024xf32, #tpu.memory_space<vmem>>) target_semaphore(%arg16 : memref<!tpu.dma_semaphore, #tpu.memory_space<semaphore_mem>>)
      %mul3A_35 = arith.constant 2 : i32
      %mul3A_36 = arith.muli %mul3A_35, %scan3A_21 : i32
      %mul3A_37 = arith.constant 1024 : i32
      %mul3A_38 = arith.muli %mul3A_36, %mul3A_37 : i32
      %dma_wait3A = tpu.memref_slice %arg3[%mul3A_38] : memref<163840xi32, #tpu.memory_space<hbm>> -> memref<1024xi32, #tpu.memory_space<hbm>>
      %dma_wait3A_39 = tpu.memref_slice %arg3[%mul3A_38] : memref<163840xi32, #tpu.memory_space<hbm>> -> memref<1024xi32, #tpu.memory_space<hbm>>
      tpu.wait_dma2 semaphore(%arg15 : memref<!tpu.dma_semaphore, #tpu.memory_space<semaphore_mem>>) src(%dma_wait3A_39 : memref<1024xi32, #tpu.memory_space<hbm>>) dst(%arg9 : memref<1024xi32, #tpu.memory_space<vmem>>)
      %dma_wait3A_40 = tpu.memref_slice %arg4[%mul3A_38] : memref<163840xi32, #tpu.memory_space<hbm>> -> memref<1024xi32, #tpu.memory_space<hbm>>
      %dma_wait3A_41 = tpu.memref_slice %arg4[%mul3A_38] : memref<163840xi32, #tpu.memory_space<hbm>> -> memref<1024xi32, #tpu.memory_space<hbm>>
      tpu.wait_dma2 semaphore(%arg15 : memref<!tpu.dma_semaphore, #tpu.memory_space<semaphore_mem>>) src(%dma_wait3A_41 : memref<1024xi32, #tpu.memory_space<hbm>>) dst(%arg11 : memref<1024xi32, #tpu.memory_space<vmem>>)
      %dma_wait3A_42 = tpu.memref_slice %arg5[%mul3A_38] : memref<163840xf32, #tpu.memory_space<hbm>> -> memref<1024xf32, #tpu.memory_space<hbm>>
      %dma_wait3A_43 = tpu.memref_slice %arg5[%mul3A_38] : memref<163840xf32, #tpu.memory_space<hbm>> -> memref<1024xf32, #tpu.memory_space<hbm>>
      tpu.wait_dma2 semaphore(%arg15 : memref<!tpu.dma_semaphore, #tpu.memory_space<semaphore_mem>>) src(%dma_wait3A_43 : memref<1024xf32, #tpu.memory_space<hbm>>) dst(%arg13 : memref<1024xf32, #tpu.memory_space<vmem>>)
      %parallel_loop3A_44 = arith.constant 0 : i32
      %parallel_loop3A_45 = arith.constant 64 : i32
      %parallel_loop3A_46 = arith.constant 1 : i32
      scf.for %parallel_loop3A_65 = %parallel_loop3A_44 to %parallel_loop3A_45 step %parallel_loop3A_46  : i32 {
        %parallel_loop3A_66 = arith.constant 16 : i32
        %parallel_loop3A_67 = arith.muli %parallel_loop3A_65, %parallel_loop3A_66 : i32
        %parallel_loop3A_68 = arith.index_cast %parallel_loop3A_67 : i32 to index
        %parallel_loop3A_69 = tpu.vector_load %arg9[%parallel_loop3A_68] {strides = array<i32>} : memref<1024xi32, #tpu.memory_space<vmem>>, vector<16xi32>,
        %parallel_loop3A_70 = arith.index_cast %parallel_loop3A_67 : i32 to index
        %parallel_loop3A_71 = tpu.vector_load %arg11[%parallel_loop3A_70] {strides = array<i32>} : memref<1024xi32, #tpu.memory_space<vmem>>, vector<16xi32>,
        %parallel_loop3A_72 = arith.index_cast %parallel_loop3A_67 : i32 to index
        %parallel_loop3A_73 = tpu.vector_load %arg13[%parallel_loop3A_72] {strides = array<i32>} : memref<1024xf32, #tpu.memory_space<vmem>>, vector<16xf32>,
        %parallel_loop3A_74 = arith.constant 0 : i32
        %parallel_loop3A_75 = tpu.memref_slice %arg7[%parallel_loop3A_74] : memref<40960xi32, #tpu.memory_space<vmem>> -> memref<10240xi32, #tpu.memory_space<vmem>>
        %parallel_loop3A_76 = tpu.vector_load_idx %parallel_loop3A_75[%parallel_loop3A_69] : memref<10240xi32, #tpu.memory_space<vmem>>[vector<16xi32>], vector<16xi32>,
        %parallel_loop3A_77 = arith.constant 16 : i32
        %parallel_loop3A_78 = vector.broadcast %parallel_loop3A_77 : i32 to vector<16xi32>
        %parallel_loop3A_79 = arith.shli %parallel_loop3A_76, %parallel_loop3A_78 : vector<16xi32>
        %parallel_loop3A_80 = vector.bitcast %parallel_loop3A_79 : vector<16xi32> to vector<16xf32>
        %parallel_loop3A_81 = arith.constant -65536 : i32
        %parallel_loop3A_82 = vector.broadcast %parallel_loop3A_81 : i32 to vector<16xi32>
        %parallel_loop3A_83 = arith.andi %parallel_loop3A_76, %parallel_loop3A_82 : vector<16xi32>
        %parallel_loop3A_84 = vector.bitcast %parallel_loop3A_83 : vector<16xi32> to vector<16xf32>
        %parallel_loop3A_85 = arith.mulf %parallel_loop3A_80, %parallel_loop3A_73 : vector<16xf32>
        %parallel_loop3A_86 = arith.constant 0 : i32
        %parallel_loop3A_87 = tpu.memref_slice %arg8[%parallel_loop3A_86] : memref<81920xf32, #tpu.memory_space<vmem>> -> memref<10240xf32, #tpu.memory_space<vmem>>
        tpu.vector_store_idx %parallel_loop3A_87[%parallel_loop3A_71], %parallel_loop3A_85 {add = true} : memref<10240xf32, #tpu.memory_space<vmem>>[vector<16xi32>], vector<16xf32>,
        %parallel_loop3A_88 = arith.mulf %parallel_loop3A_84, %parallel_loop3A_73 : vector<16xf32>
        %parallel_loop3A_89 = arith.constant 10240 : i32
        %parallel_loop3A_90 = tpu.memref_slice %arg8[%parallel_loop3A_89] : memref<81920xf32, #tpu.memory_space<vmem>> -> memref<10240xf32, #tpu.memory_space<vmem>>
        tpu.vector_store_idx %parallel_loop3A_90[%parallel_loop3A_71], %parallel_loop3A_88 {add = true} : memref<10240xf32, #tpu.memory_space<vmem>>[vector<16xi32>], vector<16xf32>,
        %parallel_loop3A_91 = arith.constant 10240 : i32
        %parallel_loop3A_92 = tpu.memref_slice %arg7[%parallel_loop3A_91] : memref<40960xi32, #tpu.memory_space<vmem>> -> memref<10240xi32, #tpu.memory_space<vmem>>
        %parallel_loop3A_93 = tpu.vector_load_idx %parallel_loop3A_92[%parallel_loop3A_69] : memref<10240xi32, #tpu.memory_space<vmem>>[vector<16xi32>], vector<16xi32>,
        %parallel_loop3A_94 = arith.constant 16 : i32
        %parallel_loop3A_95 = vector.broadcast %parallel_loop3A_94 : i32 to vector<16xi32>
        %parallel_loop3A_96 = arith.shli %parallel_loop3A_93, %parallel_loop3A_95 : vector<16xi32>
        %parallel_loop3A_97 = vector.bitcast %parallel_loop3A_96 : vector<16xi32> to vector<16xf32>
        %parallel_loop3A_98 = arith.constant -65536 : i32
        %parallel_loop3A_99 = vector.broadcast %parallel_loop3A_98 : i32 to vector<16xi32>
        %parallel_loop3A_100 = arith.andi %parallel_loop3A_93, %parallel_loop3A_99 : vector<16xi32>
        %parallel_loop3A_101 = vector.bitcast %parallel_loop3A_100 : vector<16xi32> to vector<16xf32>
        %parallel_loop3A_102 = arith.mulf %parallel_loop3A_97, %parallel_loop3A_73 : vector<16xf32>
        %parallel_loop3A_103 = arith.constant 20480 : i32
        %parallel_loop3A_104 = tpu.memref_slice %arg8[%parallel_loop3A_103] : memref<81920xf32, #tpu.memory_space<vmem>> -> memref<10240xf32, #tpu.memory_space<vmem>>
        tpu.vector_store_idx %parallel_loop3A_104[%parallel_loop3A_71], %parallel_loop3A_102 {add = true} : memref<10240xf32, #tpu.memory_space<vmem>>[vector<16xi32>], vector<16xf32>,
        %parallel_loop3A_105 = arith.mulf %parallel_loop3A_101, %parallel_loop3A_73 : vector<16xf32>
        %parallel_loop3A_106 = arith.constant 30720 : i32
        %parallel_loop3A_107 = tpu.memref_slice %arg8[%parallel_loop3A_106] : memref<81920xf32, #tpu.memory_space<vmem>> -> memref<10240xf32, #tpu.memory_space<vmem>>
        tpu.vector_store_idx %parallel_loop3A_107[%parallel_loop3A_71], %parallel_loop3A_105 {add = true} : memref<10240xf32, #tpu.memory_space<vmem>>[vector<16xi32>], vector<16xf32>,
        %parallel_loop3A_108 = arith.constant 20480 : i32
        %parallel_loop3A_109 = tpu.memref_slice %arg7[%parallel_loop3A_108] : memref<40960xi32, #tpu.memory_space<vmem>> -> memref<10240xi32, #tpu.memory_space<vmem>>
        %parallel_loop3A_110 = tpu.vector_load_idx %parallel_loop3A_109[%parallel_loop3A_69] : memref<10240xi32, #tpu.memory_space<vmem>>[vector<16xi32>], vector<16xi32>,
        %parallel_loop3A_111 = arith.constant 16 : i32
        %parallel_loop3A_112 = vector.broadcast %parallel_loop3A_111 : i32 to vector<16xi32>
        %parallel_loop3A_113 = arith.shli %parallel_loop3A_110, %parallel_loop3A_112 : vector<16xi32>
        %parallel_loop3A_114 = vector.bitcast %parallel_loop3A_113 : vector<16xi32> to vector<16xf32>
        %parallel_loop3A_115 = arith.constant -65536 : i32
        %parallel_loop3A_116 = vector.broadcast %parallel_loop3A_115 : i32 to vector<16xi32>
        %parallel_loop3A_117 = arith.andi %parallel_loop3A_110, %parallel_loop3A_116 : vector<16xi32>
        %parallel_loop3A_118 = vector.bitcast %parallel_loop3A_117 : vector<16xi32> to vector<16xf32>
        %parallel_loop3A_119 = arith.mulf %parallel_loop3A_114, %parallel_loop3A_73 : vector<16xf32>
        %parallel_loop3A_120 = arith.constant 40960 : i32
        %parallel_loop3A_121 = tpu.memref_slice %arg8[%parallel_loop3A_120] : memref<81920xf32, #tpu.memory_space<vmem>> -> memref<10240xf32, #tpu.memory_space<vmem>>
        tpu.vector_store_idx %parallel_loop3A_121[%parallel_loop3A_71], %parallel_loop3A_119 {add = true} : memref<10240xf32, #tpu.memory_space<vmem>>[vector<16xi32>], vector<16xf32>,
        %parallel_loop3A_122 = arith.mulf %parallel_loop3A_118, %parallel_loop3A_73 : vector<16xf32>
        %parallel_loop3A_123 = arith.constant 51200 : i32
        %parallel_loop3A_124 = tpu.memref_slice %arg8[%parallel_loop3A_123] : memref<81920xf32, #tpu.memory_space<vmem>> -> memref<10240xf32, #tpu.memory_space<vmem>>
        tpu.vector_store_idx %parallel_loop3A_124[%parallel_loop3A_71], %parallel_loop3A_122 {add = true} : memref<10240xf32, #tpu.memory_space<vmem>>[vector<16xi32>], vector<16xf32>,
        %parallel_loop3A_125 = arith.constant 30720 : i32
        %parallel_loop3A_126 = tpu.memref_slice %arg7[%parallel_loop3A_125] : memref<40960xi32, #tpu.memory_space<vmem>> -> memref<10240xi32, #tpu.memory_space<vmem>>
        %parallel_loop3A_127 = tpu.vector_load_idx %parallel_loop3A_126[%parallel_loop3A_69] : memref<10240xi32, #tpu.memory_space<vmem>>[vector<16xi32>], vector<16xi32>,
        %parallel_loop3A_128 = arith.constant 16 : i32
        %parallel_loop3A_129 = vector.broadcast %parallel_loop3A_128 : i32 to vector<16xi32>
        %parallel_loop3A_130 = arith.shli %parallel_loop3A_127, %parallel_loop3A_129 : vector<16xi32>
        %parallel_loop3A_131 = vector.bitcast %parallel_loop3A_130 : vector<16xi32> to vector<16xf32>
        %parallel_loop3A_132 = arith.constant -65536 : i32
        %parallel_loop3A_133 = vector.broadcast %parallel_loop3A_132 : i32 to vector<16xi32>
        %parallel_loop3A_134 = arith.andi %parallel_loop3A_127, %parallel_loop3A_133 : vector<16xi32>
        %parallel_loop3A_135 = vector.bitcast %parallel_loop3A_134 : vector<16xi32> to vector<16xf32>
        %parallel_loop3A_136 = arith.mulf %parallel_loop3A_131, %parallel_loop3A_73 : vector<16xf32>
        %parallel_loop3A_137 = arith.constant 61440 : i32
        %parallel_loop3A_138 = tpu.memref_slice %arg8[%parallel_loop3A_137] : memref<81920xf32, #tpu.memory_space<vmem>> -> memref<10240xf32, #tpu.memory_space<vmem>>
        tpu.vector_store_idx %parallel_loop3A_138[%parallel_loop3A_71], %parallel_loop3A_136 {add = true} : memref<10240xf32, #tpu.memory_space<vmem>>[vector<16xi32>], vector<16xf32>,
        %parallel_loop3A_139 = arith.mulf %parallel_loop3A_135, %parallel_loop3A_73 : vector<16xf32>
        %parallel_loop3A_140 = arith.constant 71680 : i32
        %parallel_loop3A_141 = tpu.memref_slice %arg8[%parallel_loop3A_140] : memref<81920xf32, #tpu.memory_space<vmem>> -> memref<10240xf32, #tpu.memory_space<vmem>>
        tpu.vector_store_idx %parallel_loop3A_141[%parallel_loop3A_71], %parallel_loop3A_139 {add = true} : memref<10240xf32, #tpu.memory_space<vmem>>[vector<16xi32>], vector<16xf32>,
      } {sc.loop_unroll_factor = 4 : i64, sc.parallel_access}
      %lt3A = arith.constant 79 : i32
      %lt3A_47 = arith.cmpi slt, %scan3A_21, %lt3A : i32
      %convert_element_type3A = arith.extui %lt3A_47 : i1 to i32
      %cond3A = arith.constant 0 : i32
      %cond3A_48 = arith.cmpi ne, %convert_element_type3A, %cond3A : i32
      scf.if %cond3A_48 {
        %mul3A_65 = arith.constant 2 : i32
        %mul3A_66 = arith.muli %mul3A_65, %scan3A_21 : i32
        %add3A_67 = arith.constant 2 : i32
        %add3A_68 = arith.addi %mul3A_66, %add3A_67 : i32
        %mul3A_69 = arith.constant 1024 : i32
        %mul3A_70 = arith.muli %add3A_68, %mul3A_69 : i32
        %dma_start3A_71 = tpu.memref_slice %arg3[%mul3A_70] : memref<163840xi32, #tpu.memory_space<hbm>> -> memref<1024xi32, #tpu.memory_space<hbm>>
        %dma_start3A_72 = tpu.memref_slice %arg3[%mul3A_70] : memref<163840xi32, #tpu.memory_space<hbm>> -> memref<1024xi32, #tpu.memory_space<hbm>>
        tpu.enqueue_dma source(%dma_start3A_72 : memref<1024xi32, #tpu.memory_space<hbm>>) target(%arg9 : memref<1024xi32, #tpu.memory_space<vmem>>) target_semaphore(%arg15 : memref<!tpu.dma_semaphore, #tpu.memory_space<semaphore_mem>>)
        %dma_start3A_73 = tpu.memref_slice %arg4[%mul3A_70] : memref<163840xi32, #tpu.memory_space<hbm>> -> memref<1024xi32, #tpu.memory_space<hbm>>
        %dma_start3A_74 = tpu.memref_slice %arg4[%mul3A_70] : memref<163840xi32, #tpu.memory_space<hbm>> -> memref<1024xi32, #tpu.memory_space<hbm>>
        tpu.enqueue_dma source(%dma_start3A_74 : memref<1024xi32, #tpu.memory_space<hbm>>) target(%arg11 : memref<1024xi32, #tpu.memory_space<vmem>>) target_semaphore(%arg15 : memref<!tpu.dma_semaphore, #tpu.memory_space<semaphore_mem>>)
        %dma_start3A_75 = tpu.memref_slice %arg5[%mul3A_70] : memref<163840xf32, #tpu.memory_space<hbm>> -> memref<1024xf32, #tpu.memory_space<hbm>>
        %dma_start3A_76 = tpu.memref_slice %arg5[%mul3A_70] : memref<163840xf32, #tpu.memory_space<hbm>> -> memref<1024xf32, #tpu.memory_space<hbm>>
        tpu.enqueue_dma source(%dma_start3A_76 : memref<1024xf32, #tpu.memory_space<hbm>>) target(%arg13 : memref<1024xf32, #tpu.memory_space<vmem>>) target_semaphore(%arg15 : memref<!tpu.dma_semaphore, #tpu.memory_space<semaphore_mem>>)
      } else {
      }
      %mul3A_49 = arith.constant 2 : i32
      %mul3A_50 = arith.muli %mul3A_49, %scan3A_21 : i32
      %add3A_51 = arith.constant 1 : i32
      %add3A_52 = arith.addi %mul3A_50, %add3A_51 : i32
      %mul3A_53 = arith.constant 1024 : i32
      %mul3A_54 = arith.muli %add3A_52, %mul3A_53 : i32
      %dma_wait3A_55 = tpu.memref_slice %arg3[%mul3A_54] : memref<163840xi32, #tpu.memory_space<hbm>> -> memref<1024xi32, #tpu.memory_space<hbm>>
      %dma_wait3A_56 = tpu.memref_slice %arg3[%mul3A_54] : memref<163840xi32, #tpu.memory_space<hbm>> -> memref<1024xi32, #tpu.memory_space<hbm>>
      tpu.wait_dma2 semaphore(%arg16 : memref<!tpu.dma_semaphore, #tpu.memory_space<semaphore_mem>>) src(%dma_wait3A_56 : memref<1024xi32, #tpu.memory_space<hbm>>) dst(%arg10 : memref<1024xi32, #tpu.memory_space<vmem>>)
      %dma_wait3A_57 = tpu.memref_slice %arg4[%mul3A_54] : memref<163840xi32, #tpu.memory_space<hbm>> -> memref<1024xi32, #tpu.memory_space<hbm>>
      %dma_wait3A_58 = tpu.memref_slice %arg4[%mul3A_54] : memref<163840xi32, #tpu.memory_space<hbm>> -> memref<1024xi32, #tpu.memory_space<hbm>>
      tpu.wait_dma2 semaphore(%arg16 : memref<!tpu.dma_semaphore, #tpu.memory_space<semaphore_mem>>) src(%dma_wait3A_58 : memref<1024xi32, #tpu.memory_space<hbm>>) dst(%arg12 : memref<1024xi32, #tpu.memory_space<vmem>>)
      %dma_wait3A_59 = tpu.memref_slice %arg5[%mul3A_54] : memref<163840xf32, #tpu.memory_space<hbm>> -> memref<1024xf32, #tpu.memory_space<hbm>>
      %dma_wait3A_60 = tpu.memref_slice %arg5[%mul3A_54] : memref<163840xf32, #tpu.memory_space<hbm>> -> memref<1024xf32, #tpu.memory_space<hbm>>
      tpu.wait_dma2 semaphore(%arg16 : memref<!tpu.dma_semaphore, #tpu.memory_space<semaphore_mem>>) src(%dma_wait3A_60 : memref<1024xf32, #tpu.memory_space<hbm>>) dst(%arg14 : memref<1024xf32, #tpu.memory_space<vmem>>)
      %parallel_loop3A_61 = arith.constant 0 : i32
      %parallel_loop3A_62 = arith.constant 64 : i32
      %parallel_loop3A_63 = arith.constant 1 : i32
      scf.for %parallel_loop3A_65 = %parallel_loop3A_61 to %parallel_loop3A_62 step %parallel_loop3A_63  : i32 {
        %parallel_loop3A_66 = arith.constant 16 : i32
        %parallel_loop3A_67 = arith.muli %parallel_loop3A_65, %parallel_loop3A_66 : i32
        %parallel_loop3A_68 = arith.index_cast %parallel_loop3A_67 : i32 to index
        %parallel_loop3A_69 = tpu.vector_load %arg10[%parallel_loop3A_68] {strides = array<i32>} : memref<1024xi32, #tpu.memory_space<vmem>>, vector<16xi32>,
        %parallel_loop3A_70 = arith.index_cast %parallel_loop3A_67 : i32 to index
        %parallel_loop3A_71 = tpu.vector_load %arg12[%parallel_loop3A_70] {strides = array<i32>} : memref<1024xi32, #tpu.memory_space<vmem>>, vector<16xi32>,
        %parallel_loop3A_72 = arith.index_cast %parallel_loop3A_67 : i32 to index
        %parallel_loop3A_73 = tpu.vector_load %arg14[%parallel_loop3A_72] {strides = array<i32>} : memref<1024xf32, #tpu.memory_space<vmem>>, vector<16xf32>,
        %parallel_loop3A_74 = arith.constant 0 : i32
        %parallel_loop3A_75 = tpu.memref_slice %arg7[%parallel_loop3A_74] : memref<40960xi32, #tpu.memory_space<vmem>> -> memref<10240xi32, #tpu.memory_space<vmem>>
        %parallel_loop3A_76 = tpu.vector_load_idx %parallel_loop3A_75[%parallel_loop3A_69] : memref<10240xi32, #tpu.memory_space<vmem>>[vector<16xi32>], vector<16xi32>,
        %parallel_loop3A_77 = arith.constant 16 : i32
        %parallel_loop3A_78 = vector.broadcast %parallel_loop3A_77 : i32 to vector<16xi32>
        %parallel_loop3A_79 = arith.shli %parallel_loop3A_76, %parallel_loop3A_78 : vector<16xi32>
        %parallel_loop3A_80 = vector.bitcast %parallel_loop3A_79 : vector<16xi32> to vector<16xf32>
        %parallel_loop3A_81 = arith.constant -65536 : i32
        %parallel_loop3A_82 = vector.broadcast %parallel_loop3A_81 : i32 to vector<16xi32>
        %parallel_loop3A_83 = arith.andi %parallel_loop3A_76, %parallel_loop3A_82 : vector<16xi32>
        %parallel_loop3A_84 = vector.bitcast %parallel_loop3A_83 : vector<16xi32> to vector<16xf32>
        %parallel_loop3A_85 = arith.mulf %parallel_loop3A_80, %parallel_loop3A_73 : vector<16xf32>
        %parallel_loop3A_86 = arith.constant 0 : i32
        %parallel_loop3A_87 = tpu.memref_slice %arg8[%parallel_loop3A_86] : memref<81920xf32, #tpu.memory_space<vmem>> -> memref<10240xf32, #tpu.memory_space<vmem>>
        tpu.vector_store_idx %parallel_loop3A_87[%parallel_loop3A_71], %parallel_loop3A_85 {add = true} : memref<10240xf32, #tpu.memory_space<vmem>>[vector<16xi32>], vector<16xf32>,
        %parallel_loop3A_88 = arith.mulf %parallel_loop3A_84, %parallel_loop3A_73 : vector<16xf32>
        %parallel_loop3A_89 = arith.constant 10240 : i32
        %parallel_loop3A_90 = tpu.memref_slice %arg8[%parallel_loop3A_89] : memref<81920xf32, #tpu.memory_space<vmem>> -> memref<10240xf32, #tpu.memory_space<vmem>>
        tpu.vector_store_idx %parallel_loop3A_90[%parallel_loop3A_71], %parallel_loop3A_88 {add = true} : memref<10240xf32, #tpu.memory_space<vmem>>[vector<16xi32>], vector<16xf32>,
        %parallel_loop3A_91 = arith.constant 10240 : i32
        %parallel_loop3A_92 = tpu.memref_slice %arg7[%parallel_loop3A_91] : memref<40960xi32, #tpu.memory_space<vmem>> -> memref<10240xi32, #tpu.memory_space<vmem>>
        %parallel_loop3A_93 = tpu.vector_load_idx %parallel_loop3A_92[%parallel_loop3A_69] : memref<10240xi32, #tpu.memory_space<vmem>>[vector<16xi32>], vector<16xi32>,
        %parallel_loop3A_94 = arith.constant 16 : i32
        %parallel_loop3A_95 = vector.broadcast %parallel_loop3A_94 : i32 to vector<16xi32>
        %parallel_loop3A_96 = arith.shli %parallel_loop3A_93, %parallel_loop3A_95 : vector<16xi32>
        %parallel_loop3A_97 = vector.bitcast %parallel_loop3A_96 : vector<16xi32> to vector<16xf32>
        %parallel_loop3A_98 = arith.constant -65536 : i32
        %parallel_loop3A_99 = vector.broadcast %parallel_loop3A_98 : i32 to vector<16xi32>
        %parallel_loop3A_100 = arith.andi %parallel_loop3A_93, %parallel_loop3A_99 : vector<16xi32>
        %parallel_loop3A_101 = vector.bitcast %parallel_loop3A_100 : vector<16xi32> to vector<16xf32>
        %parallel_loop3A_102 = arith.mulf %parallel_loop3A_97, %parallel_loop3A_73 : vector<16xf32>
        %parallel_loop3A_103 = arith.constant 20480 : i32
        %parallel_loop3A_104 = tpu.memref_slice %arg8[%parallel_loop3A_103] : memref<81920xf32, #tpu.memory_space<vmem>> -> memref<10240xf32, #tpu.memory_space<vmem>>
        tpu.vector_store_idx %parallel_loop3A_104[%parallel_loop3A_71], %parallel_loop3A_102 {add = true} : memref<10240xf32, #tpu.memory_space<vmem>>[vector<16xi32>], vector<16xf32>,
        %parallel_loop3A_105 = arith.mulf %parallel_loop3A_101, %parallel_loop3A_73 : vector<16xf32>
        %parallel_loop3A_106 = arith.constant 30720 : i32
        %parallel_loop3A_107 = tpu.memref_slice %arg8[%parallel_loop3A_106] : memref<81920xf32, #tpu.memory_space<vmem>> -> memref<10240xf32, #tpu.memory_space<vmem>>
        tpu.vector_store_idx %parallel_loop3A_107[%parallel_loop3A_71], %parallel_loop3A_105 {add = true} : memref<10240xf32, #tpu.memory_space<vmem>>[vector<16xi32>], vector<16xf32>,
        %parallel_loop3A_108 = arith.constant 20480 : i32
        %parallel_loop3A_109 = tpu.memref_slice %arg7[%parallel_loop3A_108] : memref<40960xi32, #tpu.memory_space<vmem>> -> memref<10240xi32, #tpu.memory_space<vmem>>
        %parallel_loop3A_110 = tpu.vector_load_idx %parallel_loop3A_109[%parallel_loop3A_69] : memref<10240xi32, #tpu.memory_space<vmem>>[vector<16xi32>], vector<16xi32>,
        %parallel_loop3A_111 = arith.constant 16 : i32
        %parallel_loop3A_112 = vector.broadcast %parallel_loop3A_111 : i32 to vector<16xi32>
        %parallel_loop3A_113 = arith.shli %parallel_loop3A_110, %parallel_loop3A_112 : vector<16xi32>
        %parallel_loop3A_114 = vector.bitcast %parallel_loop3A_113 : vector<16xi32> to vector<16xf32>
        %parallel_loop3A_115 = arith.constant -65536 : i32
        %parallel_loop3A_116 = vector.broadcast %parallel_loop3A_115 : i32 to vector<16xi32>
        %parallel_loop3A_117 = arith.andi %parallel_loop3A_110, %parallel_loop3A_116 : vector<16xi32>
        %parallel_loop3A_118 = vector.bitcast %parallel_loop3A_117 : vector<16xi32> to vector<16xf32>
        %parallel_loop3A_119 = arith.mulf %parallel_loop3A_114, %parallel_loop3A_73 : vector<16xf32>
        %parallel_loop3A_120 = arith.constant 40960 : i32
        %parallel_loop3A_121 = tpu.memref_slice %arg8[%parallel_loop3A_120] : memref<81920xf32, #tpu.memory_space<vmem>> -> memref<10240xf32, #tpu.memory_space<vmem>>
        tpu.vector_store_idx %parallel_loop3A_121[%parallel_loop3A_71], %parallel_loop3A_119 {add = true} : memref<10240xf32, #tpu.memory_space<vmem>>[vector<16xi32>], vector<16xf32>,
        %parallel_loop3A_122 = arith.mulf %parallel_loop3A_118, %parallel_loop3A_73 : vector<16xf32>
        %parallel_loop3A_123 = arith.constant 51200 : i32
        %parallel_loop3A_124 = tpu.memref_slice %arg8[%parallel_loop3A_123] : memref<81920xf32, #tpu.memory_space<vmem>> -> memref<10240xf32, #tpu.memory_space<vmem>>
        tpu.vector_store_idx %parallel_loop3A_124[%parallel_loop3A_71], %parallel_loop3A_122 {add = true} : memref<10240xf32, #tpu.memory_space<vmem>>[vector<16xi32>], vector<16xf32>,
        %parallel_loop3A_125 = arith.constant 30720 : i32
        %parallel_loop3A_126 = tpu.memref_slice %arg7[%parallel_loop3A_125] : memref<40960xi32, #tpu.memory_space<vmem>> -> memref<10240xi32, #tpu.memory_space<vmem>>
        %parallel_loop3A_127 = tpu.vector_load_idx %parallel_loop3A_126[%parallel_loop3A_69] : memref<10240xi32, #tpu.memory_space<vmem>>[vector<16xi32>], vector<16xi32>,
        %parallel_loop3A_128 = arith.constant 16 : i32
        %parallel_loop3A_129 = vector.broadcast %parallel_loop3A_128 : i32 to vector<16xi32>
        %parallel_loop3A_130 = arith.shli %parallel_loop3A_127, %parallel_loop3A_129 : vector<16xi32>
        %parallel_loop3A_131 = vector.bitcast %parallel_loop3A_130 : vector<16xi32> to vector<16xf32>
        %parallel_loop3A_132 = arith.constant -65536 : i32
        %parallel_loop3A_133 = vector.broadcast %parallel_loop3A_132 : i32 to vector<16xi32>
        %parallel_loop3A_134 = arith.andi %parallel_loop3A_127, %parallel_loop3A_133 : vector<16xi32>
        %parallel_loop3A_135 = vector.bitcast %parallel_loop3A_134 : vector<16xi32> to vector<16xf32>
        %parallel_loop3A_136 = arith.mulf %parallel_loop3A_131, %parallel_loop3A_73 : vector<16xf32>
        %parallel_loop3A_137 = arith.constant 61440 : i32
        %parallel_loop3A_138 = tpu.memref_slice %arg8[%parallel_loop3A_137] : memref<81920xf32, #tpu.memory_space<vmem>> -> memref<10240xf32, #tpu.memory_space<vmem>>
        tpu.vector_store_idx %parallel_loop3A_138[%parallel_loop3A_71], %parallel_loop3A_136 {add = true} : memref<10240xf32, #tpu.memory_space<vmem>>[vector<16xi32>], vector<16xf32>,
        %parallel_loop3A_139 = arith.mulf %parallel_loop3A_135, %parallel_loop3A_73 : vector<16xf32>
        %parallel_loop3A_140 = arith.constant 71680 : i32
        %parallel_loop3A_141 = tpu.memref_slice %arg8[%parallel_loop3A_140] : memref<81920xf32, #tpu.memory_space<vmem>> -> memref<10240xf32, #tpu.memory_space<vmem>>
        tpu.vector_store_idx %parallel_loop3A_141[%parallel_loop3A_71], %parallel_loop3A_139 {add = true} : memref<10240xf32, #tpu.memory_space<vmem>>[vector<16xi32>], vector<16xf32>,
      } {sc.loop_unroll_factor = 4 : i64, sc.parallel_access}
      %scan3A_64 = arith.constant 0 : i32
      scf.yield %scan3A_64 : i32
    }
    %scan3A_20 = arith.constant 80 : i32
    "tpu.region"() ({
      %run_scoped3A = tpu.sem_alloc : memref<!tpu.dma_semaphore, #tpu.memory_space<semaphore_mem>>
      %dma_start3A_21 = arith.constant 0 : i32
      %dma_start3A_22 = tpu.memref_slice %arg6[%add3A, %dma_start3A_21] : memref<32x81920xf32, #tpu.memory_space<hbm>> -> memref<1x81920xf32, #tpu.memory_space<hbm>>
      %dma_start3A_23 = tpu.memref_squeeze %dma_start3A_22 : memref<1x81920xf32, #tpu.memory_space<hbm>> -> memref<81920xf32, #tpu.memory_space<hbm>>
      %dma_start3A_24 = arith.constant 0 : i32
      %dma_start3A_25 = tpu.memref_slice %arg6[%add3A, %dma_start3A_24] : memref<32x81920xf32, #tpu.memory_space<hbm>> -> memref<1x81920xf32, #tpu.memory_space<hbm>>
      %dma_start3A_26 = tpu.memref_squeeze %dma_start3A_25 : memref<1x81920xf32, #tpu.memory_space<hbm>> -> memref<81920xf32, #tpu.memory_space<hbm>>
      tpu.enqueue_dma source(%arg8 : memref<81920xf32, #tpu.memory_space<vmem>>) target(%dma_start3A_26 : memref<81920xf32, #tpu.memory_space<hbm>>) target_semaphore(%run_scoped3A : memref<!tpu.dma_semaphore, #tpu.memory_space<semaphore_mem>>)
      %dma_wait3A = arith.constant 0 : i32
      %dma_wait3A_27 = tpu.memref_slice %arg6[%add3A, %dma_wait3A] : memref<32x81920xf32, #tpu.memory_space<hbm>> -> memref<1x81920xf32, #tpu.memory_space<hbm>>
      %dma_wait3A_28 = tpu.memref_squeeze %dma_wait3A_27 : memref<1x81920xf32, #tpu.memory_space<hbm>> -> memref<81920xf32, #tpu.memory_space<hbm>>
      %dma_wait3A_29 = arith.constant 0 : i32
      %dma_wait3A_30 = tpu.memref_slice %arg6[%add3A, %dma_wait3A_29] : memref<32x81920xf32, #tpu.memory_space<hbm>> -> memref<1x81920xf32, #tpu.memory_space<hbm>>
      %dma_wait3A_31 = tpu.memref_squeeze %dma_wait3A_30 : memref<1x81920xf32, #tpu.memory_space<hbm>> -> memref<81920xf32, #tpu.memory_space<hbm>>
      tpu.wait_dma2 semaphore(%run_scoped3A : memref<!tpu.dma_semaphore, #tpu.memory_space<semaphore_mem>>) src(%arg8 : memref<81920xf32, #tpu.memory_space<vmem>>) dst(%dma_wait3A_31 : memref<81920xf32, #tpu.memory_space<hbm>>)
      tpu.yield
    }) : () -> ()
    return
  }
}

module attributes {stable_mosaic.version = 14 : i64} {
  func.func @_dense_kernel(%arg0: i32, %arg1: memref<256x256xf32, #tpu.memory_space<vmem>>, %arg2: memref<256x256xf32, #tpu.memory_space<vmem>>, %arg3: memref<8x256xf32, #tpu.memory_space<vmem>>, %arg4: memref<8x256xf32, #tpu.memory_space<vmem>>, %arg5: memref<256x256xbf16, #tpu.memory_space<vmem>>, %arg6: memref<8x256xf32, #tpu.memory_space<vmem>>, %arg7: memref<8x256xf32, #tpu.memory_space<vmem>>) attributes {dimension_semantics = [#tpu.dimension_semantics<arbitrary>], iteration_bounds = array<i64: 40>, scalar_prefetch = 0 : i64, scratch_operands = 0 : i64, tpu.core_type = #tpu.core_type<tc>, window_params = [{transform_indices = @transform_0, window_bounds = array<i64: 256, 256>}, {pipeline_mode = #tpu.pipeline_mode<synchronous>, transform_indices = @transform_1, window_bounds = array<i64: 256, 256>}, {pipeline_mode = #tpu.pipeline_mode<synchronous>, transform_indices = @transform_2, window_bounds = array<i64: 8, 256>}, {pipeline_mode = #tpu.pipeline_mode<synchronous>, transform_indices = @transform_3, window_bounds = array<i64: 8, 256>}, {transform_indices = @transform_4, window_bounds = array<i64: 256, 256>}, {transform_indices = @transform_5, window_bounds = array<i64: 8, 256>}, {transform_indices = @transform_6, window_bounds = array<i64: 8, 256>}]} {
    %get3A = arith.constant 0 : index
    %get3A_0 = arith.constant 0 : index
    %get3A_1 = vector.load %arg1[%get3A, %get3A_0] : memref<256x256xf32, #tpu.memory_space<vmem>>, vector<256x256xf32>
    %get3A_2 = arith.constant 0 : index
    %get3A_3 = arith.constant 0 : index
    %get3A_4 = vector.load %arg2[%get3A_2, %get3A_3] : memref<256x256xf32, #tpu.memory_space<vmem>>, vector<256x256xf32>
    %dot_general3A = arith.constant dense<0.000000e+00> : vector<256x256xf32>
    %dot_general3A_5 = tpu.matmul %get3A_1, %get3A_4, %dot_general3A {dimension_numbers = #tpu.dot_dimension_numbers<[1], [0], [0], [1], [0, 0, 1, 1], [], []>, transpose_lhs_hint = false} : vector<256x256xf32>, vector<256x256xf32>, vector<256x256xf32> -> vector<256x256xf32>
    %convert_element_type3A = arith.truncf %dot_general3A_5 : vector<256x256xf32> to vector<256x256xbf16>
    %swap3A = arith.constant 0 : index
    %swap3A_6 = arith.constant 0 : index
    %swap3A_7 = vector.load %arg5[%swap3A, %swap3A_6] : memref<256x256xbf16, #tpu.memory_space<vmem>>, vector<256x256xbf16>
    tpu.vector_store %arg5[%swap3A, %swap3A_6], %convert_element_type3A {strides = array<i32>} : memref<256x256xbf16, #tpu.memory_space<vmem>>, vector<256x256xbf16>,
    %get3A_8 = arith.constant 0 : index
    %get3A_9 = arith.constant 0 : index
    %get3A_10 = vector.load %arg3[%get3A_8, %get3A_9] : memref<8x256xf32, #tpu.memory_space<vmem>>, vector<1x256xf32>
    %mul3A = vector.broadcast %get3A_10 : vector<1x256xf32> to vector<256x256xf32>
    %mul3A_11 = arith.mulf %dot_general3A_5, %mul3A : vector<256x256xf32>
    %reduce_sum3A = arith.constant dense<0.000000e+00> : vector<256xf32>
    %reduce_sum3A_12 = vector.multi_reduction <add>, %mul3A_11, %reduce_sum3A [1] : vector<256x256xf32> to vector<256xf32>
    %get3A_13 = arith.constant 0 : index
    %get3A_14 = arith.constant 0 : index
    %get3A_15 = vector.load %arg4[%get3A_13, %get3A_14] : memref<8x256xf32, #tpu.memory_space<vmem>>, vector<1x256xf32>
    %mul3A_16 = vector.broadcast %get3A_15 : vector<1x256xf32> to vector<256x256xf32>
    %mul3A_17 = arith.mulf %dot_general3A_5, %mul3A_16 : vector<256x256xf32>
    %reduce_sum3A_18 = arith.constant dense<0.000000e+00> : vector<256xf32>
    %reduce_sum3A_19 = vector.multi_reduction <add>, %mul3A_17, %reduce_sum3A_18 [1] : vector<256x256xf32> to vector<256xf32>
    %broadcast_in_dim3A = vector.shape_cast %reduce_sum3A_12 : vector<256xf32> to vector<1x256xf32>
    %swap3A_20 = arith.constant 0 : index
    %swap3A_21 = arith.constant 0 : index
    %swap3A_22 = vector.load %arg6[%swap3A_20, %swap3A_21] : memref<8x256xf32, #tpu.memory_space<vmem>>, vector<1x256xf32>
    tpu.vector_store %arg6[%swap3A_20, %swap3A_21], %broadcast_in_dim3A {strides = array<i32>} : memref<8x256xf32, #tpu.memory_space<vmem>>, vector<1x256xf32>,
    %broadcast_in_dim3A_23 = vector.shape_cast %reduce_sum3A_19 : vector<256xf32> to vector<1x256xf32>
    %swap3A_24 = arith.constant 0 : index
    %swap3A_25 = arith.constant 0 : index
    %swap3A_26 = vector.load %arg7[%swap3A_24, %swap3A_25] : memref<8x256xf32, #tpu.memory_space<vmem>>, vector<1x256xf32>
    tpu.vector_store %arg7[%swap3A_24, %swap3A_25], %broadcast_in_dim3A_23 {strides = array<i32>} : memref<8x256xf32, #tpu.memory_space<vmem>>, vector<1x256xf32>,
    return
  }
  func.func @transform_0(%arg0: i32) -> (i32, i32) {
    %c0_i32 = arith.constant 0 : i32
    %c0_i32_0 = arith.constant 0 : i32
    return %arg0, %c0_i32 : i32, i32
  }
  func.func @transform_1(%arg0: i32) -> (i32, i32) {
    %c0_i32 = arith.constant 0 : i32
    %c0_i32_0 = arith.constant 0 : i32
    %c0_i32_1 = arith.constant 0 : i32
    return %c0_i32, %c0_i32_0 : i32, i32
  }
  func.func @transform_2(%arg0: i32) -> (i32, i32) {
    %c0_i32 = arith.constant 0 : i32
    %c0_i32_0 = arith.constant 0 : i32
    %c0_i32_1 = arith.constant 0 : i32
    return %c0_i32, %c0_i32_0 : i32, i32
  }
  func.func @transform_3(%arg0: i32) -> (i32, i32) {
    %c0_i32 = arith.constant 0 : i32
    %c0_i32_0 = arith.constant 0 : i32
    %c0_i32_1 = arith.constant 0 : i32
    return %c0_i32, %c0_i32_0 : i32, i32
  }
  func.func @transform_4(%arg0: i32) -> (i32, i32) {
    %c0_i32 = arith.constant 0 : i32
    %c0_i32_0 = arith.constant 0 : i32
    return %arg0, %c0_i32 : i32, i32
  }
  func.func @transform_5(%arg0: i32) -> (i32, i32) {
    %c0_i32 = arith.constant 0 : i32
    %c0_i32_0 = arith.constant 0 : i32
    return %c0_i32, %arg0 : i32, i32
  }
  func.func @transform_6(%arg0: i32) -> (i32, i32) {
    %c0_i32 = arith.constant 0 : i32
    %c0_i32_0 = arith.constant 0 : i32
    return %c0_i32, %arg0 : i32, i32
  }
}

module attributes {stable_mosaic.version = 14 : i64} {
  func.func @_dense_fused_kernel(%arg0: i32, %arg1: memref<256x256xf32, #tpu.memory_space<vmem>>, %arg2: memref<32x256xf32, #tpu.memory_space<vmem>>, %arg3: memref<8x256xf32, #tpu.memory_space<vmem>>, %arg4: memref<256x256xf32, #tpu.memory_space<vmem>>, %arg5: memref<8x256xf32, #tpu.memory_space<vmem>>, %arg6: memref<8x256xf32, #tpu.memory_space<vmem>>, %arg7: memref<256x256xbf16, #tpu.memory_space<vmem>>, %arg8: memref<8x256xf32, #tpu.memory_space<vmem>>, %arg9: memref<8x256xf32, #tpu.memory_space<vmem>>) attributes {dimension_semantics = [#tpu.dimension_semantics<arbitrary>], iteration_bounds = array<i64: 40>, scalar_prefetch = 0 : i64, scratch_operands = 0 : i64, tpu.core_type = #tpu.core_type<tc>, window_params = [{transform_indices = @transform_0, window_bounds = array<i64: 256, 256>}, {transform_indices = @transform_1, window_bounds = array<i64: 32, 256>}, {pipeline_mode = #tpu.pipeline_mode<synchronous>, transform_indices = @transform_2, window_bounds = array<i64: 8, 256>}, {pipeline_mode = #tpu.pipeline_mode<synchronous>, transform_indices = @transform_3, window_bounds = array<i64: 256, 256>}, {pipeline_mode = #tpu.pipeline_mode<synchronous>, transform_indices = @transform_4, window_bounds = array<i64: 8, 256>}, {pipeline_mode = #tpu.pipeline_mode<synchronous>, transform_indices = @transform_5, window_bounds = array<i64: 8, 256>}, {transform_indices = @transform_6, window_bounds = array<i64: 256, 256>}, {transform_indices = @transform_7, window_bounds = array<i64: 8, 256>}, {transform_indices = @transform_8, window_bounds = array<i64: 8, 256>}]} {
    %get3A = arith.constant 0 : index
    %get3A_0 = arith.constant 0 : index
    %get3A_1 = vector.load %arg2[%get3A, %get3A_0] : memref<32x256xf32, #tpu.memory_space<vmem>>, vector<32x256xf32>
    %reduce_sum3A = arith.constant dense<0.000000e+00> : vector<256xf32>
    %reduce_sum3A_2 = vector.multi_reduction <add>, %get3A_1, %reduce_sum3A [0] : vector<32x256xf32> to vector<256xf32>
    %max3A = arith.constant 9.99999971E-10 : f32
    %max3A_3 = vector.broadcast %max3A : f32 to vector<256xf32>
    %max3A_4 = arith.maximumf %reduce_sum3A_2, %max3A_3 : vector<256xf32>
    %get3A_5 = arith.constant 0 : index
    %get3A_6 = arith.constant 0 : index
    %get3A_7 = vector.load %arg1[%get3A_5, %get3A_6] : memref<256x256xf32, #tpu.memory_space<vmem>>, vector<256x256xf32>
    %broadcast_in_dim3A = vector.shape_cast %max3A_4 : vector<256xf32> to vector<256x1xf32>
    %div3A = vector.broadcast %broadcast_in_dim3A : vector<256x1xf32> to vector<256x256xf32>
    %div3A_8 = arith.divf %get3A_7, %div3A : vector<256x256xf32>
    %get3A_9 = arith.constant 0 : index
    %get3A_10 = arith.constant 0 : index
    %get3A_11 = vector.load %arg3[%get3A_9, %get3A_10] : memref<8x256xf32, #tpu.memory_space<vmem>>, vector<1x256xf32>
    %add3A = vector.broadcast %get3A_11 : vector<1x256xf32> to vector<256x256xf32>
    %add3A_12 = arith.addf %div3A_8, %add3A : vector<256x256xf32>
    %max3A_13 = arith.constant 0.000000e+00 : f32
    %max3A_14 = vector.broadcast %max3A_13 : f32 to vector<256x256xf32>
    %max3A_15 = arith.maximumf %add3A_12, %max3A_14 : vector<256x256xf32>
    %get3A_16 = arith.constant 0 : index
    %get3A_17 = arith.constant 0 : index
    %get3A_18 = vector.load %arg4[%get3A_16, %get3A_17] : memref<256x256xf32, #tpu.memory_space<vmem>>, vector<256x256xf32>
    %dot_general3A = arith.constant dense<0.000000e+00> : vector<256x256xf32>
    %dot_general3A_19 = tpu.matmul %max3A_15, %get3A_18, %dot_general3A {dimension_numbers = #tpu.dot_dimension_numbers<[1], [0], [0], [1], [0, 0, 1, 1], [], []>, transpose_lhs_hint = false} : vector<256x256xf32>, vector<256x256xf32>, vector<256x256xf32> -> vector<256x256xf32>
    %convert_element_type3A = arith.truncf %dot_general3A_19 : vector<256x256xf32> to vector<256x256xbf16>
    %swap3A = arith.constant 0 : index
    %swap3A_20 = arith.constant 0 : index
    %swap3A_21 = vector.load %arg7[%swap3A, %swap3A_20] : memref<256x256xbf16, #tpu.memory_space<vmem>>, vector<256x256xbf16>
    tpu.vector_store %arg7[%swap3A, %swap3A_20], %convert_element_type3A {strides = array<i32>} : memref<256x256xbf16, #tpu.memory_space<vmem>>, vector<256x256xbf16>,
    %get3A_22 = arith.constant 0 : index
    %get3A_23 = arith.constant 0 : index
    %get3A_24 = vector.load %arg5[%get3A_22, %get3A_23] : memref<8x256xf32, #tpu.memory_space<vmem>>, vector<1x256xf32>
    %mul3A = vector.broadcast %get3A_24 : vector<1x256xf32> to vector<256x256xf32>
    %mul3A_25 = arith.mulf %dot_general3A_19, %mul3A : vector<256x256xf32>
    %reduce_sum3A_26 = arith.constant dense<0.000000e+00> : vector<256xf32>
    %reduce_sum3A_27 = vector.multi_reduction <add>, %mul3A_25, %reduce_sum3A_26 [1] : vector<256x256xf32> to vector<256xf32>
    %get3A_28 = arith.constant 0 : index
    %get3A_29 = arith.constant 0 : index
    %get3A_30 = vector.load %arg6[%get3A_28, %get3A_29] : memref<8x256xf32, #tpu.memory_space<vmem>>, vector<1x256xf32>
    %mul3A_31 = vector.broadcast %get3A_30 : vector<1x256xf32> to vector<256x256xf32>
    %mul3A_32 = arith.mulf %dot_general3A_19, %mul3A_31 : vector<256x256xf32>
    %reduce_sum3A_33 = arith.constant dense<0.000000e+00> : vector<256xf32>
    %reduce_sum3A_34 = vector.multi_reduction <add>, %mul3A_32, %reduce_sum3A_33 [1] : vector<256x256xf32> to vector<256xf32>
    %broadcast_in_dim3A_35 = vector.shape_cast %reduce_sum3A_27 : vector<256xf32> to vector<1x256xf32>
    %swap3A_36 = arith.constant 0 : index
    %swap3A_37 = arith.constant 0 : index
    %swap3A_38 = vector.load %arg8[%swap3A_36, %swap3A_37] : memref<8x256xf32, #tpu.memory_space<vmem>>, vector<1x256xf32>
    tpu.vector_store %arg8[%swap3A_36, %swap3A_37], %broadcast_in_dim3A_35 {strides = array<i32>} : memref<8x256xf32, #tpu.memory_space<vmem>>, vector<1x256xf32>,
    %broadcast_in_dim3A_39 = vector.shape_cast %reduce_sum3A_34 : vector<256xf32> to vector<1x256xf32>
    %swap3A_40 = arith.constant 0 : index
    %swap3A_41 = arith.constant 0 : index
    %swap3A_42 = vector.load %arg9[%swap3A_40, %swap3A_41] : memref<8x256xf32, #tpu.memory_space<vmem>>, vector<1x256xf32>
    tpu.vector_store %arg9[%swap3A_40, %swap3A_41], %broadcast_in_dim3A_39 {strides = array<i32>} : memref<8x256xf32, #tpu.memory_space<vmem>>, vector<1x256xf32>,
    return
  }
  func.func @transform_0(%arg0: i32) -> (i32, i32) {
    %c0_i32 = arith.constant 0 : i32
    %c0_i32_0 = arith.constant 0 : i32
    return %arg0, %c0_i32 : i32, i32
  }
  func.func @transform_1(%arg0: i32) -> (i32, i32) {
    %c0_i32 = arith.constant 0 : i32
    %c0_i32_0 = arith.constant 0 : i32
    return %c0_i32, %arg0 : i32, i32
  }
  func.func @transform_2(%arg0: i32) -> (i32, i32) {
    %c0_i32 = arith.constant 0 : i32
    %c0_i32_0 = arith.constant 0 : i32
    %c0_i32_1 = arith.constant 0 : i32
    return %c0_i32, %c0_i32_0 : i32, i32
  }
  func.func @transform_3(%arg0: i32) -> (i32, i32) {
    %c0_i32 = arith.constant 0 : i32
    %c0_i32_0 = arith.constant 0 : i32
    %c0_i32_1 = arith.constant 0 : i32
    return %c0_i32, %c0_i32_0 : i32, i32
  }
  func.func @transform_4(%arg0: i32) -> (i32, i32) {
    %c0_i32 = arith.constant 0 : i32
    %c0_i32_0 = arith.constant 0 : i32
    %c0_i32_1 = arith.constant 0 : i32
    return %c0_i32, %c0_i32_0 : i32, i32
  }
  func.func @transform_5(%arg0: i32) -> (i32, i32) {
    %c0_i32 = arith.constant 0 : i32
    %c0_i32_0 = arith.constant 0 : i32
    %c0_i32_1 = arith.constant 0 : i32
    return %c0_i32, %c0_i32_0 : i32, i32
  }
  func.func @transform_6(%arg0: i32) -> (i32, i32) {
    %c0_i32 = arith.constant 0 : i32
    %c0_i32_0 = arith.constant 0 : i32
    return %arg0, %c0_i32 : i32, i32
  }
  func.func @transform_7(%arg0: i32) -> (i32, i32) {
    %c0_i32 = arith.constant 0 : i32
    %c0_i32_0 = arith.constant 0 : i32
    return %c0_i32, %arg0 : i32, i32
  }
  func.func @transform_8(%arg0: i32) -> (i32, i32) {
    %c0_i32 = arith.constant 0 : i32
    %c0_i32_0 = arith.constant 0 : i32
    return %c0_i32, %arg0 : i32, i32
  }
}

module attributes {stable_mosaic.version = 14 : i64} {
  func.func @_finish_kernel(%arg0: i32, %arg1: memref<256x256xf32, #tpu.memory_space<vmem>>, %arg2: memref<32x256xf32, #tpu.memory_space<vmem>>, %arg3: memref<8x256xf32, #tpu.memory_space<vmem>>, %arg4: memref<256x256xf32, #tpu.memory_space<vmem>>) attributes {dimension_semantics = [#tpu.dimension_semantics<arbitrary>], iteration_bounds = array<i64: 40>, scalar_prefetch = 0 : i64, scratch_operands = 0 : i64, tpu.core_type = #tpu.core_type<tc>, window_params = [{transform_indices = @transform_0, window_bounds = array<i64: 256, 256>}, {transform_indices = @transform_1, window_bounds = array<i64: 32, 256>}, {pipeline_mode = #tpu.pipeline_mode<synchronous>, transform_indices = @transform_2, window_bounds = array<i64: 8, 256>}, {transform_indices = @transform_3, window_bounds = array<i64: 256, 256>}]} {
    %get3A = arith.constant 0 : index
    %get3A_0 = arith.constant 0 : index
    %get3A_1 = vector.load %arg2[%get3A, %get3A_0] : memref<32x256xf32, #tpu.memory_space<vmem>>, vector<32x256xf32>
    %reduce_sum3A = arith.constant dense<0.000000e+00> : vector<256xf32>
    %reduce_sum3A_2 = vector.multi_reduction <add>, %get3A_1, %reduce_sum3A [0] : vector<32x256xf32> to vector<256xf32>
    %max3A = arith.constant 9.99999971E-10 : f32
    %max3A_3 = vector.broadcast %max3A : f32 to vector<256xf32>
    %max3A_4 = arith.maximumf %reduce_sum3A_2, %max3A_3 : vector<256xf32>
    %get3A_5 = arith.constant 0 : index
    %get3A_6 = arith.constant 0 : index
    %get3A_7 = vector.load %arg1[%get3A_5, %get3A_6] : memref<256x256xf32, #tpu.memory_space<vmem>>, vector<256x256xf32>
    %broadcast_in_dim3A = vector.shape_cast %max3A_4 : vector<256xf32> to vector<256x1xf32>
    %div3A = vector.broadcast %broadcast_in_dim3A : vector<256x1xf32> to vector<256x256xf32>
    %div3A_8 = arith.divf %get3A_7, %div3A : vector<256x256xf32>
    %get3A_9 = arith.constant 0 : index
    %get3A_10 = arith.constant 0 : index
    %get3A_11 = vector.load %arg3[%get3A_9, %get3A_10] : memref<8x256xf32, #tpu.memory_space<vmem>>, vector<1x256xf32>
    %add3A = vector.broadcast %get3A_11 : vector<1x256xf32> to vector<256x256xf32>
    %add3A_12 = arith.addf %div3A_8, %add3A : vector<256x256xf32>
    %swap3A = arith.constant 0 : index
    %swap3A_13 = arith.constant 0 : index
    %swap3A_14 = vector.load %arg4[%swap3A, %swap3A_13] : memref<256x256xf32, #tpu.memory_space<vmem>>, vector<256x256xf32>
    tpu.vector_store %arg4[%swap3A, %swap3A_13], %add3A_12 {strides = array<i32>} : memref<256x256xf32, #tpu.memory_space<vmem>>, vector<256x256xf32>,
    return
  }
  func.func @transform_0(%arg0: i32) -> (i32, i32) {
    %c0_i32 = arith.constant 0 : i32
    %c0_i32_0 = arith.constant 0 : i32
    return %arg0, %c0_i32 : i32, i32
  }
  func.func @transform_1(%arg0: i32) -> (i32, i32) {
    %c0_i32 = arith.constant 0 : i32
    %c0_i32_0 = arith.constant 0 : i32
    return %c0_i32, %arg0 : i32, i32
  }
  func.func @transform_2(%arg0: i32) -> (i32, i32) {
    %c0_i32 = arith.constant 0 : i32
    %c0_i32_0 = arith.constant 0 : i32
    %c0_i32_1 = arith.constant 0 : i32
    return %c0_i32, %c0_i32_0 : i32, i32
  }
  func.func @transform_3(%arg0: i32) -> (i32, i32) {
    %c0_i32 = arith.constant 0 : i32
    %c0_i32_0 = arith.constant 0 : i32
    return %arg0, %c0_i32 : i32, i32
  }
}

</mosaic_0001>

<sc_bundles>
// kernel: kernel.12.cloned.1.call-start
scs
__scs_entry_jumppad:
0x0: {  	(pc) =	sbr.rel $0x88, $3  }
0x1: {  	(tag) =	ssettag $0x0;
	lr =	simm.s32 $0x1  }
0x2: {  	[smem:$0x3F97] =	sst lr;
	_ =	strace $0xD0000000  }
0x3: {  	_ = 	snop  }
0x4: {  	_ = 	snop  }
0x5: {  	_ = 	snop  }
0x6: {  	_ = 	snop  }
0x7: {  	_ = 	snop  }
__scs_overlays_trampoline_lowered:
0x8: {  	[smem:$0x3FA6] =	sst s0  }
0x9: {  	[smem:$0x3FA7] =	sst s1  }
0xa: {  	[smem:$0x3FA8] =	sst s2  }
0xb: {  	[smem:$0x3FA9] =	sst s3  }
0xc: {  	[smem:$0x3FAA] =	sst s4  }
0xd: {  	[smem:$0x3FAB] =	sst s5  }
0xe: {  	[smem:$0x3FAC] =	sst s6  }
0xf: {  	[smem:$0x3FAD] =	sst s7  }
0x10: {  	[smem:$0x3FAE] =	sst s8  }
0x11: {  	[smem:$0x3FAF] =	sst s9;
	s0 =	simm.s32 @!p0 $0x0  }
0x12: {  	s1 =	sld [smem:$0x3F95];
	s0 =	simm.s32 @p0 $0x1  }
0x13: {  	[smem:$0x3FB0] =	sst s0;
	s0 =	simm.s32 @!p1 $0x0  }
0x14: {  	s2 =	sld [smem:$0x3F94];
	s0 =	simm.s32 @p1 $0x1  }
0x15: {  	[smem:$0x3FB1] =	sst s0;
	s0 =	simm.s32 @!p2 $0x0  }
0x16: {  	s3 =	sld [smem:$0x3FDB];
	s0 =	simm.s32 @p2 $0x1  }
0x17: {  	s4 =	simm.s32 $0x1BF5;
	[smem:$0x3FB3] =	sst s0  }
0x18: {  	s0 =	sld [smem:$0x3F96];
	_ =	swait.ge [sflag:s4], $0x0  }
0x19: {  	s7 =	sld [smem:$0x3F97]  }
0x1a: {  	s8 =	sadd.s32 $0xFFFFE003, lr  }
0x1b: {  	s9 =	sadd.s32 $0xFFFFFEF7, lr;
	s5 =	simm.s32 $0xFFFFFFFF;
	p2 =	slt.u32 s8, $0xFFFFF086  }
0x1c: {  	p1 =	slt.u32 s9, $0xF7A;
	s5 =	simm.s32 @!p2 $0x0  }
0x1d: {  	s5 =	simm.s32 @p1 $0x1;
	p0 =	seq.s32 s7, s2  }
0x1e: {  	s7 =	smul.u32 @!p0 $0xF7A, s2;
	p2 =	seq.s32 @!p0 s5, $0x0  }
0x1f: {  	s9 =	smul.u32 $0xF7A, s1;
	s8 =	simm.s32 @!p0 $0x1BF5;
	p2 =	por !p2, p0  }
0x20: {  	[sflag:s8] =	ssyncset.s32 @!p0 $0xFFFFF086;
	s6 =	sadd.s32 @!p0 s3, s7;
	s7 =	simm.s32 @!p0 $0x108  }
0x21: {  	s3 =	sadd.s32 s3, s9;
	s6 =	sadd.s32 @!p0 $0x88, s6;
	s7 =	simm.s32 @p2 $0x1082  }
0x22: {  	[simem:s7], [sflag:s8] =	dma.local @!p0 [hbm:s6], $0xF7A  }
0x23: {  	s9 =	sor.u32 $0xD0000000, s2;
	s6 =	simm.s32 $0x108;
	_ =	swait.ge @!p0 [sflag:s8], $0x0  }
0x24: {  	s3 =	sadd.s32 $0x88, s3;
	s6 =	simm.s32 @!p1 $0x1082;
	[sflag:s4] =	ssyncset.s32 $0xFFFFF086  }
0x25: {  	[simem:s6], [sflag:s4] =	dma.local [hbm:s3], $0xF7A  }
0x26: {  	[smem:$0x3F97] =	sst s1;
	(tag) =	ssettag s2;
	_ =	strace s9  }
0x27: {  	s1 =	sld [smem:$0x3FA7]  }
0x28: {  	s2 =	sld [smem:$0x3FA8]  }
0x29: {  	s4 =	sld [smem:$0x3FAA]  }
0x2a: {  	p0 =	seq.s32 s5, $0x0;
	s5 =	sld [smem:$0x3FAB]  }
0x2b: {  	s6 =	sld [smem:$0x3FAC]  }
0x2c: {  	s7 =	sld [smem:$0x3FAD]  }
0x2d: {  	s3 =	simm.s32 $0x108;
	s8 =	sld [smem:$0x3FAE]  }
0x2e: {  	s3 =	simm.s32 @!p0 $0x1082;
	s9 =	sld [smem:$0x3FAF]  }
0x2f: {  	lr =	sadd.s32 s0, s3;
	s0 =	sld [smem:$0x3FA6]  }
0x30: {  	s3 =	sld [smem:$0x3FA9]  }
0x31: {  	[smem:$0x3FB2] =	sst s10  }
0x32: {  	s10 =	sld [smem:$0x3FB0];
	_ =	sdelay $0x3  }
0x33: {  	p0 =	seq.s32 s10, $0x1;
	s10 =	sld [smem:$0x3FB2];
	_ =	sdelay $0x3  }
0x34: {  	[smem:$0x3FB2] =	sst s10  }
0x35: {  	s10 =	sld [smem:$0x3FB1];
	_ =	sdelay $0x3  }
0x36: {  	p1 =	seq.s32 s10, $0x1;
	s10 =	sld [smem:$0x3FB2];
	_ =	sdelay $0x3  }
0x37: {  	[smem:$0x3FB2] =	sst s10  }
0x38: {  	s10 =	sld [smem:$0x3FB3]  }
0x39: {  	_ = 	snop;
	(pc) =	sbr.ind lr, $3  }
0x3a: {  	_ = 	snop  }
0x3b: {  	_ = 	snop  }
0x3c: {  	p2 =	seq.s32 s10, $0x1;
	s10 =	sld [smem:$0x3FB2]  }
0x3d: {  	_ =	shalt  }
0x3e: {  	_ =	shalt  }
0x3f: {  	_ =	shalt  }
0x40: {  	_ =	shalt  }
0x41: {  	_ =	shalt  }
0x42: {  	_ =	shalt  }
0x43: {  	_ =	shalt  }
0x44: {  	_ =	shalt  }
0x45: {  	_ =	shalt  }
0x46: {  	_ =	shalt  }
0x47: {  	_ =	shalt  }
0x48: {  	_ =	shalt  }
0x49: {  	_ =	shalt  }
0x4a: {  	_ =	shalt  }
0x4b: {  	_ =	shalt  }
0x4c: {  	_ =	shalt  }
0x4d: {  	_ =	shalt  }
0x4e: {  	_ =	shalt  }
0x4f: {  	_ =	shalt  }
0x50: {  	_ =	shalt  }
0x51: {  	_ =	shalt  }
0x52: {  	_ =	shalt  }
0x53: {  	_ =	shalt  }
0x54: {  	_ =	shalt  }
0x55: {  	_ =	shalt  }
0x56: {  	_ =	shalt  }
0x57: {  	_ =	shalt  }
0x58: {  	_ =	shalt  }
0x59: {  	_ =	shalt  }
0x5a: {  	_ =	shalt  }
0x5b: {  	_ =	shalt  }
0x5c: {  	_ =	shalt  }
0x5d: {  	_ =	shalt  }
0x5e: {  	_ =	shalt  }
0x5f: {  	_ =	shalt  }
0x60: {  	_ =	shalt  }
0x61: {  	_ =	shalt  }
0x62: {  	_ =	shalt  }
0x63: {  	_ =	shalt  }
0x64: {  	_ =	shalt  }
0x65: {  	_ =	shalt  }
0x66: {  	_ =	shalt  }
0x67: {  	_ =	shalt  }
0x68: {  	_ =	shalt  }
0x69: {  	_ =	shalt  }
0x6a: {  	_ =	shalt  }
0x6b: {  	_ =	shalt  }
0x6c: {  	_ =	shalt  }
0x6d: {  	_ =	shalt  }
0x6e: {  	_ =	shalt  }
0x6f: {  	_ =	shalt  }
0x70: {  	_ =	shalt  }
0x71: {  	_ =	shalt  }
0x72: {  	_ =	shalt  }
0x73: {  	_ =	shalt  }
0x74: {  	_ =	shalt  }
0x75: {  	_ =	shalt  }
0x76: {  	_ =	shalt  }
0x77: {  	_ =	shalt  }
0x78: {  	_ =	shalt  }
0x79: {  	_ =	shalt  }
0x7a: {  	_ =	shalt  }
0x7b: {  	_ =	shalt  }
0x7c: {  	_ =	shalt  }
0x7d: {  	_ =	shalt  }
0x7e: {  	_ =	shalt  }
0x7f: {  	_ =	shalt  }
0x80: {  	_ =	shalt  }
0x81: {  	_ =	shalt  }
0x82: {  	_ =	shalt  }
0x83: {  	_ =	shalt  }
0x84: {  	_ =	shalt  }
0x85: {  	_ =	shalt  }
0x86: {  	_ =	shalt  }
0x87: {  	_ =	shalt  }
.Lfunc_end0:
.L_simem_size_0:
called_computation.1_lowered:
.L_overlay_start_0:
0x88: {  	s2 =	sld [smem:$0x3FD9]  }
0x89: {  	s3 =	sld [smem:$0x3FFE];
	_ =	sdelay $0x1  }
0x8a: {  	s1 =	srdreg.scid  }
0x8b: {  	s0 =	sand.u32 $0x1, s1  }
0x8c: {  	s17 =	sshll.u32 s0, $0xA;
	s2 =	sadd.s32 s3, s2  }
0x8d: {  	s2 =	sadd.s32 s2, s17  }
0x8e: {  	[smem:$0x3FBE] =	sst s2  }
0x8f: {  	_ = 	snop  }
0x90: {  	s2 =	sld [smem:$0x3FD0];
	(tm) =	ssettm $0x1  }
0x91: {  	s18 =	sld [smem:$0x3FFB];
	_ =	sdelay $0x3  }
0x92: {  	_ =	strace s18  }
0x93: {  	s3 =	sld [smem:$0x3FFC];
	_ =	sdelay $0x3  }
0x94: {  	_ =	strace s3  }
0x95: {  	s3 =	sld [smem:$0x3FFD];
	_ =	sdelay $0x3  }
0x96: {  	_ =	strace s3  }
0x97: {  	_ =	strace $0x8FFFFFFF  }
0x98: {  	s19 =	sld [smem:$0x3FDB];
	_ =	sdelay $0x1  }
0x99: {  	s4 =	simm.s32 $_scs_section_size  }
0x9a: {  	s5 =	simm.s32 $_size__tile_overlayer_lowered;
	s6 =	simm.s32 $_tile_overlayer_lowered  }
0x9b: {  	s22 =	simm.s32 $0x1BFF;
	s21 =	sshll.u32 s6, $0x1;
	s3 =	sadd.s32 s4, s19  }
0x9c: {  	s7 =	simm.s32 $0x0;
	s20 =	sshll.u32 s5, $0x1;
	s5 =	sadd.s32 s21, s3  }
0x9d: {  	[timem:s7], [sflag:s22] =	dma.local [hbm:s5], s20  }
0x9e: {  	_ =	swait.ge [sflag:s22], s20  }
0x9f: {  	s4 =	ssub.s32 $0x0, s20;
	[sflag:s22] =	ssyncset.done $0x0  }
0xa0: {  	[sflag:s22] =	ssyncadd.s32 s4;
	_ =	sdelay $0x1  }
0xa1: {  	s23 =	simm.s32 $0x1B8B  }
0xa2: {  	_ =	swait.ge [sflag:s23], $0x1  }
0xa3: {  	[sflag:s23] =	ssyncset.done $0x0  }
0xa4: {  	s25 =	simm.s32 $0x1B8E;
	s24 =	sld [smem:$0x3FFE];
	[sflag:s23] =	ssyncadd.s32 $0xFFFFFFFF  }
0xa5: {  	s26 =	simm.s32 $execute0_lowered;
	[smem:$0x3FD2] =	sst s25  }
0xa6: {  	s5 =	sshll.u32 s26, $0x1;
	_ =	strace $0x80000049;
	[dreg:$0x1] =	wrdreg $0xFFFFFFFF  }
0xa7: {  	s28 =	simm.s32 $_size_execute0_lowered;
	s3 =	sadd.s32 s3, s5;
	[dreg:$0x0] =	wrdreg $0x0  }
0xa8: {  	s5 =	sshll.u32 s28, $0x1;
	[dreg:$0x2] =	wrdreg s3  }
0xa9: {  	[dreg:$0x3] =	wrdreg s5  }
0xaa: {  	[dreg:$0x4] =	wrdreg $0xC0  }
0xab: {  	_ =	task [dreg:s7], $0x5FFFF  }
0xac: {  	[dreg:$0x1] =	wrdreg $0xFFFFFFFF  }
0xad: {  	[dreg:$0x0] =	wrdreg $0x60  }
0xae: {  	[dreg:$0x2] =	wrdreg s2  }
0xaf: {  	[dreg:$0x3] =	wrdreg s24  }
0xb0: {  	[dreg:$0x4] =	wrdreg $0x9  }
0xb1: {  	_ =	task.clear_ibuf [dreg:s7], $0x5FFFF;
	_ =	strace $0x90000049  }
0xb2: {  	s29 =	simm.s32 $0x9;
	_ =	strace $0x8000004B  }
0xb3: {  	_ =	swait.ge [sflag:s29], $0x1  }
0xb4: {  	[sflag:s29] =	ssyncadd.s32 $0xFFFFFFFF  }
0xb5: {  	_ =	strace $0x9000004B  }
0xb6: {  	_ =	sfence  }
0xb7: {  	s30 =	sld [smem:$0x0];
	_ =	sdelay $0x2  }
0xb8: {  	s31 =	sshll.u32 s1, $0xD;
	s1 =	sshrl.u32 s1, $0x2  }
0xb9: {  	s3 =	sand.u32 $0x4000, s31;
	s1 =	sadd.s32 s1, s30  }
0xba: {  	s0 =	sor.u32 s3, s0;
	s1 =	sshll.u32 s1, $0x11  }
0xbb: {  	s0 =	sor.u32 s1, s0  }
0xbc: {  	s0 =	sadd.s32 $0x8F2B, s0  }
0xbd: {  	[sflag:s0] =	ssyncadd.remote.s32 $0x1  }
0xbe: {  	_ =	sfence.sel $0xFFFF  }
0xbf: {  	[dreg:$0x0] =	wrdreg $0xFFFFFFFF;
	(pc) =	sbr.abs _section_cstart, $3  }
0xc0: {  	[dreg:$0x1] =	wrdreg $0xFFFFFFFF  }
0xc1: {  	_ =	task.clear_ibuf [dreg:s7], $0x2FFFF;
	_ =	strace $0x9FFFFFFF  }
0xc2: {  	(tm) =	ssettm $0x7FFFFFFF  }
0xc3: {  	_ =	shalt  }
tec
execute0_lowered:
.L_overlay_start_1:
0x0: {  	(tag) =	ssettag $0x1  }
0x1: {  	s0 =	srdreg.scid;
	s1 =	rddreg [dreg:$0x0]  }
0x2: {  	s6 =	rddreg [dreg:$0x1];
	s5 =	stileid.u32  }
0x3: {  	s2 =	simm.s32 $0x0;
	s11 =	simm.s32 $0x3;
	s15 =	simm.s32 $0x1E400  }
0x4: {  	s16 =	simm.s32 $0x1EC00;
	s17 =	simm.s32 $0x1F400;
	s18 =	simm.s32 $0x1  }
0x5: {  	s19 =	simm.s32 $0xA000;
	s20 =	simm.s32 $0xC800;
	s21 =	simm.s32 $0x2800  }
0x6: {  	s22 =	simm.s32 $0xF000;
	s23 =	simm.s32 $0x11800;
	s24 =	simm.s32 $0x5000  }
0x7: {  	s25 =	simm.s32 $0x14000;
	s28 =	simm.s32 $0x7800;
	s0 =	sand.u32 $0x1, s0  }
0x8: {  	s29 =	simm.s32 $0x19000;
	s30 =	simm.s32 $0x1B800;
	s3 =	sshll.u32 s0, $0x4  }
0x9: {  	s31 =	simm.s32 $0x2;
	[smem:$0x7FF] =	sst s2;
	s3 =	sor.u32 s5, s3  }
0xa: {  	_ =	strace $0x8000004A;
	s0 =	ssub.s32 $0x2, s0;
	s4 =	sshrl.u32 s3, $0x3  }
0xb: {  	s5 =	sshll.u32 s5, $0x7;
	s26 =	sshrl.u32 s0, $0x1;
	s7 =	smul.u32 $0xA0000, s4  }
0xc: {  	s3 =	sadd.s32 $0x2800, s6;
	s8 =	sand.u32 $0x380, s5;
	s9 =	smul.u32 $0x50000, s4  }
0xd: {  	s5 =	sadd.s32 $0xC800, s6;
	s0 =	ssub.s32 s0, s26;
	s26 =	simm.s32 $0x16800  }
0xe: {  	s4 =	sadd.s32 $0x7800, s6;
	s7 =	sor.u32 s8, s7;
	s8 =	sor.u32 s8, s9  }
0xf: {  	s9 =	simm.s32 $0x400;
	s7 =	sshrl.u32 s7, $0x3;
	s8 =	sshrl.u32 s8, $0x3  }
0x10: {  	s7 =	sadd.s32 s7, s6;
	s6 =	sadd.s32 s1, s8;
	s8 =	smax.u32 s0, $0x1  }
0x11: {  	v0 =	vimm.f32 $0.0e+00;
	s1 =	simm.s32 $0x80;
	s0 =	simm.s32 $0x0;
	s7 =	sadd.s32 $0x1B800, s7  }
.LBB2_1:
0x12: {  	[tilespmem:s2], [sflag:$0x3] =	stream.strided.gather [hbm4b:s6+s1], $0xA000, s9, s1, $0x38;
	[tilespmem:$0x1F800] =	vst v63  }
0x13: {  	_ =	swait.ge [sflag:s11], $0xA000  }
0x14: {  	[sflag:s11] =	ssyncset.done $0x0  }
0x15: {  	s1 =	simm.s32 $0xA020;
	[sflag:s11] =	ssyncadd.s32 $0xFFFF6000  }
0x16: {  	[tilespmem:s1+$0xFFFFFFE0] =	vst v0  }
0x17: {  	[tilespmem:s1+$0x10] =	vst v0  }
0x18: {  	s9 =	simm.s32 $0x0;
	[tilespmem:s1+$0x0] =	vst v0  }
.LBB2_2:
0x19: {  	s9 =	sadd.s32 $0x4, s9  }
0x1a: {  	[tilespmem:s1+$0xFFFFFFF0] =	vst v0;
	s1 =	sadd.s32 $0x40, s1;
	p0 =	slt.u32 s9, $0x13FC  }
.Ltmp0:
0x1b: {  	[tilespmem:s1+$0xFFFFFFE0] =	vst v0;
	(pc) =	sbr.rel @p0 .LBB2_2-.Ltmp0, $3  }
0x1c: {  	_ =	sdelay $0x1  }
0x1d: {  	[tilespmem:s1+$0x10] =	vst v0  }
0x1e: {  	[tilespmem:s1+$0x0] =	vst v0  }
0x1f: {  	[tilespmem:s1+$0xFFFFFFF0] =	vst v0;
	s1 =	simm.s32 $0x0;
	s9 =	simm.s32 $0x1E000  }
0x20: {  	[tilespmem:s9], [sflag:$0x1] =	stream.linear.gather [hbm4b:s3+s1], $0x400, $0x38;
	[tilespmem:$0x1F800] =	vst v63  }
0x21: {  	s13 =	simm.s32 $0x1E800  }
0x22: {  	[tilespmem:s13], [sflag:$0x1] =	stream.linear.gather [hbm4b:s4+s1], $0x400, $0x38;
	[tilespmem:$0x1F800] =	vst v63  }
0x23: {  	s14 =	simm.s32 $0x1F000  }
0x24: {  	[tilespmem:s14], [sflag:$0x1] =	stream.linear.gather [hbm4b:s5+s1], $0x400, $0x38;
	[tilespmem:$0x1F800] =	vst v63  }
.LBB2_4:
0x25: {  	s12 =	sshll.u32 s1, $0x8  }
0x26: {  	s9 =	sor.u32 $0x80, s12  }
0x27: {  	s10 =	sadd.s32 s3, s9  }
0x28: {  	[tilespmem:s15], [sflag:$0x2] =	stream.linear.gather [hbm4b:s10+s2], $0x400, $0x38;
	[tilespmem:$0x1F800] =	vst v63  }
0x29: {  	s14 =	sadd.s32 s4, s9  }
0x2a: {  	[tilespmem:s16], [sflag:$0x2] =	stream.linear.gather [hbm4b:s14+s2], $0x400, $0x38;
	[tilespmem:$0x1F800] =	vst v63  }
0x2b: {  	s9 =	sadd.s32 s5, s9  }
0x2c: {  	[tilespmem:s17], [sflag:$0x2] =	stream.linear.gather [hbm4b:s9+s2], $0x400, $0x38;
	[tilespmem:$0x1F800] =	vst v63  }
0x2d: {  	_ =	swait.ge [sflag:s18], $0x400  }
0x2e: {  	[sflag:s18] =	ssyncset.done $0x0  }
0x2f: {  	[sflag:s18] =	ssyncadd.s32 $0xFFFFFC00  }
0x30: {  	_ =	swait.ge [sflag:s18], $0x400  }
0x31: {  	[sflag:s18] =	ssyncset.done $0x0  }
0x32: {  	[sflag:s18] =	ssyncadd.s32 $0xFFFFFC00  }
0x33: {  	_ =	swait.ge [sflag:s18], $0x400  }
0x34: {  	[sflag:s18] =	ssyncset.done $0x0  }
0x35: {  	s10 =	simm.s32 $0x1E020;
	[sflag:s18] =	ssyncadd.s32 $0xFFFFFC00  }
0x36: {  	v10 =	vld [tilespmem:s10+$0x10];
	_ =	sdelay $0x5  }
0x37: {  	s13 =	simm.s32 $0x1E820  }
0x38: {  	v11 =	vld [tilespmem:s13+$0x10]  }
0x39: {  	s14 =	simm.s32 $0x1F020;
	v2 =	vld.idx.msk [tilespmem:v10+s2+$0x0], $0xffff  }
0x3a: {  	v12 =	vld [tilespmem:s14+$0x10];
	_ =	sdelay $0x1  }
0x3b: {  	v1 =	vld [tilespmem:s10+$0xFFFFFFF0]  }
0x3c: {  	v4 =	vld [tilespmem:s10+$0xFFFFFFE0]  }
0x3d: {  	v5 =	vld [tilespmem:s10+$0x0];
	v3 =	vshll.u32 v2, $0x10  }
0x3e: {  	v9 =	vld [tilespmem:s14+$0xFFFFFFE0];
	v2 =	vand.u32 $0xFFFF0000, v2;
	v3 =	vmul.f32 v3, v12  }
0x3f: {  	v6 =	vld [tilespmem:s13+$0xFFFFFFE0];
	v2 =	vmul.f32 v2, v12  }
0x40: {  	[tilespmem:v11+s19+$0x0] =	vst.idx.add.f32.msk $0xffff, v3  }
0x41: {  	[tilespmem:v11+s20+$0x0] =	vst.idx.add.f32.msk $0xffff, v2  }
0x42: {  	v3 =	vld.idx.msk [tilespmem:v10+s21+$0x0], $0xffff  }
0x43: {  	v8 =	vld [tilespmem:s14+$0xFFFFFFF0]  }
0x44: {  	v7 =	vld [tilespmem:s14+$0x0]  }
0x45: {  	v13 =	vld.idx.msk [tilespmem:v4+s2+$0x0], $0xffff  }
0x46: {  	v14 =	vld.idx.msk [tilespmem:v1+s2+$0x0], $0xffff  }
0x47: {  	v2 =	vld [tilespmem:s13+$0xFFFFFFF0];
	v16 =	vshll.u32 v3, $0x10  }
0x48: {  	v15 =	vld.idx.msk [tilespmem:v5+s2+$0x0], $0xffff;
	v17 =	vand.u32 $0xFFFF0000, v3;
	v16 =	vmul.f32 v16, v12  }
0x49: {  	v3 =	vld [tilespmem:s13+$0x0];
	v17 =	vmul.f32 v17, v12  }
0x4a: {  	v18 =	vshll.u32 v13, $0x10;
	[tilespmem:v11+s22+$0x0] =	vst.idx.add.f32.msk $0xffff, v16  }
0x4b: {  	v13 =	vand.u32 $0xFFFF0000, v13;
	v57 =	vmul.f32 v18, v9;
	[tilespmem:v11+s23+$0x0] =	vst.idx.add.f32.msk $0xffff, v17  }
0x4c: {  	v58 =	vshll.u32 v14, $0x10;
	v13 =	vmul.f32 v13, v9;
	v59 =	vld.idx.msk [tilespmem:v10+s24+$0x0], $0xffff  }
0x4d: {  	v14 =	vand.u32 $0xFFFF0000, v14;
	[tilespmem:v6+s19+$0x0] =	vst.idx.add.f32.msk $0xffff, v57;
	v17 =	vmul.f32 v58, v8  }
0x4e: {  	v60 =	vshll.u32 v15, $0x10;
	v14 =	vmul.f32 v14, v8;
	[tilespmem:v6+s20+$0x0] =	vst.idx.add.f32.msk $0xffff, v13  }
0x4f: {  	v13 =	vmul.f32 v60, v7;
	[tilespmem:v2+s19+$0x0] =	vst.idx.add.f32.msk $0xffff, v17  }
0x50: {  	[tilespmem:v2+s20+$0x0] =	vst.idx.add.f32.msk $0xffff, v14  }
0x51: {  	[tilespmem:v3+s19+$0x0] =	vst.idx.add.f32.msk $0xffff, v13;
	v13 =	vshll.u32 v59, $0x10  }
0x52: {  	v14 =	vld.idx.msk [tilespmem:v4+s21+$0x0], $0xffff;
	v61 =	vand.u32 $0xFFFF0000, v59;
	v13 =	vmul.f32 v13, v12  }
0x53: {  	v17 =	vld.idx.msk [tilespmem:v1+s21+$0x0], $0xffff;
	v16 =	vmul.f32 v61, v12  }
0x54: {  	v15 =	vand.u32 $0xFFFF0000, v15;
	[tilespmem:v11+s25+$0x0] =	vst.idx.add.f32.msk $0xffff, v13  }
0x55: {  	v13 =	vmul.f32 v15, v7;
	[tilespmem:v11+s26+$0x0] =	vst.idx.add.f32.msk $0xffff, v16  }
0x56: {  	v10 =	vld.idx.msk [tilespmem:v10+s28+$0x0], $0xffff  }
0x57: {  	[tilespmem:v3+s20+$0x0] =	vst.idx.add.f32.msk $0xffff, v13;
	v13 =	vshll.u32 v14, $0x10  }
0x58: {  	v14 =	vand.u32 $0xFFFF0000, v14;
	v15 =	vld.idx.msk [tilespmem:v5+s21+$0x0], $0xffff;
	v13 =	vmul.f32 v13, v9  }
0x59: {  	v62 =	vshll.u32 v17, $0x10;
	v14 =	vmul.f32 v14, v9  }
0x5a: {  	v17 =	vand.u32 $0xFFFF0000, v17;
	v16 =	vmul.f32 v62, v8;
	[tilespmem:v6+s22+$0x0] =	vst.idx.add.f32.msk $0xffff, v13  }
0x5b: {  	v13 =	vmul.f32 v17, v8;
	[tilespmem:v6+s23+$0x0] =	vst.idx.add.f32.msk $0xffff, v14;
	v14 =	vshll.u32 v10, $0x10  }
0x5c: {  	[tilespmem:v2+s22+$0x0] =	vst.idx.add.f32.msk $0xffff, v16;
	v10 =	vand.u32 $0xFFFF0000, v10;
	v14 =	vmul.f32 v14, v12  }
0x5d: {  	[tilespmem:v2+s23+$0x0] =	vst.idx.add.f32.msk $0xffff, v13;
	v63 =	vshll.u32 v15, $0x10;
	v10 =	vmul.f32 v10, v12  }
0x5e: {  	v13 =	vmul.f32 v63, v7;
	[tilespmem:v11+s29+$0x0] =	vst.idx.add.f32.msk $0xffff, v14  }
0x5f: {  	v12 =	vand.u32 $0xFFFF0000, v15;
	[tilespmem:v11+s30+$0x0] =	vst.idx.add.f32.msk $0xffff, v10  }
0x60: {  	v12 =	vmul.f32 v12, v7;
	[tilespmem:v3+s22+$0x0] =	vst.idx.add.f32.msk $0xffff, v13  }
0x61: {  	v13 =	vld.idx.msk [tilespmem:v4+s24+$0x0], $0xffff  }
0x62: {  	[tilespmem:v3+s23+$0x0] =	vst.idx.add.f32.msk $0xffff, v12  }
0x63: {  	v12 =	vld.idx.msk [tilespmem:v1+s24+$0x0], $0xffff  }
0x64: {  	v10 =	vld.idx.msk [tilespmem:v5+s24+$0x0], $0xffff;
	_ =	sdelay $0x1  }
0x65: {  	s9 =	simm.s32 $0x0;
	s10 =	simm.s32 $0x1E060  }
.LBB2_5:
0x66: {  	v11 =	vld [tilespmem:s10+$0x10];
	v14 =	vshll.u32 v13, $0x10;
	v13 =	vand.u32 $0xFFFF0000, v13  }
0x67: {  	v16 =	vshll.u32 v12, $0x10;
	v12 =	vand.u32 $0xFFFF0000, v12;
	v15 =	vld [tilespmem:s10+$0xFFFFFFF0];
	v14 =	vmul.f32 v14, v9  }
0x68: {  	v13 =	vmul.f32 v13, v9;
	v18 =	vshll.u32 v10, $0x10;
	v10 =	vand.u32 $0xFFFF0000, v10;
	v17 =	vld [tilespmem:s10+$0x0]  }
0x69: {  	v16 =	vmul.f32 v16, v8;
	v12 =	vmul.f32 v12, v8;
	v19 =	vld [tilespmem:s10+$0xFFFFFFE0]  }
0x6a: {  	s9 =	sadd.s32 $0x4, s9;
	[tilespmem:v6+s25+$0x0] =	vst.idx.add.f32.msk $0xffff, v14;
	v14 =	vmul.f32 v18, v7;
	v18 =	vmul.f32 v10, v7  }
0x6b: {  	p0 =	slt.u32 s9, $0x3C;
	[tilespmem:v6+s26+$0x0] =	vst.idx.add.f32.msk $0xffff, v13  }
0x6c: {  	[tilespmem:v2+s25+$0x0] =	vst.idx.add.f32.msk $0xffff, v16  }
0x6d: {  	[tilespmem:v2+s26+$0x0] =	vst.idx.add.f32.msk $0xffff, v12  }
0x6e: {  	s13 =	sadd.s32 $0x40, s13;
	v13 =	vld.idx.msk [tilespmem:v11+s2+$0x0], $0xffff  }
0x6f: {  	s14 =	sadd.s32 $0x40, s14;
	v10 =	vld [tilespmem:s13+$0x10]  }
0x70: {  	v12 =	vld [tilespmem:s14+$0x10]  }
0x71: {  	v16 =	vld.idx.msk [tilespmem:v19+s2+$0x0], $0xffff  }
0x72: {  	v20 =	vld.idx.msk [tilespmem:v15+s2+$0x0], $0xffff  }
0x73: {  	v21 =	vld.idx.msk [tilespmem:v17+s2+$0x0], $0xffff  }
0x74: {  	v23 =	vshll.u32 v13, $0x10;
	v22 =	vld [tilespmem:s14+$0xFFFFFFE0]  }
0x75: {  	v13 =	vand.u32 $0xFFFF0000, v13;
	v24 =	vld [tilespmem:s14+$0xFFFFFFF0];
	v23 =	vmul.f32 v23, v12  }
0x76: {  	v13 =	vmul.f32 v13, v12;
	v25 =	vld [tilespmem:s14+$0x0]  }
0x77: {  	v26 =	vshll.u32 v16, $0x10;
	v16 =	vand.u32 $0xFFFF0000, v16;
	[tilespmem:v10+s19+$0x0] =	vst.idx.add.f32.msk $0xffff, v23  }
0x78: {  	v23 =	vshll.u32 v20, $0x10;
	v20 =	vand.u32 $0xFFFF0000, v20;
	[tilespmem:v10+s20+$0x0] =	vst.idx.add.f32.msk $0xffff, v13  }
0x79: {  	v13 =	vmul.f32 v26, v22;
	v26 =	vshll.u32 v21, $0x10;
	v21 =	vand.u32 $0xFFFF0000, v21;
	v27 =	vld.idx.msk [tilespmem:v11+s21+$0x0], $0xffff  }
0x7a: {  	v16 =	vmul.f32 v16, v22;
	v28 =	vld [tilespmem:s13+$0xFFFFFFE0];
	v23 =	vmul.f32 v23, v24  }
0x7b: {  	v20 =	vmul.f32 v20, v24;
	v29 =	vld [tilespmem:s13+$0xFFFFFFF0];
	v26 =	vmul.f32 v26, v25  }
0x7c: {  	v21 =	vmul.f32 v21, v25;
	v30 =	vld [tilespmem:s13+$0x0]  }
0x7d: {  	[tilespmem:v3+s25+$0x0] =	vst.idx.add.f32.msk $0xffff, v14  }
0x7e: {  	[tilespmem:v3+s26+$0x0] =	vst.idx.add.f32.msk $0xffff, v18  }
0x7f: {  	v14 =	vshll.u32 v27, $0x10;
	v18 =	vld.idx.msk [tilespmem:v4+s28+$0x0], $0xffff;
	v4 =	vmov v19  }
0x80: {  	v19 =	vand.u32 $0xFFFF0000, v27;
	v14 =	vmul.f32 v14, v12;
	v27 =	vld.idx.msk [tilespmem:v1+s28+$0x0], $0xffff;
	v1 =	vmov v15  }
0x81: {  	v15 =	vmul.f32 v19, v12;
	v19 =	vld.idx.msk [tilespmem:v5+s28+$0x0], $0xffff;
	v5 =	vmov v17  }
0x82: {  	[tilespmem:v10+s22+$0x0] =	vst.idx.add.f32.msk $0xffff, v14  }
0x83: {  	[tilespmem:v10+s23+$0x0] =	vst.idx.add.f32.msk $0xffff, v15  }
0x84: {  	v14 =	vld.idx.msk [tilespmem:v11+s24+$0x0], $0xffff  }
0x85: {  	v15 =	vand.u32 $0xFFFF0000, v18;
	[tilespmem:v28+s19+$0x0] =	vst.idx.add.f32.msk $0xffff, v13;
	v13 =	vshll.u32 v18, $0x10  }
0x86: {  	v17 =	vand.u32 $0xFFFF0000, v27;
	[tilespmem:v28+s20+$0x0] =	vst.idx.add.f32.msk $0xffff, v16;
	v13 =	vmul.f32 v13, v9;
	v16 =	vshll.u32 v27, $0x10  }
0x87: {  	v15 =	vmul.f32 v15, v9;
	v18 =	vshll.u32 v19, $0x10;
	v19 =	vand.u32 $0xFFFF0000, v19;
	v9 =	vmovc v22;
	[tilespmem:v29+s19+$0x0] =	vst.idx.add.f32.msk $0xffff, v23  }
0x88: {  	v17 =	vmul.f32 v17, v8;
	v16 =	vmul.f32 v16, v8;
	v8 =	vmov v24;
	[tilespmem:v29+s20+$0x0] =	vst.idx.add.f32.msk $0xffff, v20  }
0x89: {  	v18 =	vmul.f32 v18, v7;
	v19 =	vmul.f32 v19, v7;
	v7 =	vmov v25;
	[tilespmem:v30+s19+$0x0] =	vst.idx.add.f32.msk $0xffff, v26  }
0x8a: {  	v20 =	vshll.u32 v14, $0x10;
	[tilespmem:v30+s20+$0x0] =	vst.idx.add.f32.msk $0xffff, v21  }
0x8b: {  	v14 =	vand.u32 $0xFFFF0000, v14;
	v20 =	vmul.f32 v20, v12;
	v21 =	vld.idx.msk [tilespmem:v4+s21+$0x0], $0xffff  }
0x8c: {  	v14 =	vmul.f32 v14, v12;
	v22 =	vld.idx.msk [tilespmem:v1+s21+$0x0], $0xffff  }
0x8d: {  	[tilespmem:v10+s25+$0x0] =	vst.idx.add.f32.msk $0xffff, v20  }
0x8e: {  	[tilespmem:v10+s26+$0x0] =	vst.idx.add.f32.msk $0xffff, v14  }
0x8f: {  	v11 =	vld.idx.msk [tilespmem:v11+s28+$0x0], $0xffff  }
0x90: {  	v14 =	vld.idx.msk [tilespmem:v5+s21+$0x0], $0xffff  }
0x91: {  	v20 =	vshll.u32 v21, $0x10;
	v21 =	vand.u32 $0xFFFF0000, v21;
	[tilespmem:v6+s29+$0x0] =	vst.idx.add.f32.msk $0xffff, v13  }
0x92: {  	v13 =	vmul.f32 v20, v9;
	v20 =	vshll.u32 v22, $0x10;
	v22 =	vand.u32 $0xFFFF0000, v22;
	[tilespmem:v6+s30+$0x0] =	vst.idx.add.f32.msk $0xffff, v15;
	v6 =	vmovc v28  }
0x93: {  	v15 =	vmul.f32 v21, v9;
	v20 =	vmul.f32 v20, v8;
	[tilespmem:v2+s29+$0x0] =	vst.idx.add.f32.msk $0xffff, v16  }
0x94: {  	[tilespmem:v28+s22+$0x0] =	vst.idx.add.f32.msk $0xffff, v13;
	v13 =	vmul.f32 v22, v8  }
0x95: {  	[tilespmem:v28+s23+$0x0] =	vst.idx.add.f32.msk $0xffff, v15;
	v15 =	vshll.u32 v11, $0x10  }
0x96: {  	v16 =	vshll.u32 v14, $0x10;
	v11 =	vand.u32 $0xFFFF0000, v11;
	[tilespmem:v29+s22+$0x0] =	vst.idx.add.f32.msk $0xffff, v20;
	v15 =	vmul.f32 v15, v12  }
0x97: {  	v11 =	vmul.f32 v11, v12;
	[tilespmem:v29+s23+$0x0] =	vst.idx.add.f32.msk $0xffff, v13;
	v13 =	vand.u32 $0xFFFF0000, v14;
	v14 =	vmul.f32 v16, v7  }
0x98: {  	v12 =	vmul.f32 v13, v7;
	[tilespmem:v10+s29+$0x0] =	vst.idx.add.f32.msk $0xffff, v15  }
0x99: {  	[tilespmem:v10+s30+$0x0] =	vst.idx.add.f32.msk $0xffff, v11  }
0x9a: {  	[tilespmem:v30+s22+$0x0] =	vst.idx.add.f32.msk $0xffff, v14  }
0x9b: {  	[tilespmem:v30+s23+$0x0] =	vst.idx.add.f32.msk $0xffff, v12  }
0x9c: {  	v13 =	vld.idx.msk [tilespmem:v4+s24+$0x0], $0xffff  }
.Ltmp1:
0x9d: {  	v12 =	vld.idx.msk [tilespmem:v1+s24+$0x0], $0xffff;
	(pc) =	sbr.rel @p0 .LBB2_5-.Ltmp1, $4  }
0x9e: {  	v10 =	vld.idx.msk [tilespmem:v5+s24+$0x0], $0xffff  }
0x9f: {  	[tilespmem:v2+s30+$0x0] =	vst.idx.add.f32.msk $0xffff, v17;
	v2 =	vmov v29  }
0xa0: {  	[tilespmem:v3+s29+$0x0] =	vst.idx.add.f32.msk $0xffff, v18  }
0xa1: {  	s10 =	sadd.s32 $0x40, s10;
	[tilespmem:v3+s30+$0x0] =	vst.idx.add.f32.msk $0xffff, v19;
	v3 =	vmov v30  }
0xa2: {  	_ = 	snop  }
0xa3: {  	v11 =	vshll.u32 v13, $0x10  }
0xa4: {  	v14 =	vshll.u32 v12, $0x10;
	v11 =	vmul.f32 v11, v9  }
0xa5: {  	v13 =	vand.u32 $0xFFFF0000, v13;
	v14 =	vmul.f32 v14, v8  }
0xa6: {  	v12 =	vand.u32 $0xFFFF0000, v12;
	v13 =	vmul.f32 v13, v9;
	[tilespmem:v6+s25+$0x0] =	vst.idx.add.f32.msk $0xffff, v11  }
0xa7: {  	v11 =	vmul.f32 v12, v8;
	[tilespmem:v2+s25+$0x0] =	vst.idx.add.f32.msk $0xffff, v14  }
0xa8: {  	v12 =	vshll.u32 v10, $0x10;
	[tilespmem:v6+s26+$0x0] =	vst.idx.add.f32.msk $0xffff, v13  }
0xa9: {  	v12 =	vmul.f32 v12, v7;
	[tilespmem:v2+s26+$0x0] =	vst.idx.add.f32.msk $0xffff, v11  }
0xaa: {  	v10 =	vand.u32 $0xFFFF0000, v10;
	v4 =	vld.idx.msk [tilespmem:v4+s28+$0x0], $0xffff  }
0xab: {  	v10 =	vmul.f32 v10, v7;
	[tilespmem:v3+s25+$0x0] =	vst.idx.add.f32.msk $0xffff, v12  }
0xac: {  	v1 =	vld.idx.msk [tilespmem:v1+s28+$0x0], $0xffff  }
0xad: {  	[tilespmem:v3+s26+$0x0] =	vst.idx.add.f32.msk $0xffff, v10  }
0xae: {  	v5 =	vld.idx.msk [tilespmem:v5+s28+$0x0], $0xffff  }
0xaf: {  	v10 =	vshll.u32 v4, $0x10  }
0xb0: {  	v4 =	vand.u32 $0xFFFF0000, v4;
	v10 =	vmul.f32 v10, v9  }
0xb1: {  	v11 =	vshll.u32 v1, $0x10;
	v4 =	vmul.f32 v4, v9  }
0xb2: {  	v1 =	vand.u32 $0xFFFF0000, v1;
	v9 =	vmul.f32 v11, v8;
	[tilespmem:v6+s29+$0x0] =	vst.idx.add.f32.msk $0xffff, v10  }
0xb3: {  	v1 =	vmul.f32 v1, v8;
	v10 =	vshll.u32 v5, $0x10;
	[tilespmem:v6+s30+$0x0] =	vst.idx.add.f32.msk $0xffff, v4  }
0xb4: {  	v4 =	vand.u32 $0xFFFF0000, v5;
	v5 =	vmul.f32 v10, v7;
	[tilespmem:v2+s29+$0x0] =	vst.idx.add.f32.msk $0xffff, v9  }
0xb5: {  	p0 =	seq.s32 s1, $0x4F;
	v4 =	vmul.f32 v4, v7;
	[tilespmem:v2+s30+$0x0] =	vst.idx.add.f32.msk $0xffff, v1  }
0xb6: {  	s9 =	sadd.s32 @!p0 $0x100, s12;
	[tilespmem:v3+s29+$0x0] =	vst.idx.add.f32.msk $0xffff, v5  }
0xb7: {  	s12 =	simm.s32 @!p0 $0x0;
	s13 =	simm.s32 @!p0 $0x1E000;
	s10 =	sadd.s32 @!p0 s3, s9;
	[tilespmem:v3+s30+$0x0] =	vst.idx.add.f32.msk $0xffff, v4  }
0xb8: {  	[tilespmem:s13], [sflag:$0x1] =	stream.linear.gather @!p0 [hbm4b:s10+s12], $0x400, $0x38;
	[tilespmem:$0x1F800] =	vst v63  }
0xb9: {  	s10 =	sadd.s32 @!p0 s4, s9;
	s13 =	simm.s32 @!p0 $0x1E800  }
0xba: {  	[tilespmem:s13], [sflag:$0x1] =	stream.linear.gather @!p0 [hbm4b:s10+s12], $0x400, $0x38;
	[tilespmem:$0x1F800] =	vst v63  }
0xbb: {  	s9 =	sadd.s32 @!p0 s5, s9;
	s10 =	simm.s32 @!p0 $0x1F000  }
0xbc: {  	[tilespmem:s10], [sflag:$0x1] =	stream.linear.gather @!p0 [hbm4b:s9+s12], $0x400, $0x38;
	[tilespmem:$0x1F800] =	vst v63  }
0xbd: {  	_ =	swait.ge [sflag:s31], $0x400  }
0xbe: {  	[sflag:s31] =	ssyncset.done $0x0  }
0xbf: {  	[sflag:s31] =	ssyncadd.s32 $0xFFFFFC00  }
0xc0: {  	_ =	swait.ge [sflag:s31], $0x400  }
0xc1: {  	[sflag:s31] =	ssyncset.done $0x0  }
0xc2: {  	[sflag:s31] =	ssyncadd.s32 $0xFFFFFC00  }
0xc3: {  	_ =	swait.ge [sflag:s31], $0x400  }
0xc4: {  	[sflag:s31] =	ssyncset.done $0x0  }
0xc5: {  	s14 =	simm.s32 $0x1E420;
	[sflag:s31] =	ssyncadd.s32 $0xFFFFFC00  }
0xc6: {  	v10 =	vld [tilespmem:s14+$0x10];
	_ =	sdelay $0x5  }
0xc7: {  	s12 =	simm.s32 $0x1EC20  }
0xc8: {  	v11 =	vld [tilespmem:s12+$0x10]  }
0xc9: {  	s13 =	simm.s32 $0x1F420;
	v2 =	vld.idx.msk [tilespmem:v10+s2+$0x0], $0xffff  }
0xca: {  	v12 =	vld [tilespmem:s13+$0x10];
	_ =	sdelay $0x1  }
0xcb: {  	v1 =	vld [tilespmem:s14+$0xFFFFFFF0]  }
0xcc: {  	v4 =	vld [tilespmem:s14+$0xFFFFFFE0]  }
0xcd: {  	v5 =	vld [tilespmem:s14+$0x0];
	v3 =	vshll.u32 v2, $0x10  }
0xce: {  	v9 =	vld [tilespmem:s13+$0xFFFFFFE0];
	v2 =	vand.u32 $0xFFFF0000, v2;
	v3 =	vmul.f32 v3, v12  }
0xcf: {  	v6 =	vld [tilespmem:s12+$0xFFFFFFE0];
	v2 =	vmul.f32 v2, v12  }
0xd0: {  	[tilespmem:v11+s19+$0x0] =	vst.idx.add.f32.msk $0xffff, v3  }
0xd1: {  	[tilespmem:v11+s20+$0x0] =	vst.idx.add.f32.msk $0xffff, v2  }
0xd2: {  	v3 =	vld.idx.msk [tilespmem:v10+s21+$0x0], $0xffff  }
0xd3: {  	v8 =	vld [tilespmem:s13+$0xFFFFFFF0]  }
0xd4: {  	v7 =	vld [tilespmem:s13+$0x0]  }
0xd5: {  	v13 =	vld.idx.msk [tilespmem:v4+s2+$0x0], $0xffff  }
0xd6: {  	v14 =	vld.idx.msk [tilespmem:v1+s2+$0x0], $0xffff  }
0xd7: {  	v2 =	vld [tilespmem:s12+$0xFFFFFFF0];
	v16 =	vshll.u32 v3, $0x10  }
0xd8: {  	v15 =	vld.idx.msk [tilespmem:v5+s2+$0x0], $0xffff;
	v17 =	vand.u32 $0xFFFF0000, v3;
	v16 =	vmul.f32 v16, v12  }
0xd9: {  	v3 =	vld [tilespmem:s12+$0x0];
	v17 =	vmul.f32 v17, v12  }
0xda: {  	v18 =	vshll.u32 v13, $0x10;
	[tilespmem:v11+s22+$0x0] =	vst.idx.add.f32.msk $0xffff, v16  }
0xdb: {  	v13 =	vand.u32 $0xFFFF0000, v13;
	v57 =	vmul.f32 v18, v9;
	[tilespmem:v11+s23+$0x0] =	vst.idx.add.f32.msk $0xffff, v17  }
0xdc: {  	v58 =	vshll.u32 v14, $0x10;
	v13 =	vmul.f32 v13, v9;
	v59 =	vld.idx.msk [tilespmem:v10+s24+$0x0], $0xffff  }
0xdd: {  	v14 =	vand.u32 $0xFFFF0000, v14;
	[tilespmem:v6+s19+$0x0] =	vst.idx.add.f32.msk $0xffff, v57;
	v17 =	vmul.f32 v58, v8  }
0xde: {  	v60 =	vshll.u32 v15, $0x10;
	v14 =	vmul.f32 v14, v8;
	[tilespmem:v6+s20+$0x0] =	vst.idx.add.f32.msk $0xffff, v13  }
0xdf: {  	v13 =	vmul.f32 v60, v7;
	[tilespmem:v2+s19+$0x0] =	vst.idx.add.f32.msk $0xffff, v17  }
0xe0: {  	[tilespmem:v2+s20+$0x0] =	vst.idx.add.f32.msk $0xffff, v14  }
0xe1: {  	[tilespmem:v3+s19+$0x0] =	vst.idx.add.f32.msk $0xffff, v13;
	v13 =	vshll.u32 v59, $0x10  }
0xe2: {  	v14 =	vld.idx.msk [tilespmem:v4+s21+$0x0], $0xffff;
	v61 =	vand.u32 $0xFFFF0000, v59;
	v13 =	vmul.f32 v13, v12  }
0xe3: {  	v17 =	vld.idx.msk [tilespmem:v1+s21+$0x0], $0xffff;
	v16 =	vmul.f32 v61, v12  }
0xe4: {  	v15 =	vand.u32 $0xFFFF0000, v15;
	[tilespmem:v11+s25+$0x0] =	vst.idx.add.f32.msk $0xffff, v13  }
0xe5: {  	v13 =	vmul.f32 v15, v7;
	[tilespmem:v11+s26+$0x0] =	vst.idx.add.f32.msk $0xffff, v16  }
0xe6: {  	v10 =	vld.idx.msk [tilespmem:v10+s28+$0x0], $0xffff  }
0xe7: {  	[tilespmem:v3+s20+$0x0] =	vst.idx.add.f32.msk $0xffff, v13;
	v13 =	vshll.u32 v14, $0x10  }
0xe8: {  	v14 =	vand.u32 $0xFFFF0000, v14;
	v15 =	vld.idx.msk [tilespmem:v5+s21+$0x0], $0xffff;
	v13 =	vmul.f32 v13, v9  }
0xe9: {  	v62 =	vshll.u32 v17, $0x10;
	v14 =	vmul.f32 v14, v9  }
0xea: {  	v17 =	vand.u32 $0xFFFF0000, v17;
	v16 =	vmul.f32 v62, v8;
	[tilespmem:v6+s22+$0x0] =	vst.idx.add.f32.msk $0xffff, v13  }
0xeb: {  	v13 =	vmul.f32 v17, v8;
	[tilespmem:v6+s23+$0x0] =	vst.idx.add.f32.msk $0xffff, v14;
	v14 =	vshll.u32 v10, $0x10  }
0xec: {  	[tilespmem:v2+s22+$0x0] =	vst.idx.add.f32.msk $0xffff, v16;
	v10 =	vand.u32 $0xFFFF0000, v10;
	v14 =	vmul.f32 v14, v12  }
0xed: {  	[tilespmem:v2+s23+$0x0] =	vst.idx.add.f32.msk $0xffff, v13;
	v63 =	vshll.u32 v15, $0x10;
	v10 =	vmul.f32 v10, v12  }
0xee: {  	v13 =	vmul.f32 v63, v7;
	[tilespmem:v11+s29+$0x0] =	vst.idx.add.f32.msk $0xffff, v14  }
0xef: {  	v12 =	vand.u32 $0xFFFF0000, v15;
	[tilespmem:v11+s30+$0x0] =	vst.idx.add.f32.msk $0xffff, v10  }
0xf0: {  	v12 =	vmul.f32 v12, v7;
	[tilespmem:v3+s22+$0x0] =	vst.idx.add.f32.msk $0xffff, v13  }
0xf1: {  	v13 =	vld.idx.msk [tilespmem:v4+s24+$0x0], $0xffff  }
0xf2: {  	[tilespmem:v3+s23+$0x0] =	vst.idx.add.f32.msk $0xffff, v12  }
0xf3: {  	v12 =	vld.idx.msk [tilespmem:v1+s24+$0x0], $0xffff  }
0xf4: {  	v10 =	vld.idx.msk [tilespmem:v5+s24+$0x0], $0xffff;
	_ =	sdelay $0x1  }
0xf5: {  	s9 =	simm.s32 $0x0;
	s10 =	simm.s32 $0x1E460  }
.LBB2_7:
0xf6: {  	v11 =	vld [tilespmem:s10+$0x10];
	v14 =	vshll.u32 v13, $0x10;
	v13 =	vand.u32 $0xFFFF0000, v13  }
0xf7: {  	v16 =	vshll.u32 v12, $0x10;
	v12 =	vand.u32 $0xFFFF0000, v12;
	v15 =	vld [tilespmem:s10+$0xFFFFFFF0];
	v14 =	vmul.f32 v14, v9  }
0xf8: {  	v13 =	vmul.f32 v13, v9;
	v18 =	vshll.u32 v10, $0x10;
	v10 =	vand.u32 $0xFFFF0000, v10;
	v17 =	vld [tilespmem:s10+$0x0]  }
0xf9: {  	v16 =	vmul.f32 v16, v8;
	v12 =	vmul.f32 v12, v8;
	v19 =	vld [tilespmem:s10+$0xFFFFFFE0]  }
0xfa: {  	s9 =	sadd.s32 $0x4, s9;
	[tilespmem:v6+s25+$0x0] =	vst.idx.add.f32.msk $0xffff, v14;
	v14 =	vmul.f32 v18, v7;
	v18 =	vmul.f32 v10, v7  }
0xfb: {  	p0 =	slt.u32 s9, $0x3C;
	[tilespmem:v6+s26+$0x0] =	vst.idx.add.f32.msk $0xffff, v13  }
0xfc: {  	[tilespmem:v2+s25+$0x0] =	vst.idx.add.f32.msk $0xffff, v16  }
0xfd: {  	[tilespmem:v2+s26+$0x0] =	vst.idx.add.f32.msk $0xffff, v12  }
0xfe: {  	s12 =	sadd.s32 $0x40, s12;
	v13 =	vld.idx.msk [tilespmem:v11+s2+$0x0], $0xffff  }
0xff: {  	s13 =	sadd.s32 $0x40, s13;
	v10 =	vld [tilespmem:s12+$0x10]  }
0x100: {  	v12 =	vld [tilespmem:s13+$0x10]  }
0x101: {  	v16 =	vld.idx.msk [tilespmem:v19+s2+$0x0], $0xffff  }
0x102: {  	v20 =	vld.idx.msk [tilespmem:v15+s2+$0x0], $0xffff  }
0x103: {  	v21 =	vld.idx.msk [tilespmem:v17+s2+$0x0], $0xffff  }
0x104: {  	v23 =	vshll.u32 v13, $0x10;
	v22 =	vld [tilespmem:s13+$0xFFFFFFE0]  }
0x105: {  	v13 =	vand.u32 $0xFFFF0000, v13;
	v24 =	vld [tilespmem:s13+$0xFFFFFFF0];
	v23 =	vmul.f32 v23, v12  }
0x106: {  	v13 =	vmul.f32 v13, v12;
	v25 =	vld [tilespmem:s13+$0x0]  }
0x107: {  	v26 =	vshll.u32 v16, $0x10;
	v16 =	vand.u32 $0xFFFF0000, v16;
	[tilespmem:v10+s19+$0x0] =	vst.idx.add.f32.msk $0xffff, v23  }
0x108: {  	v23 =	vshll.u32 v20, $0x10;
	v20 =	vand.u32 $0xFFFF0000, v20;
	[tilespmem:v10+s20+$0x0] =	vst.idx.add.f32.msk $0xffff, v13  }
0x109: {  	v13 =	vmul.f32 v26, v22;
	v26 =	vshll.u32 v21, $0x10;
	v21 =	vand.u32 $0xFFFF0000, v21;
	v27 =	vld.idx.msk [tilespmem:v11+s21+$0x0], $0xffff  }
0x10a: {  	v16 =	vmul.f32 v16, v22;
	v28 =	vld [tilespmem:s12+$0xFFFFFFE0];
	v23 =	vmul.f32 v23, v24  }
0x10b: {  	v20 =	vmul.f32 v20, v24;
	v29 =	vld [tilespmem:s12+$0xFFFFFFF0];
	v26 =	vmul.f32 v26, v25  }
0x10c: {  	v21 =	vmul.f32 v21, v25;
	v30 =	vld [tilespmem:s12+$0x0]  }
0x10d: {  	[tilespmem:v3+s25+$0x0] =	vst.idx.add.f32.msk $0xffff, v14  }
0x10e: {  	[tilespmem:v3+s26+$0x0] =	vst.idx.add.f32.msk $0xffff, v18  }
0x10f: {  	v14 =	vshll.u32 v27, $0x10;
	v18 =	vld.idx.msk [tilespmem:v4+s28+$0x0], $0xffff;
	v4 =	vmov v19  }
0x110: {  	v19 =	vand.u32 $0xFFFF0000, v27;
	v14 =	vmul.f32 v14, v12;
	v27 =	vld.idx.msk [tilespmem:v1+s28+$0x0], $0xffff;
	v1 =	vmov v15  }
0x111: {  	v15 =	vmul.f32 v19, v12;
	v19 =	vld.idx.msk [tilespmem:v5+s28+$0x0], $0xffff;
	v5 =	vmov v17  }
0x112: {  	[tilespmem:v10+s22+$0x0] =	vst.idx.add.f32.msk $0xffff, v14  }
0x113: {  	[tilespmem:v10+s23+$0x0] =	vst.idx.add.f32.msk $0xffff, v15  }
0x114: {  	v14 =	vld.idx.msk [tilespmem:v11+s24+$0x0], $0xffff  }
0x115: {  	v15 =	vand.u32 $0xFFFF0000, v18;
	[tilespmem:v28+s19+$0x0] =	vst.idx.add.f32.msk $0xffff, v13;
	v13 =	vshll.u32 v18, $0x10  }
0x116: {  	v17 =	vand.u32 $0xFFFF0000, v27;
	[tilespmem:v28+s20+$0x0] =	vst.idx.add.f32.msk $0xffff, v16;
	v13 =	vmul.f32 v13, v9;
	v16 =	vshll.u32 v27, $0x10  }
0x117: {  	v15 =	vmul.f32 v15, v9;
	v18 =	vshll.u32 v19, $0x10;
	v19 =	vand.u32 $0xFFFF0000, v19;
	v9 =	vmovc v22;
	[tilespmem:v29+s19+$0x0] =	vst.idx.add.f32.msk $0xffff, v23  }
0x118: {  	v17 =	vmul.f32 v17, v8;
	v16 =	vmul.f32 v16, v8;
	v8 =	vmov v24;
	[tilespmem:v29+s20+$0x0] =	vst.idx.add.f32.msk $0xffff, v20  }
0x119: {  	v18 =	vmul.f32 v18, v7;
	v19 =	vmul.f32 v19, v7;
	v7 =	vmov v25;
	[tilespmem:v30+s19+$0x0] =	vst.idx.add.f32.msk $0xffff, v26  }
0x11a: {  	v20 =	vshll.u32 v14, $0x10;
	[tilespmem:v30+s20+$0x0] =	vst.idx.add.f32.msk $0xffff, v21  }
0x11b: {  	v14 =	vand.u32 $0xFFFF0000, v14;
	v20 =	vmul.f32 v20, v12;
	v21 =	vld.idx.msk [tilespmem:v4+s21+$0x0], $0xffff  }
0x11c: {  	v14 =	vmul.f32 v14, v12;
	v22 =	vld.idx.msk [tilespmem:v1+s21+$0x0], $0xffff  }
0x11d: {  	[tilespmem:v10+s25+$0x0] =	vst.idx.add.f32.msk $0xffff, v20  }
0x11e: {  	[tilespmem:v10+s26+$0x0] =	vst.idx.add.f32.msk $0xffff, v14  }
0x11f: {  	v11 =	vld.idx.msk [tilespmem:v11+s28+$0x0], $0xffff  }
0x120: {  	v14 =	vld.idx.msk [tilespmem:v5+s21+$0x0], $0xffff  }
0x121: {  	v20 =	vshll.u32 v21, $0x10;
	v21 =	vand.u32 $0xFFFF0000, v21;
	[tilespmem:v6+s29+$0x0] =	vst.idx.add.f32.msk $0xffff, v13  }
0x122: {  	v13 =	vmul.f32 v20, v9;
	v20 =	vshll.u32 v22, $0x10;
	v22 =	vand.u32 $0xFFFF0000, v22;
	[tilespmem:v6+s30+$0x0] =	vst.idx.add.f32.msk $0xffff, v15;
	v6 =	vmovc v28  }
0x123: {  	v15 =	vmul.f32 v21, v9;
	v20 =	vmul.f32 v20, v8;
	[tilespmem:v2+s29+$0x0] =	vst.idx.add.f32.msk $0xffff, v16  }
0x124: {  	[tilespmem:v28+s22+$0x0] =	vst.idx.add.f32.msk $0xffff, v13;
	v13 =	vmul.f32 v22, v8  }
0x125: {  	[tilespmem:v28+s23+$0x0] =	vst.idx.add.f32.msk $0xffff, v15;
	v15 =	vshll.u32 v11, $0x10  }
0x126: {  	v16 =	vshll.u32 v14, $0x10;
	v11 =	vand.u32 $0xFFFF0000, v11;
	[tilespmem:v29+s22+$0x0] =	vst.idx.add.f32.msk $0xffff, v20;
	v15 =	vmul.f32 v15, v12  }
0x127: {  	v11 =	vmul.f32 v11, v12;
	[tilespmem:v29+s23+$0x0] =	vst.idx.add.f32.msk $0xffff, v13;
	v13 =	vand.u32 $0xFFFF0000, v14;
	v14 =	vmul.f32 v16, v7  }
0x128: {  	v12 =	vmul.f32 v13, v7;
	[tilespmem:v10+s29+$0x0] =	vst.idx.add.f32.msk $0xffff, v15  }
0x129: {  	[tilespmem:v10+s30+$0x0] =	vst.idx.add.f32.msk $0xffff, v11  }
0x12a: {  	[tilespmem:v30+s22+$0x0] =	vst.idx.add.f32.msk $0xffff, v14  }
0x12b: {  	[tilespmem:v30+s23+$0x0] =	vst.idx.add.f32.msk $0xffff, v12  }
0x12c: {  	v13 =	vld.idx.msk [tilespmem:v4+s24+$0x0], $0xffff  }
.Ltmp2:
0x12d: {  	v12 =	vld.idx.msk [tilespmem:v1+s24+$0x0], $0xffff;
	(pc) =	sbr.rel @p0 .LBB2_7-.Ltmp2, $4  }
0x12e: {  	v10 =	vld.idx.msk [tilespmem:v5+s24+$0x0], $0xffff  }
0x12f: {  	[tilespmem:v2+s30+$0x0] =	vst.idx.add.f32.msk $0xffff, v17;
	v2 =	vmov v29  }
0x130: {  	[tilespmem:v3+s29+$0x0] =	vst.idx.add.f32.msk $0xffff, v18  }
0x131: {  	s10 =	sadd.s32 $0x40, s10;
	[tilespmem:v3+s30+$0x0] =	vst.idx.add.f32.msk $0xffff, v19;
	v3 =	vmov v30  }
0x132: {  	_ = 	snop  }
0x133: {  	v11 =	vshll.u32 v13, $0x10  }
0x134: {  	v14 =	vshll.u32 v12, $0x10;
	v11 =	vmul.f32 v11, v9  }
0x135: {  	v53 =	vand.u32 $0xFFFF0000, v13;
	v14 =	vmul.f32 v14, v8  }
0x136: {  	v54 =	vand.u32 $0xFFFF0000, v12;
	v13 =	vmul.f32 v53, v9;
	[tilespmem:v6+s25+$0x0] =	vst.idx.add.f32.msk $0xffff, v11  }
0x137: {  	v55 =	vmul.f32 v54, v8;
	[tilespmem:v2+s25+$0x0] =	vst.idx.add.f32.msk $0xffff, v14  }
0x138: {  	[tilespmem:v6+s26+$0x0] =	vst.idx.add.f32.msk $0xffff, v13  }
0x139: {  	v56 =	vshll.u32 v10, $0x10;
	[tilespmem:v2+s26+$0x0] =	vst.idx.add.f32.msk $0xffff, v55  }
0x13a: {  	v57 =	vand.u32 $0xFFFF0000, v10;
	v12 =	vmul.f32 v56, v7;
	v4 =	vld.idx.msk [tilespmem:v4+s28+$0x0], $0xffff  }
0x13b: {  	v10 =	vmul.f32 v57, v7;
	v1 =	vld.idx.msk [tilespmem:v1+s28+$0x0], $0xffff  }
0x13c: {  	[tilespmem:v3+s25+$0x0] =	vst.idx.add.f32.msk $0xffff, v12  }
0x13d: {  	[tilespmem:v3+s26+$0x0] =	vst.idx.add.f32.msk $0xffff, v10  }
0x13e: {  	v5 =	vld.idx.msk [tilespmem:v5+s28+$0x0], $0xffff  }
0x13f: {  	v58 =	vshll.u32 v4, $0x10  }
0x140: {  	v59 =	vshll.u32 v1, $0x10;
	v10 =	vmul.f32 v58, v9  }
0x141: {  	s1 =	sadd.s32 $0x1, s1;
	v4 =	vand.u32 $0xFFFF0000, v4;
	v60 =	vmul.f32 v59, v8  }
0x142: {  	p0 =	sne.s32 s1, $0x50;
	v1 =	vand.u32 $0xFFFF0000, v1;
	v4 =	vmul.f32 v4, v9;
	[tilespmem:v6+s29+$0x0] =	vst.idx.add.f32.msk $0xffff, v10  }
.Ltmp3:
0x143: {  	v61 =	vshll.u32 v5, $0x10;
	v1 =	vmul.f32 v1, v8;
	[tilespmem:v2+s29+$0x0] =	vst.idx.add.f32.msk $0xffff, v60;
	(pc) =	sbr.rel @p0 .LBB2_4-.Ltmp3, $4  }
0x144: {  	v62 =	vand.u32 $0xFFFF0000, v5;
	v63 =	vmul.f32 v61, v7;
	[tilespmem:v6+s30+$0x0] =	vst.idx.add.f32.msk $0xffff, v4  }
0x145: {  	v4 =	vmul.f32 v62, v7;
	[tilespmem:v2+s30+$0x0] =	vst.idx.add.f32.msk $0xffff, v1  }
0x146: {  	[tilespmem:v3+s29+$0x0] =	vst.idx.add.f32.msk $0xffff, v63  }
0x147: {  	[tilespmem:v3+s30+$0x0] =	vst.idx.add.f32.msk $0xffff, v4  }
0x148: {  	s0 =	sadd.s32 $0x1, s0  }
0x149: {  	p0 =	sne.s32 s0, s8  }
.Ltmp4:
0x14a: {  	s1 =	simm.s32 $0x80;
	s9 =	simm.s32 $0x400;
	(pc) =	sbr.rel @p0 .LBB2_1-.Ltmp4, $4  }
0x14b: {  	[hbm4b:s7+s1] =	stream.strided.scatter [tilespmem:s19], [sflag:$0x3], $0x14000, s9, s1, $0x38;
	[tilespmem:$0x1F800] =	vst v63  }
0x14c: {  	_ =	swait.ge [sflag:s11], $0x14000  }
0x14d: {  	[sflag:s11] =	ssyncset.done $0x0  }
0x14e: {  	[sflag:s11] =	ssyncadd.s32 $0xFFFEC000  }
0x14f: {  	_ =	sfence.sel $0x180000  }
0x150: {  	[bflag:$0x0] =	sbarrier.arrive $0xFFFF  }
0x151: {  	_ =	strace $0x9000004A  }
0x152: {  	s0 =	stileid.u32;
	[bflag:$0x2] =	sbarrier.arrive $0xFFFF  }
0x153: {  	p0 =	sne.s32 s0, $0x0;
	s0 =	rddreg [dreg:$0x2]  }
0x154: {  	s0 =	sadd.s32 @!p0 $0x100000, s0  }
0x155: {  	[sflag:s0] =	ssyncadd.tile.s32 @!p0 $0x1;
	_ =	shalt  }
.Lfunc_end2:
_tile_overlayer_lowered:
.L_overlay_start_2:
0x156: {  	(tag) =	ssettag $0x2  }
0x157: {  	s0 =	rddreg [dreg:$0x0];
	s2 =	stileid.u32  }
0x158: {  	s1 =	rddreg [dreg:$0x1];
	p0 =	sne.s32 s2, $0x0  }
0x159: {  	s3 =	rddreg [dreg:$0x2];
	[bflag:$0x3] =	sbarrier.arrive $0xFFFF;
	s2 =	simm.s32 @!p0 $0x1C03  }
0x15a: {  	[timem:s3], [sflag:s2] =	dma.local @!p0 [hbm:s0], s1  }
0x15b: {  	s0 =	simm.s32 @!p0 $0x3  }
0x15c: {  	_ =	swait.ge @!p0 [sflag:s0], s1  }
0x15d: {  	s1 =	ssub.s32 @!p0 $0x0, s1;
	[sflag:s0] =	ssyncset.done @!p0 $0x0  }
0x15e: {  	[sflag:s0] =	ssyncadd.s32 @!p0 s1  }
0x15f: {  	[bflag:$0x3] =	sbarrier.arrive $0xFFFF  }
0x160: {  	_ =	shalt  }

// kernel: kernel.15.cloned.1.call-start
scs
__scs_entry_jumppad:
0x0: {  	(pc) =	sbr.rel $0x88, $3  }
0x1: {  	(tag) =	ssettag $0x0;
	lr =	simm.s32 $0x1  }
0x2: {  	[smem:$0x3F97] =	sst lr;
	_ =	strace $0xD0000000  }
0x3: {  	_ = 	snop  }
0x4: {  	_ = 	snop  }
0x5: {  	_ = 	snop  }
0x6: {  	_ = 	snop  }
0x7: {  	_ = 	snop  }
__scs_overlays_trampoline_lowered:
0x8: {  	[smem:$0x3FA6] =	sst s0  }
0x9: {  	[smem:$0x3FA7] =	sst s1  }
0xa: {  	[smem:$0x3FA8] =	sst s2  }
0xb: {  	[smem:$0x3FA9] =	sst s3  }
0xc: {  	[smem:$0x3FAA] =	sst s4  }
0xd: {  	[smem:$0x3FAB] =	sst s5  }
0xe: {  	[smem:$0x3FAC] =	sst s6  }
0xf: {  	[smem:$0x3FAD] =	sst s7  }
0x10: {  	[smem:$0x3FAE] =	sst s8  }
0x11: {  	[smem:$0x3FAF] =	sst s9;
	s0 =	simm.s32 @!p0 $0x0  }
0x12: {  	s1 =	sld [smem:$0x3F95];
	s0 =	simm.s32 @p0 $0x1  }
0x13: {  	[smem:$0x3FB0] =	sst s0;
	s0 =	simm.s32 @!p1 $0x0  }
0x14: {  	s2 =	sld [smem:$0x3F94];
	s0 =	simm.s32 @p1 $0x1  }
0x15: {  	[smem:$0x3FB1] =	sst s0;
	s0 =	simm.s32 @!p2 $0x0  }
0x16: {  	s3 =	sld [smem:$0x3FDB];
	s0 =	simm.s32 @p2 $0x1  }
0x17: {  	s4 =	simm.s32 $0x1BF5;
	[smem:$0x3FB3] =	sst s0  }
0x18: {  	s0 =	sld [smem:$0x3F96];
	_ =	swait.ge [sflag:s4], $0x0  }
0x19: {  	s7 =	sld [smem:$0x3F97]  }
0x1a: {  	s8 =	sadd.s32 $0xFFFFE003, lr  }
0x1b: {  	s9 =	sadd.s32 $0xFFFFFEF7, lr;
	s5 =	simm.s32 $0xFFFFFFFF;
	p2 =	slt.u32 s8, $0xFFFFF086  }
0x1c: {  	p1 =	slt.u32 s9, $0xF7A;
	s5 =	simm.s32 @!p2 $0x0  }
0x1d: {  	s5 =	simm.s32 @p1 $0x1;
	p0 =	seq.s32 s7, s2  }
0x1e: {  	s7 =	smul.u32 @!p0 $0xF7A, s2;
	p2 =	seq.s32 @!p0 s5, $0x0  }
0x1f: {  	s9 =	smul.u32 $0xF7A, s1;
	s8 =	simm.s32 @!p0 $0x1BF5;
	p2 =	por !p2, p0  }
0x20: {  	[sflag:s8] =	ssyncset.s32 @!p0 $0xFFFFF086;
	s6 =	sadd.s32 @!p0 s3, s7;
	s7 =	simm.s32 @!p0 $0x108  }
0x21: {  	s3 =	sadd.s32 s3, s9;
	s6 =	sadd.s32 @!p0 $0x88, s6;
	s7 =	simm.s32 @p2 $0x1082  }
0x22: {  	[simem:s7], [sflag:s8] =	dma.local @!p0 [hbm:s6], $0xF7A  }
0x23: {  	s9 =	sor.u32 $0xD0000000, s2;
	s6 =	simm.s32 $0x108;
	_ =	swait.ge @!p0 [sflag:s8], $0x0  }
0x24: {  	s3 =	sadd.s32 $0x88, s3;
	s6 =	simm.s32 @!p1 $0x1082;
	[sflag:s4] =	ssyncset.s32 $0xFFFFF086  }
0x25: {  	[simem:s6], [sflag:s4] =	dma.local [hbm:s3], $0xF7A  }
0x26: {  	[smem:$0x3F97] =	sst s1;
	(tag) =	ssettag s2;
	_ =	strace s9  }
0x27: {  	s1 =	sld [smem:$0x3FA7]  }
0x28: {  	s2 =	sld [smem:$0x3FA8]  }
0x29: {  	s4 =	sld [smem:$0x3FAA]  }
0x2a: {  	p0 =	seq.s32 s5, $0x0;
	s5 =	sld [smem:$0x3FAB]  }
0x2b: {  	s6 =	sld [smem:$0x3FAC]  }
0x2c: {  	s7 =	sld [smem:$0x3FAD]  }
0x2d: {  	s3 =	simm.s32 $0x108;
	s8 =	sld [smem:$0x3FAE]  }
0x2e: {  	s3 =	simm.s32 @!p0 $0x1082;
	s9 =	sld [smem:$0x3FAF]  }
0x2f: {  	lr =	sadd.s32 s0, s3;
	s0 =	sld [smem:$0x3FA6]  }
0x30: {  	s3 =	sld [smem:$0x3FA9]  }
0x31: {  	[smem:$0x3FB2] =	sst s10  }
0x32: {  	s10 =	sld [smem:$0x3FB0];
	_ =	sdelay $0x3  }
0x33: {  	p0 =	seq.s32 s10, $0x1;
	s10 =	sld [smem:$0x3FB2];
	_ =	sdelay $0x3  }
0x34: {  	[smem:$0x3FB2] =	sst s10  }
0x35: {  	s10 =	sld [smem:$0x3FB1];
	_ =	sdelay $0x3  }
0x36: {  	p1 =	seq.s32 s10, $0x1;
	s10 =	sld [smem:$0x3FB2];
	_ =	sdelay $0x3  }
0x37: {  	[smem:$0x3FB2] =	sst s10  }
0x38: {  	s10 =	sld [smem:$0x3FB3]  }
0x39: {  	_ = 	snop;
	(pc) =	sbr.ind lr, $3  }
0x3a: {  	_ = 	snop  }
0x3b: {  	_ = 	snop  }
0x3c: {  	p2 =	seq.s32 s10, $0x1;
	s10 =	sld [smem:$0x3FB2]  }
0x3d: {  	_ =	shalt  }
0x3e: {  	_ =	shalt  }
0x3f: {  	_ =	shalt  }
0x40: {  	_ =	shalt  }
0x41: {  	_ =	shalt  }
0x42: {  	_ =	shalt  }
0x43: {  	_ =	shalt  }
0x44: {  	_ =	shalt  }
0x45: {  	_ =	shalt  }
0x46: {  	_ =	shalt  }
0x47: {  	_ =	shalt  }
0x48: {  	_ =	shalt  }
0x49: {  	_ =	shalt  }
0x4a: {  	_ =	shalt  }
0x4b: {  	_ =	shalt  }
0x4c: {  	_ =	shalt  }
0x4d: {  	_ =	shalt  }
0x4e: {  	_ =	shalt  }
0x4f: {  	_ =	shalt  }
0x50: {  	_ =	shalt  }
0x51: {  	_ =	shalt  }
0x52: {  	_ =	shalt  }
0x53: {  	_ =	shalt  }
0x54: {  	_ =	shalt  }
0x55: {  	_ =	shalt  }
0x56: {  	_ =	shalt  }
0x57: {  	_ =	shalt  }
0x58: {  	_ =	shalt  }
0x59: {  	_ =	shalt  }
0x5a: {  	_ =	shalt  }
0x5b: {  	_ =	shalt  }
0x5c: {  	_ =	shalt  }
0x5d: {  	_ =	shalt  }
0x5e: {  	_ =	shalt  }
0x5f: {  	_ =	shalt  }
0x60: {  	_ =	shalt  }
0x61: {  	_ =	shalt  }
0x62: {  	_ =	shalt  }
0x63: {  	_ =	shalt  }
0x64: {  	_ =	shalt  }
0x65: {  	_ =	shalt  }
0x66: {  	_ =	shalt  }
0x67: {  	_ =	shalt  }
0x68: {  	_ =	shalt  }
0x69: {  	_ =	shalt  }
0x6a: {  	_ =	shalt  }
0x6b: {  	_ =	shalt  }
0x6c: {  	_ =	shalt  }
0x6d: {  	_ =	shalt  }
0x6e: {  	_ =	shalt  }
0x6f: {  	_ =	shalt  }
0x70: {  	_ =	shalt  }
0x71: {  	_ =	shalt  }
0x72: {  	_ =	shalt  }
0x73: {  	_ =	shalt  }
0x74: {  	_ =	shalt  }
0x75: {  	_ =	shalt  }
0x76: {  	_ =	shalt  }
0x77: {  	_ =	shalt  }
0x78: {  	_ =	shalt  }
0x79: {  	_ =	shalt  }
0x7a: {  	_ =	shalt  }
0x7b: {  	_ =	shalt  }
0x7c: {  	_ =	shalt  }
0x7d: {  	_ =	shalt  }
0x7e: {  	_ =	shalt  }
0x7f: {  	_ =	shalt  }
0x80: {  	_ =	shalt  }
0x81: {  	_ =	shalt  }
0x82: {  	_ =	shalt  }
0x83: {  	_ =	shalt  }
0x84: {  	_ =	shalt  }
0x85: {  	_ =	shalt  }
0x86: {  	_ =	shalt  }
0x87: {  	_ =	shalt  }
.Lfunc_end0:
.L_simem_size_0:
called_computation.2_lowered:
.L_overlay_start_0:
0x88: {  	s2 =	sld [smem:$0x3FD9]  }
0x89: {  	s3 =	sld [smem:$0x3FFE];
	_ =	sdelay $0x1  }
0x8a: {  	s1 =	srdreg.scid  }
0x8b: {  	s0 =	sand.u32 $0x1, s1  }
0x8c: {  	s16 =	sshll.u32 s0, $0xA;
	s2 =	sadd.s32 s3, s2  }
0x8d: {  	s2 =	sadd.s32 s2, s16  }
0x8e: {  	[smem:$0x3FBE] =	sst s2  }
0x8f: {  	_ = 	snop  }
0x90: {  	(tm) =	ssettm $0x1  }
0x91: {  	s17 =	sld [smem:$0x3FFB];
	_ =	sdelay $0x3  }
0x92: {  	_ =	strace s17  }
0x93: {  	s2 =	sld [smem:$0x3FFC];
	_ =	sdelay $0x3  }
0x94: {  	_ =	strace s2  }
0x95: {  	s2 =	sld [smem:$0x3FFD];
	_ =	sdelay $0x3  }
0x96: {  	_ =	strace s2  }
0x97: {  	_ =	strace $0x8FFFFFFF  }
0x98: {  	s18 =	sld [smem:$0x3FDB];
	_ =	sdelay $0x1  }
0x99: {  	s19 =	simm.s32 $_scs_section_size  }
0x9a: {  	s4 =	simm.s32 $_size__tile_overlayer_lowered;
	s5 =	simm.s32 $_tile_overlayer_lowered  }
0x9b: {  	s22 =	simm.s32 $0x1BFF;
	s21 =	sshll.u32 s5, $0x1;
	s2 =	sadd.s32 s19, s18  }
0x9c: {  	s6 =	simm.s32 $0x0;
	s20 =	sshll.u32 s4, $0x1;
	s4 =	sadd.s32 s21, s2  }
0x9d: {  	[timem:s6], [sflag:s22] =	dma.local [hbm:s4], s20  }
0x9e: {  	_ =	swait.ge [sflag:s22], s20  }
0x9f: {  	s3 =	ssub.s32 $0x0, s20;
	[sflag:s22] =	ssyncset.done $0x0  }
0xa0: {  	[sflag:s22] =	ssyncadd.s32 s3;
	_ =	sdelay $0x1  }
0xa1: {  	s23 =	simm.s32 $0x1B8B  }
0xa2: {  	_ =	swait.ge [sflag:s23], $0x1  }
0xa3: {  	[sflag:s23] =	ssyncset.done $0x0  }
0xa4: {  	s25 =	simm.s32 $0x1B8E;
	s24 =	sld [smem:$0x3FFE];
	[sflag:s23] =	ssyncadd.s32 $0xFFFFFFFF  }
0xa5: {  	s26 =	simm.s32 $execute0_lowered;
	[smem:$0x3FD2] =	sst s25  }
0xa6: {  	s4 =	sshll.u32 s26, $0x1;
	_ =	strace $0x8000004C;
	[dreg:$0x1] =	wrdreg $0xFFFFFFFF  }
0xa7: {  	s28 =	simm.s32 $_size_execute0_lowered;
	s2 =	sadd.s32 s2, s4;
	[dreg:$0x0] =	wrdreg $0x0  }
0xa8: {  	s4 =	sshll.u32 s28, $0x1;
	[dreg:$0x2] =	wrdreg s2  }
0xa9: {  	[dreg:$0x3] =	wrdreg s4  }
0xaa: {  	[dreg:$0x4] =	wrdreg $0xC0  }
0xab: {  	_ =	task [dreg:s6], $0x5FFFF  }
0xac: {  	[dreg:$0x1] =	wrdreg $0xFFFFFFFF  }
0xad: {  	[dreg:$0x0] =	wrdreg $0x60  }
0xae: {  	[dreg:$0x2] =	wrdreg s24  }
0xaf: {  	[dreg:$0x3] =	wrdreg $0x9  }
0xb0: {  	_ =	task.clear_ibuf [dreg:s6], $0x4FFFF;
	_ =	strace $0x9000004C  }
0xb1: {  	s29 =	simm.s32 $0x9;
	_ =	strace $0x8000004E  }
0xb2: {  	_ =	swait.ge [sflag:s29], $0x1  }
0xb3: {  	[sflag:s29] =	ssyncadd.s32 $0xFFFFFFFF  }
0xb4: {  	_ =	strace $0x9000004E  }
0xb5: {  	_ =	sfence  }
0xb6: {  	s30 =	sld [smem:$0x0];
	_ =	sdelay $0x2  }
0xb7: {  	s31 =	sshll.u32 s1, $0xD;
	s1 =	sshrl.u32 s1, $0x2  }
0xb8: {  	s3 =	sand.u32 $0x4000, s31;
	s1 =	sadd.s32 s1, s30  }
0xb9: {  	s0 =	sor.u32 s3, s0;
	s1 =	sshll.u32 s1, $0x11  }
0xba: {  	s0 =	sor.u32 s1, s0  }
0xbb: {  	s0 =	sadd.s32 $0x8F2B, s0  }
0xbc: {  	[sflag:s0] =	ssyncadd.remote.s32 $0x1  }
0xbd: {  	_ =	sfence.sel $0xFFFF  }
0xbe: {  	[dreg:$0x0] =	wrdreg $0xFFFFFFFF;
	(pc) =	sbr.abs _section_cstart, $3  }
0xbf: {  	[dreg:$0x1] =	wrdreg $0xFFFFFFFF  }
0xc0: {  	_ =	task.clear_ibuf [dreg:s6], $0x2FFFF;
	_ =	strace $0x9FFFFFFF  }
0xc1: {  	(tm) =	ssettm $0x7FFFFFFF  }
tec
execute0_lowered:
.L_overlay_start_1:
0x0: {  	(tag) =	ssettag $0x1  }
0x1: {  	s0 =	srdreg.scid;
	s6 =	rddreg [dreg:$0x0]  }
0x2: {  	s2 =	simm.s32 $0x0;
	s11 =	simm.s32 $0x2800;
	s12 =	simm.s32 $0x5000  }
0x3: {  	s13 =	simm.s32 $0x6400;
	s14 =	simm.s32 $0x8C00;
	s15 =	simm.s32 $0x7800  }
0x4: {  	s16 =	simm.s32 $0x80;
	s17 =	simm.s32 $0x400;
	s5 =	sand.u32 $0x1, s0  }
0x5: {  	s18 =	simm.s32 $0x0;
	s0 =	stileid.u32;
	s1 =	sshll.u32 s5, $0x4  }
0x6: {  	[smem:$0x7FF] =	sst s2;
	s28 =	sshll.u32 s0, $0x7;
	s4 =	sor.u32 s0, s1  }
0x7: {  	s5 =	ssub.s32 $0x2, s5;
	s1 =	rddreg [dreg:$0x1];
	s3 =	sshrl.u32 s4, $0x3  }
0x8: {  	_ =	strace $0x8000004D;
	s8 =	sand.u32 $0x380, s28;
	s7 =	smul.u32 $0x14000, s3  }
0x9: {  	s31 =	sshrl.u32 s5, $0x1;
	s9 =	smul.u32 $0x280, s4;
	s4 =	sadd.s32 $0x2200, s6  }
0xa: {  	s10 =	ssub.s32 s5, s31;
	s3 =	sadd.s32 $0x1C00, s6;
	s7 =	sor.u32 s8, s7  }
0xb: {  	s29 =	sadd.s32 s9, s6;
	s9 =	smax.u32 s10, $0x1;
	s7 =	sshrl.u32 s7, $0x3  }
0xc: {  	s10 =	simm.s32 $0x1;
	s5 =	sadd.s32 $0x2800, s29;
	s30 =	sadd.s32 s7, s6  }
0xd: {  	v0 =	vimm.f32 $0.0e+00;
	s6 =	sadd.s32 $0x7800, s29;
	s7 =	sadd.s32 $0xC800, s29;
	s8 =	sadd.s32 $0x11800, s30  }
.LBB2_1:
0xe: {  	[tilespmem:s2], [sflag:$0x1] =	stream.linear.gather [hbm4b:s3+s2], $0x2800, $0x38;
	[tilespmem:$0xB400] =	vst v63  }
0xf: {  	_ =	swait.ge [sflag:s10], $0x2800  }
0x10: {  	[sflag:s10] =	ssyncset.done $0x0  }
0x11: {  	[sflag:s10] =	ssyncadd.s32 $0xFFFFD800  }
0x12: {  	[tilespmem:s11], [sflag:$0x1] =	stream.linear.gather [hbm4b:s4+s2], $0x2800, $0x38;
	[tilespmem:$0xB400] =	vst v63  }
0x13: {  	_ =	swait.ge [sflag:s10], $0x2800  }
0x14: {  	[sflag:s10] =	ssyncset.done $0x0  }
0x15: {  	[sflag:s10] =	ssyncadd.s32 $0xFFFFD800  }
0x16: {  	[tilespmem:s12], [sflag:$0x1] =	stream.linear.gather [hbm4b:s5+s2], $0x1400, $0x38;
	[tilespmem:$0xB400] =	vst v63  }
0x17: {  	_ =	swait.ge [sflag:s10], $0x1400  }
0x18: {  	[sflag:s10] =	ssyncset.done $0x0  }
0x19: {  	[sflag:s10] =	ssyncadd.s32 $0xFFFFEC00  }
0x1a: {  	[tilespmem:s13], [sflag:$0x1] =	stream.linear.gather [hbm4b:s6+s2], $0x1400, $0x38;
	[tilespmem:$0xB400] =	vst v63  }
0x1b: {  	_ =	swait.ge [sflag:s10], $0x1400  }
0x1c: {  	[sflag:s10] =	ssyncset.done $0x0  }
0x1d: {  	s22 =	simm.s32 $0x8C20;
	[sflag:s10] =	ssyncadd.s32 $0xFFFFEC00  }
0x1e: {  	[tilespmem:s22+$0xFFFFFFE0] =	vst v0  }
0x1f: {  	[tilespmem:s22+$0x10] =	vst v0  }
0x20: {  	s23 =	simm.s32 $0x0;
	s21 =	simm.s32 $0x6420;
	s20 =	simm.s32 $0x5020;
	[tilespmem:s22+$0x0] =	vst v0  }
.LBB2_2:
0x21: {  	s23 =	sadd.s32 $0x4, s23  }
0x22: {  	[tilespmem:s22+$0xFFFFFFF0] =	vst v0;
	s22 =	sadd.s32 $0x40, s22;
	s19 =	simm.s32 $0x7820;
	p0 =	slt.u32 s23, $0x27C  }
.Ltmp0:
0x23: {  	[tilespmem:s22+$0xFFFFFFE0] =	vst v0;
	(pc) =	sbr.rel @p0 .LBB2_2-.Ltmp0, $3  }
0x24: {  	_ =	sdelay $0x1  }
0x25: {  	[tilespmem:s22+$0x10] =	vst v0  }
0x26: {  	[tilespmem:s22+$0x0] =	vst v0  }
0x27: {  	[tilespmem:s22+$0xFFFFFFF0] =	vst v0  }
0x28: {  	v16 =	vld [tilespmem:s21+$0xFFFFFFF0]  }
0x29: {  	v1 =	vld [tilespmem:s20+$0xFFFFFFF0]  }
0x2a: {  	v3 =	vld [tilespmem:s21+$0x0]  }
0x2b: {  	v2 =	vld [tilespmem:s21+$0x10]  }
0x2c: {  	v4 =	vld [tilespmem:s21+$0xFFFFFFE0]  }
0x2d: {  	v5 =	vld [tilespmem:s20+$0x10]  }
0x2e: {  	v6 =	vld [tilespmem:s20+$0xFFFFFFE0]  }
0x2f: {  	v7 =	vld [tilespmem:s20+$0x0]  }
0x30: {  	v8 =	vld.idx.msk [tilespmem:v16+s11+$0x0], $0xffff  }
0x31: {  	v1 =	vld.idx.msk [tilespmem:v1+s2+$0x0], $0xffff;
	_ =	sdelay $0x2  }
0x32: {  	v9 =	vld.idx.msk [tilespmem:v3+s11+$0x0], $0xffff  }
0x33: {  	v10 =	vld.idx.msk [tilespmem:v2+s11+$0x0], $0xffff  }
0x34: {  	v12 =	vld.idx.msk [tilespmem:v5+s2+$0x0], $0xffff;
	v5 =	vadd.f32 v8, v1  }
0x35: {  	v13 =	vld.idx.msk [tilespmem:v6+s2+$0x0], $0xffff  }
0x36: {  	v8 =	vld.idx.msk [tilespmem:v7+s2+$0x0], $0xffff;
	v6 =	vmul.f32 $2.000000030e-01, v5  }
0x37: {  	s31 =	simm.s32 $0x6460;
	v11 =	vld.idx.msk [tilespmem:v4+s11+$0x0], $0xffff;
	vm0 =	vge.f32 v5, $0.0e+00  }
0x38: {  	s20 =	simm.s32 $0x5060;
	v1 =	vld [tilespmem:s31+$0x0];
	v6 =	vsel vm0, v5, v6  }
0x39: {  	v15 =	vld [tilespmem:s20+$0xFFFFFFF0];
	v14 =	vmul.f32 $1.442695020e+00, v6  }
0x3a: {  	v7 =	vld [tilespmem:s31+$0x10];
	v12 =	vadd.f32 v10, v12  }
0x3b: {  	v5 =	vld [tilespmem:s31+$0xFFFFFFF0];
	(erf) = vpow2.f32 v14;
	v14 =	vadd.f32 v9, v8  }
0x3c: {  	v17 =	vld [tilespmem:s20+$0x10];
	v11 =	vadd.f32 v11, v13;
	v13 =	vmul.f32 $2.000000030e-01, v12  }
0x3d: {  	v18 =	vld [tilespmem:s20+$0xFFFFFFE0];
	vm13 =	vge.f32 v12, $0.0e+00;
	v19 =	vmul.f32 $2.000000030e-01, v14  }
0x3e: {  	v13 =	vsel vm13, v12, v13;
	v6 =	vld [tilespmem:s31+$0xFFFFFFE0];
	vm14 =	vge.f32 v14, $0.0e+00  }
0x3f: {  	v10 =	vld [tilespmem:s20+$0x0];
	v20 =	vmul.f32 $2.000000030e-01, v11;
	v13 =	vmul.f32 $1.442695020e+00, v13;
	v19 =	vsel vm14, v14, v19  }
0x40: {  	vm15 =	vge.f32 v11, $0.0e+00;
	v8 =	vld.idx.msk [tilespmem:v1+s11+$0x0], $0xffff;
	v19 =	vmul.f32 $1.442695020e+00, v19  }
0x41: {  	(erf) = vpow2.f32 v13;
	v14 =	vld.idx.msk [tilespmem:v15+s2+$0x0], $0xffff;
	v15 =	vsel vm15, v11, v20  }
0x42: {  	v9 =	vld.idx.msk [tilespmem:v7+s11+$0x0], $0xffff;
	v20 =	vmul.f32 $1.442695020e+00, v15;
	(erf) = vpow2.f32 v19  }
0x43: {  	v12 =	vld.idx.msk [tilespmem:v5+s11+$0x0], $0xffff  }
0x44: {  	v15 =	vld.idx.msk [tilespmem:v17+s2+$0x0], $0xffff;
	v17 =	vpop (erf);
	(erf) = vpow2.f32 v20  }
0x45: {  	v13 =	vld.idx.msk [tilespmem:v18+s2+$0x0], $0xffff  }
0x46: {  	v11 =	vld.idx.msk [tilespmem:v6+s11+$0x0], $0xffff;
	[tilespmem:s19+$0xFFFFFFF0] =	vst v17  }
0x47: {  	s22 =	simm.s32 $0x4;
	s23 =	simm.s32 $0x64A0;
	s21 =	simm.s32 $0x7820;
	[tilespmem:v16+s14+$0x0] =	vst.idx.add.f32.msk $0xffff, v17  }
.LBB2_4:
0x48: {  	v16 =	vld [tilespmem:s23+$0x0];
	s22 =	sadd.s32 $0x4, s22;
	s20 =	sadd.s32 $0x40, s20;
	s19 =	sadd.s32 $0x40, s19  }
0x49: {  	v12 =	vadd.f32 v12, v14;
	p0 =	slt.u32 s22, $0x13C;
	v10 =	vld.idx.msk [tilespmem:v10+s2+$0x0], $0xffff  }
0x4a: {  	v14 =	vld [tilespmem:s23+$0x10];
	v17 =	vpop (erf)  }
0x4b: {  	v19 =	vmul.f32 $2.000000030e-01, v12;
	v9 =	vadd.f32 v9, v15;
	v18 =	vld [tilespmem:s20+$0xFFFFFFF0];
	[tilespmem:s21+$0x10] =	vst v17;
	v15 =	vpop (erf)  }
0x4c: {  	vm0 =	vge.f32 v12, $0.0e+00;
	v11 =	vadd.f32 v11, v13;
	v20 =	vld [tilespmem:s23+$0xFFFFFFF0];
	[tilespmem:s21+$0x0] =	vst v15  }
0x4d: {  	v12 =	vsel vm0, v12, v19;
	v13 =	vmul.f32 $2.000000030e-01, v9;
	[tilespmem:v2+s14+$0x0] =	vst.idx.add.f32.msk $0xffff, v17;
	v17 =	vpop (erf);
	v2 =	vmov v7  }
0x4e: {  	vm0 =	vge.f32 v9, $0.0e+00;
	v21 =	vmul.f32 $1.442695020e+00, v12;
	v19 =	vld [tilespmem:s23+$0xFFFFFFE0];
	[tilespmem:s21+$0xFFFFFFE0] =	vst v17;
	s21 =	smov.u32 s19  }
0x4f: {  	v12 =	vmul.f32 $2.000000030e-01, v11;
	v10 =	vadd.f32 v8, v10;
	v8 =	vsel vm0, v9, v13;
	[tilespmem:v3+s14+$0x0] =	vst.idx.add.f32.msk $0xffff, v15  }
0x50: {  	vm0 =	vge.f32 v11, $0.0e+00;
	v13 =	vmul.f32 $1.442695020e+00, v8;
	v3 =	vmovc v1;
	v1 =	vmovc v16;
	(erf) = vpow2.f32 v21;
	[tilespmem:v4+s14+$0x0] =	vst.idx.add.f32.msk $0xffff, v17  }
0x51: {  	v8 =	vsel vm0, v11, v12;
	v7 =	vmovc v14;
	v9 =	vmul.f32 $2.000000030e-01, v10;
	v4 =	vmov v6;
	v15 =	vld [tilespmem:s20+$0x10]  }
0x52: {  	v21 =	vmul.f32 $1.442695020e+00, v8;
	vm0 =	vge.f32 v10, $0.0e+00;
	v17 =	vld [tilespmem:s20+$0xFFFFFFE0]  }
0x53: {  	v9 =	vsel vm0, v10, v9;
	v8 =	vld.idx.msk [tilespmem:v16+s11+$0x0], $0xffff;
	v6 =	vmov v19  }
0x54: {  	v11 =	vmul.f32 $1.442695020e+00, v9;
	v10 =	vld [tilespmem:s20+$0x0]  }
0x55: {  	v9 =	vld.idx.msk [tilespmem:v14+s11+$0x0], $0xffff;
	(erf) = vpow2.f32 v13  }
0x56: {  	v12 =	vld.idx.msk [tilespmem:v20+s11+$0x0], $0xffff;
	(erf) = vpow2.f32 v11  }
.Ltmp1:
0x57: {  	v14 =	vld.idx.msk [tilespmem:v18+s2+$0x0], $0xffff;
	(pc) =	sbr.rel @p0 .LBB2_4-.Ltmp1, $4  }
0x58: {  	v11 =	vld.idx.msk [tilespmem:v19+s11+$0x0], $0xffff;
	(erf) = vpow2.f32 v21  }
0x59: {  	v15 =	vld.idx.msk [tilespmem:v15+s2+$0x0], $0xffff;
	v16 =	vpop (erf)  }
0x5a: {  	v13 =	vld.idx.msk [tilespmem:v17+s2+$0x0], $0xffff;
	[tilespmem:s19+$0xFFFFFFF0] =	vst v16  }
0x5b: {  	s23 =	sadd.s32 $0x40, s23;
	[tilespmem:v5+s14+$0x0] =	vst.idx.add.f32.msk $0xffff, v16;
	v5 =	vmov v20  }
0x5c: {  	_ =	sdelay $0x3  }
0x5d: {  	v10 =	vld.idx.msk [tilespmem:v10+s2+$0x0], $0xffff  }
0x5e: {  	v12 =	vadd.f32 v12, v14;
	_ =	sdelay $0x1  }
0x5f: {  	v14 =	vmul.f32 $2.000000030e-01, v12;
	v9 =	vadd.f32 v9, v15  }
0x60: {  	vm0 =	vge.f32 v12, $0.0e+00;
	v56 =	vadd.f32 v11, v13  }
0x61: {  	v57 =	vsel vm0, v12, v14;
	v58 =	vmul.f32 $2.000000030e-01, v9;
	v8 =	vadd.f32 v8, v10  }
0x62: {  	vm13 =	vge.f32 v9, $0.0e+00;
	v11 =	vmul.f32 $1.442695020e+00, v57  }
0x63: {  	v60 =	vmul.f32 $2.000000030e-01, v56;
	v9 =	vsel vm13, v9, v58;
	v59 =	vmul.f32 $2.000000030e-01, v8  }
0x64: {  	vm14 =	vge.f32 v8, $0.0e+00;
	v9 =	vmul.f32 $1.442695020e+00, v9;
	(erf) = vpow2.f32 v11  }
0x65: {  	vm15 =	vge.f32 v56, $0.0e+00;
	v8 =	vsel vm14, v8, v59  }
0x66: {  	v10 =	vsel vm15, v56, v60;
	(erf) = vpow2.f32 v9;
	v8 =	vmul.f32 $1.442695020e+00, v8  }
0x67: {  	v61 =	vpop (erf);
	v10 =	vmul.f32 $1.442695020e+00, v10  }
0x68: {  	[tilespmem:s21+$0x10] =	vst v61;
	v62 =	vpop (erf);
	(erf) = vpow2.f32 v8  }
0x69: {  	[tilespmem:s21+$0x0] =	vst v62;
	(erf) = vpow2.f32 v10  }
0x6a: {  	[tilespmem:v2+s14+$0x0] =	vst.idx.add.f32.msk $0xffff, v61  }
0x6b: {  	v63 =	vpop (erf);
	[tilespmem:v3+s14+$0x0] =	vst.idx.add.f32.msk $0xffff, v62  }
0x6c: {  	[tilespmem:s21+$0xFFFFFFE0] =	vst v63  }
0x6d: {  	s19 =	sadd.s32 $0x40, s19;
	[tilespmem:v4+s14+$0x0] =	vst.idx.add.f32.msk $0xffff, v63;
	v2 =	vpop (erf)  }
0x6e: {  	[tilespmem:s19+$0xFFFFFFF0] =	vst v2  }
0x6f: {  	[tilespmem:v5+s14+$0x0] =	vst.idx.add.f32.msk $0xffff, v2;
	v2 =	vpop (erf)  }
0x70: {  	[tilespmem:s19+$0x10] =	vst v2  }
0x71: {  	[tilespmem:v7+s14+$0x0] =	vst.idx.add.f32.msk $0xffff, v2;
	v3 =	vpop (erf)  }
0x72: {  	[tilespmem:s19+$0x0] =	vst v3;
	v2 =	vpop (erf)  }
0x73: {  	[tilespmem:s19+$0xFFFFFFE0] =	vst v2  }
0x74: {  	[tilespmem:v1+s14+$0x0] =	vst.idx.add.f32.msk $0xffff, v3  }
0x75: {  	[tilespmem:v6+s14+$0x0] =	vst.idx.add.f32.msk $0xffff, v2  }
0x76: {  	[hbm4b:s7+s2] =	stream.linear.scatter [tilespmem:s15], [sflag:$0x1], $0x1400, $0x38;
	[tilespmem:$0xB400] =	vst v63  }
0x77: {  	s18 =	sadd.s32 $0x1, s18;
	_ =	swait.ge [sflag:s10], $0x1400  }
0x78: {  	p0 =	sne.s32 s18, s9;
	[sflag:s10] =	ssyncset.done $0x0  }
.Ltmp2:
0x79: {  	[sflag:s10] =	ssyncadd.s32 $0xFFFFEC00;
	(pc) =	sbr.rel @p0 .LBB2_1-.Ltmp2, $4  }
0x7a: {  	[hbm4b:s8+s16] =	stream.strided.scatter [tilespmem:s14], [sflag:$0x1], $0x2800, s17, s16, $0x38;
	[tilespmem:$0xB400] =	vst v63  }
0x7b: {  	_ =	swait.ge [sflag:s10], $0x2800  }
0x7c: {  	[sflag:s10] =	ssyncset.done $0x0  }
0x7d: {  	[sflag:s10] =	ssyncadd.s32 $0xFFFFD800  }
0x7e: {  	_ =	sfence.sel $0x180000  }
0x7f: {  	[bflag:$0x0] =	sbarrier.arrive $0xFFFF  }
0x80: {  	p0 =	sne.s32 s0, $0x0;
	_ =	strace $0x9000004D  }
0x81: {  	s0 =	sadd.s32 @!p0 $0x100000, s1;
	[bflag:$0x2] =	sbarrier.arrive $0xFFFF  }
0x82: {  	[sflag:s0] =	ssyncadd.tile.s32 @!p0 $0x1;
	_ =	shalt  }
.Lfunc_end2:
_tile_overlayer_lowered:
.L_overlay_start_2:
0x83: {  	(tag) =	ssettag $0x2  }
0x84: {  	s0 =	rddreg [dreg:$0x0];
	s2 =	stileid.u32  }
0x85: {  	s1 =	rddreg [dreg:$0x1];
	p0 =	sne.s32 s2, $0x0  }
0x86: {  	s3 =	rddreg [dreg:$0x2];
	[bflag:$0x3] =	sbarrier.arrive $0xFFFF;
	s2 =	simm.s32 @!p0 $0x1C01  }
0x87: {  	[timem:s3], [sflag:s2] =	dma.local @!p0 [hbm:s0], s1  }
0x88: {  	s0 =	simm.s32 @!p0 $0x1  }
0x89: {  	_ =	swait.ge @!p0 [sflag:s0], s1  }
0x8a: {  	s1 =	ssub.s32 @!p0 $0x0, s1;
	[sflag:s0] =	ssyncset.done @!p0 $0x0  }
0x8b: {  	[sflag:s0] =	ssyncadd.s32 @!p0 s1  }
0x8c: {  	[bflag:$0x3] =	sbarrier.arrive $0xFFFF  }
0x8d: {  	_ =	shalt  }

// kernel: kernel.18.cloned.1.call-start
scs
__scs_entry_jumppad:
0x0: {  	(pc) =	sbr.rel $0x88, $3  }
0x1: {  	(tag) =	ssettag $0x0;
	lr =	simm.s32 $0x1  }
0x2: {  	[smem:$0x3F97] =	sst lr;
	_ =	strace $0xD0000000  }
0x3: {  	_ = 	snop  }
0x4: {  	_ = 	snop  }
0x5: {  	_ = 	snop  }
0x6: {  	_ = 	snop  }
0x7: {  	_ = 	snop  }
__scs_overlays_trampoline_lowered:
0x8: {  	[smem:$0x3FA6] =	sst s0  }
0x9: {  	[smem:$0x3FA7] =	sst s1  }
0xa: {  	[smem:$0x3FA8] =	sst s2  }
0xb: {  	[smem:$0x3FA9] =	sst s3  }
0xc: {  	[smem:$0x3FAA] =	sst s4  }
0xd: {  	[smem:$0x3FAB] =	sst s5  }
0xe: {  	[smem:$0x3FAC] =	sst s6  }
0xf: {  	[smem:$0x3FAD] =	sst s7  }
0x10: {  	[smem:$0x3FAE] =	sst s8  }
0x11: {  	[smem:$0x3FAF] =	sst s9;
	s0 =	simm.s32 @!p0 $0x0  }
0x12: {  	s1 =	sld [smem:$0x3F95];
	s0 =	simm.s32 @p0 $0x1  }
0x13: {  	[smem:$0x3FB0] =	sst s0;
	s0 =	simm.s32 @!p1 $0x0  }
0x14: {  	s2 =	sld [smem:$0x3F94];
	s0 =	simm.s32 @p1 $0x1  }
0x15: {  	[smem:$0x3FB1] =	sst s0;
	s0 =	simm.s32 @!p2 $0x0  }
0x16: {  	s3 =	sld [smem:$0x3FDB];
	s0 =	simm.s32 @p2 $0x1  }
0x17: {  	s4 =	simm.s32 $0x1BF5;
	[smem:$0x3FB3] =	sst s0  }
0x18: {  	s0 =	sld [smem:$0x3F96];
	_ =	swait.ge [sflag:s4], $0x0  }
0x19: {  	s7 =	sld [smem:$0x3F97]  }
0x1a: {  	s8 =	sadd.s32 $0xFFFFE003, lr  }
0x1b: {  	s9 =	sadd.s32 $0xFFFFFEF7, lr;
	s5 =	simm.s32 $0xFFFFFFFF;
	p2 =	slt.u32 s8, $0xFFFFF086  }
0x1c: {  	p1 =	slt.u32 s9, $0xF7A;
	s5 =	simm.s32 @!p2 $0x0  }
0x1d: {  	s5 =	simm.s32 @p1 $0x1;
	p0 =	seq.s32 s7, s2  }
0x1e: {  	s7 =	smul.u32 @!p0 $0xF7A, s2;
	p2 =	seq.s32 @!p0 s5, $0x0  }
0x1f: {  	s9 =	smul.u32 $0xF7A, s1;
	s8 =	simm.s32 @!p0 $0x1BF5;
	p2 =	por !p2, p0  }
0x20: {  	[sflag:s8] =	ssyncset.s32 @!p0 $0xFFFFF086;
	s6 =	sadd.s32 @!p0 s3, s7;
	s7 =	simm.s32 @!p0 $0x108  }
0x21: {  	s3 =	sadd.s32 s3, s9;
	s6 =	sadd.s32 @!p0 $0x88, s6;
	s7 =	simm.s32 @p2 $0x1082  }
0x22: {  	[simem:s7], [sflag:s8] =	dma.local @!p0 [hbm:s6], $0xF7A  }
0x23: {  	s9 =	sor.u32 $0xD0000000, s2;
	s6 =	simm.s32 $0x108;
	_ =	swait.ge @!p0 [sflag:s8], $0x0  }
0x24: {  	s3 =	sadd.s32 $0x88, s3;
	s6 =	simm.s32 @!p1 $0x1082;
	[sflag:s4] =	ssyncset.s32 $0xFFFFF086  }
0x25: {  	[simem:s6], [sflag:s4] =	dma.local [hbm:s3], $0xF7A  }
0x26: {  	[smem:$0x3F97] =	sst s1;
	(tag) =	ssettag s2;
	_ =	strace s9  }
0x27: {  	s1 =	sld [smem:$0x3FA7]  }
0x28: {  	s2 =	sld [smem:$0x3FA8]  }
0x29: {  	s4 =	sld [smem:$0x3FAA]  }
0x2a: {  	p0 =	seq.s32 s5, $0x0;
	s5 =	sld [smem:$0x3FAB]  }
0x2b: {  	s6 =	sld [smem:$0x3FAC]  }
0x2c: {  	s7 =	sld [smem:$0x3FAD]  }
0x2d: {  	s3 =	simm.s32 $0x108;
	s8 =	sld [smem:$0x3FAE]  }
0x2e: {  	s3 =	simm.s32 @!p0 $0x1082;
	s9 =	sld [smem:$0x3FAF]  }
0x2f: {  	lr =	sadd.s32 s0, s3;
	s0 =	sld [smem:$0x3FA6]  }
0x30: {  	s3 =	sld [smem:$0x3FA9]  }
0x31: {  	[smem:$0x3FB2] =	sst s10  }
0x32: {  	s10 =	sld [smem:$0x3FB0];
	_ =	sdelay $0x3  }
0x33: {  	p0 =	seq.s32 s10, $0x1;
	s10 =	sld [smem:$0x3FB2];
	_ =	sdelay $0x3  }
0x34: {  	[smem:$0x3FB2] =	sst s10  }
0x35: {  	s10 =	sld [smem:$0x3FB1];
	_ =	sdelay $0x3  }
0x36: {  	p1 =	seq.s32 s10, $0x1;
	s10 =	sld [smem:$0x3FB2];
	_ =	sdelay $0x3  }
0x37: {  	[smem:$0x3FB2] =	sst s10  }
0x38: {  	s10 =	sld [smem:$0x3FB3]  }
0x39: {  	_ = 	snop;
	(pc) =	sbr.ind lr, $3  }
0x3a: {  	_ = 	snop  }
0x3b: {  	_ = 	snop  }
0x3c: {  	p2 =	seq.s32 s10, $0x1;
	s10 =	sld [smem:$0x3FB2]  }
0x3d: {  	_ =	shalt  }
0x3e: {  	_ =	shalt  }
0x3f: {  	_ =	shalt  }
0x40: {  	_ =	shalt  }
0x41: {  	_ =	shalt  }
0x42: {  	_ =	shalt  }
0x43: {  	_ =	shalt  }
0x44: {  	_ =	shalt  }
0x45: {  	_ =	shalt  }
0x46: {  	_ =	shalt  }
0x47: {  	_ =	shalt  }
0x48: {  	_ =	shalt  }
0x49: {  	_ =	shalt  }
0x4a: {  	_ =	shalt  }
0x4b: {  	_ =	shalt  }
0x4c: {  	_ =	shalt  }
0x4d: {  	_ =	shalt  }
0x4e: {  	_ =	shalt  }
0x4f: {  	_ =	shalt  }
0x50: {  	_ =	shalt  }
0x51: {  	_ =	shalt  }
0x52: {  	_ =	shalt  }
0x53: {  	_ =	shalt  }
0x54: {  	_ =	shalt  }
0x55: {  	_ =	shalt  }
0x56: {  	_ =	shalt  }
0x57: {  	_ =	shalt  }
0x58: {  	_ =	shalt  }
0x59: {  	_ =	shalt  }
0x5a: {  	_ =	shalt  }
0x5b: {  	_ =	shalt  }
0x5c: {  	_ =	shalt  }
0x5d: {  	_ =	shalt  }
0x5e: {  	_ =	shalt  }
0x5f: {  	_ =	shalt  }
0x60: {  	_ =	shalt  }
0x61: {  	_ =	shalt  }
0x62: {  	_ =	shalt  }
0x63: {  	_ =	shalt  }
0x64: {  	_ =	shalt  }
0x65: {  	_ =	shalt  }
0x66: {  	_ =	shalt  }
0x67: {  	_ =	shalt  }
0x68: {  	_ =	shalt  }
0x69: {  	_ =	shalt  }
0x6a: {  	_ =	shalt  }
0x6b: {  	_ =	shalt  }
0x6c: {  	_ =	shalt  }
0x6d: {  	_ =	shalt  }
0x6e: {  	_ =	shalt  }
0x6f: {  	_ =	shalt  }
0x70: {  	_ =	shalt  }
0x71: {  	_ =	shalt  }
0x72: {  	_ =	shalt  }
0x73: {  	_ =	shalt  }
0x74: {  	_ =	shalt  }
0x75: {  	_ =	shalt  }
0x76: {  	_ =	shalt  }
0x77: {  	_ =	shalt  }
0x78: {  	_ =	shalt  }
0x79: {  	_ =	shalt  }
0x7a: {  	_ =	shalt  }
0x7b: {  	_ =	shalt  }
0x7c: {  	_ =	shalt  }
0x7d: {  	_ =	shalt  }
0x7e: {  	_ =	shalt  }
0x7f: {  	_ =	shalt  }
0x80: {  	_ =	shalt  }
0x81: {  	_ =	shalt  }
0x82: {  	_ =	shalt  }
0x83: {  	_ =	shalt  }
0x84: {  	_ =	shalt  }
0x85: {  	_ =	shalt  }
0x86: {  	_ =	shalt  }
0x87: {  	_ =	shalt  }
.Lfunc_end0:
.L_simem_size_0:
called_computation.3_lowered:
.L_overlay_start_0:
0x88: {  	s2 =	sld [smem:$0x3FD9]  }
0x89: {  	s3 =	sld [smem:$0x3FFE];
	_ =	sdelay $0x1  }
0x8a: {  	s1 =	srdreg.scid  }
0x8b: {  	s0 =	sand.u32 $0x1, s1  }
0x8c: {  	s17 =	sshll.u32 s0, $0xA;
	s2 =	sadd.s32 s3, s2  }
0x8d: {  	s2 =	sadd.s32 s2, s17  }
0x8e: {  	[smem:$0x3FBE] =	sst s2  }
0x8f: {  	_ = 	snop  }
0x90: {  	s2 =	sld [smem:$0x3FD0];
	(tm) =	ssettm $0x1  }
0x91: {  	s18 =	sld [smem:$0x3FFB];
	_ =	sdelay $0x3  }
0x92: {  	_ =	strace s18  }
0x93: {  	s3 =	sld [smem:$0x3FFC];
	_ =	sdelay $0x3  }
0x94: {  	_ =	strace s3  }
0x95: {  	s3 =	sld [smem:$0x3FFD];
	_ =	sdelay $0x3  }
0x96: {  	_ =	strace s3  }
0x97: {  	_ =	strace $0x8FFFFFFF  }
0x98: {  	s19 =	sld [smem:$0x3FDB];
	_ =	sdelay $0x1  }
0x99: {  	s4 =	simm.s32 $_scs_section_size  }
0x9a: {  	s5 =	simm.s32 $_size__tile_overlayer_lowered;
	s6 =	simm.s32 $_tile_overlayer_lowered  }
0x9b: {  	s22 =	simm.s32 $0x1BFF;
	s21 =	sshll.u32 s6, $0x1;
	s3 =	sadd.s32 s4, s19  }
0x9c: {  	s7 =	simm.s32 $0x0;
	s20 =	sshll.u32 s5, $0x1;
	s5 =	sadd.s32 s21, s3  }
0x9d: {  	[timem:s7], [sflag:s22] =	dma.local [hbm:s5], s20  }
0x9e: {  	_ =	swait.ge [sflag:s22], s20  }
0x9f: {  	s4 =	ssub.s32 $0x0, s20;
	[sflag:s22] =	ssyncset.done $0x0  }
0xa0: {  	[sflag:s22] =	ssyncadd.s32 s4;
	_ =	sdelay $0x1  }
0xa1: {  	s23 =	simm.s32 $0x1B8B  }
0xa2: {  	_ =	swait.ge [sflag:s23], $0x1  }
0xa3: {  	[sflag:s23] =	ssyncset.done $0x0  }
0xa4: {  	s25 =	simm.s32 $0x1B8E;
	s24 =	sld [smem:$0x3FFE];
	[sflag:s23] =	ssyncadd.s32 $0xFFFFFFFF  }
0xa5: {  	s26 =	simm.s32 $execute0_lowered;
	[smem:$0x3FD2] =	sst s25  }
0xa6: {  	s5 =	sshll.u32 s26, $0x1;
	_ =	strace $0x8000004F;
	[dreg:$0x1] =	wrdreg $0xFFFFFFFF  }
0xa7: {  	s28 =	simm.s32 $_size_execute0_lowered;
	s3 =	sadd.s32 s3, s5;
	[dreg:$0x0] =	wrdreg $0x0  }
0xa8: {  	s5 =	sshll.u32 s28, $0x1;
	[dreg:$0x2] =	wrdreg s3  }
0xa9: {  	[dreg:$0x3] =	wrdreg s5  }
0xaa: {  	[dreg:$0x4] =	wrdreg $0xC0  }
0xab: {  	_ =	task [dreg:s7], $0x5FFFF  }
0xac: {  	[dreg:$0x1] =	wrdreg $0xFFFFFFFF  }
0xad: {  	[dreg:$0x0] =	wrdreg $0x60  }
0xae: {  	[dreg:$0x2] =	wrdreg s2  }
0xaf: {  	[dreg:$0x3] =	wrdreg s24  }
0xb0: {  	[dreg:$0x4] =	wrdreg $0x9  }
0xb1: {  	_ =	task.clear_ibuf [dreg:s7], $0x5FFFF;
	_ =	strace $0x9000004F  }
0xb2: {  	s29 =	simm.s32 $0x9;
	_ =	strace $0x80000051  }
0xb3: {  	_ =	swait.ge [sflag:s29], $0x1  }
0xb4: {  	[sflag:s29] =	ssyncadd.s32 $0xFFFFFFFF  }
0xb5: {  	_ =	strace $0x90000051  }
0xb6: {  	_ =	sfence  }
0xb7: {  	s30 =	sld [smem:$0x0];
	_ =	sdelay $0x2  }
0xb8: {  	s31 =	sshll.u32 s1, $0xD;
	s1 =	sshrl.u32 s1, $0x2  }
0xb9: {  	s3 =	sand.u32 $0x4000, s31;
	s1 =	sadd.s32 s1, s30  }
0xba: {  	s0 =	sor.u32 s3, s0;
	s1 =	sshll.u32 s1, $0x11  }
0xbb: {  	s0 =	sor.u32 s1, s0  }
0xbc: {  	s0 =	sadd.s32 $0x8F2B, s0  }
0xbd: {  	[sflag:s0] =	ssyncadd.remote.s32 $0x1  }
0xbe: {  	_ =	sfence.sel $0xFFFF  }
0xbf: {  	[dreg:$0x0] =	wrdreg $0xFFFFFFFF;
	(pc) =	sbr.abs _section_cstart, $3  }
0xc0: {  	[dreg:$0x1] =	wrdreg $0xFFFFFFFF  }
0xc1: {  	_ =	task.clear_ibuf [dreg:s7], $0x2FFFF;
	_ =	strace $0x9FFFFFFF  }
0xc2: {  	(tm) =	ssettm $0x7FFFFFFF  }
0xc3: {  	_ =	shalt  }
tec
execute0_lowered:
.L_overlay_start_1:
0x0: {  	(tag) =	ssettag $0x1  }
0x1: {  	s0 =	srdreg.scid;
	s1 =	rddreg [dreg:$0x0]  }
0x2: {  	s6 =	rddreg [dreg:$0x1];
	s5 =	stileid.u32  }
0x3: {  	s2 =	simm.s32 $0x0;
	s11 =	simm.s32 $0x3;
	s15 =	simm.s32 $0x1E400  }
0x4: {  	s16 =	simm.s32 $0x1EC00;
	s17 =	simm.s32 $0x1F400;
	s18 =	simm.s32 $0x1  }
0x5: {  	s19 =	simm.s32 $0xA000;
	s20 =	simm.s32 $0xC800;
	s21 =	simm.s32 $0x2800  }
0x6: {  	s22 =	simm.s32 $0xF000;
	s23 =	simm.s32 $0x11800;
	s24 =	simm.s32 $0x5000  }
0x7: {  	s25 =	simm.s32 $0x14000;
	s28 =	simm.s32 $0x7800;
	s0 =	sand.u32 $0x1, s0  }
0x8: {  	s29 =	simm.s32 $0x19000;
	s30 =	simm.s32 $0x1B800;
	s3 =	sshll.u32 s0, $0x4  }
0x9: {  	s31 =	simm.s32 $0x2;
	[smem:$0x7FF] =	sst s2;
	s3 =	sor.u32 s5, s3  }
0xa: {  	_ =	strace $0x80000050;
	s0 =	ssub.s32 $0x2, s0;
	s4 =	sshrl.u32 s3, $0x3  }
0xb: {  	s5 =	sshll.u32 s5, $0x7;
	s26 =	sshrl.u32 s0, $0x1;
	s7 =	smul.u32 $0xA0000, s4  }
0xc: {  	s3 =	sadd.s32 $0x2800, s6;
	s8 =	sand.u32 $0x380, s5;
	s9 =	smul.u32 $0x50000, s4  }
0xd: {  	s5 =	sadd.s32 $0xC800, s6;
	s0 =	ssub.s32 s0, s26;
	s26 =	simm.s32 $0x16800  }
0xe: {  	s4 =	sadd.s32 $0x7800, s6;
	s7 =	sor.u32 s8, s7;
	s8 =	sor.u32 s8, s9  }
0xf: {  	s9 =	simm.s32 $0x400;
	s7 =	sshrl.u32 s7, $0x3;
	s8 =	sshrl.u32 s8, $0x3  }
0x10: {  	s7 =	sadd.s32 s7, s6;
	s6 =	sadd.s32 s1, s8;
	s8 =	smax.u32 s0, $0x1  }
0x11: {  	v0 =	vimm.f32 $0.0e+00;
	s1 =	simm.s32 $0x80;
	s0 =	simm.s32 $0x0;
	s7 =	sadd.s32 $0x1B800, s7  }
.LBB2_1:
0x12: {  	[tilespmem:s2], [sflag:$0x3] =	stream.strided.gather [hbm4b:s6+s1], $0xA000, s9, s1, $0x38;
	[tilespmem:$0x1F800] =	vst v63  }
0x13: {  	_ =	swait.ge [sflag:s11], $0xA000  }
0x14: {  	[sflag:s11] =	ssyncset.done $0x0  }
0x15: {  	s1 =	simm.s32 $0xA020;
	[sflag:s11] =	ssyncadd.s32 $0xFFFF6000  }
0x16: {  	[tilespmem:s1+$0xFFFFFFE0] =	vst v0  }
0x17: {  	[tilespmem:s1+$0x10] =	vst v0  }
0x18: {  	s9 =	simm.s32 $0x0;
	[tilespmem:s1+$0x0] =	vst v0  }
.LBB2_2:
0x19: {  	s9 =	sadd.s32 $0x4, s9  }
0x1a: {  	[tilespmem:s1+$0xFFFFFFF0] =	vst v0;
	s1 =	sadd.s32 $0x40, s1;
	p0 =	slt.u32 s9, $0x13FC  }
.Ltmp0:
0x1b: {  	[tilespmem:s1+$0xFFFFFFE0] =	vst v0;
	(pc) =	sbr.rel @p0 .LBB2_2-.Ltmp0, $3  }
0x1c: {  	_ =	sdelay $0x1  }
0x1d: {  	[tilespmem:s1+$0x10] =	vst v0  }
0x1e: {  	[tilespmem:s1+$0x0] =	vst v0  }
0x1f: {  	[tilespmem:s1+$0xFFFFFFF0] =	vst v0;
	s1 =	simm.s32 $0x0;
	s9 =	simm.s32 $0x1E000  }
0x20: {  	[tilespmem:s9], [sflag:$0x1] =	stream.linear.gather [hbm4b:s3+s1], $0x400, $0x38;
	[tilespmem:$0x1F800] =	vst v63  }
0x21: {  	s13 =	simm.s32 $0x1E800  }
0x22: {  	[tilespmem:s13], [sflag:$0x1] =	stream.linear.gather [hbm4b:s4+s1], $0x400, $0x38;
	[tilespmem:$0x1F800] =	vst v63  }
0x23: {  	s14 =	simm.s32 $0x1F000  }
0x24: {  	[tilespmem:s14], [sflag:$0x1] =	stream.linear.gather [hbm4b:s5+s1], $0x400, $0x38;
	[tilespmem:$0x1F800] =	vst v63  }
.LBB2_4:
0x25: {  	s12 =	sshll.u32 s1, $0x8  }
0x26: {  	s9 =	sor.u32 $0x80, s12  }
0x27: {  	s10 =	sadd.s32 s3, s9  }
0x28: {  	[tilespmem:s15], [sflag:$0x2] =	stream.linear.gather [hbm4b:s10+s2], $0x400, $0x38;
	[tilespmem:$0x1F800] =	vst v63  }
0x29: {  	s14 =	sadd.s32 s4, s9  }
0x2a: {  	[tilespmem:s16], [sflag:$0x2] =	stream.linear.gather [hbm4b:s14+s2], $0x400, $0x38;
	[tilespmem:$0x1F800] =	vst v63  }
0x2b: {  	s9 =	sadd.s32 s5, s9  }
0x2c: {  	[tilespmem:s17], [sflag:$0x2] =	stream.linear.gather [hbm4b:s9+s2], $0x400, $0x38;
	[tilespmem:$0x1F800] =	vst v63  }
0x2d: {  	_ =	swait.ge [sflag:s18], $0x400  }
0x2e: {  	[sflag:s18] =	ssyncset.done $0x0  }
0x2f: {  	[sflag:s18] =	ssyncadd.s32 $0xFFFFFC00  }
0x30: {  	_ =	swait.ge [sflag:s18], $0x400  }
0x31: {  	[sflag:s18] =	ssyncset.done $0x0  }
0x32: {  	[sflag:s18] =	ssyncadd.s32 $0xFFFFFC00  }
0x33: {  	_ =	swait.ge [sflag:s18], $0x400  }
0x34: {  	[sflag:s18] =	ssyncset.done $0x0  }
0x35: {  	s10 =	simm.s32 $0x1E020;
	[sflag:s18] =	ssyncadd.s32 $0xFFFFFC00  }
0x36: {  	v10 =	vld [tilespmem:s10+$0x10];
	_ =	sdelay $0x5  }
0x37: {  	s13 =	simm.s32 $0x1E820  }
0x38: {  	v11 =	vld [tilespmem:s13+$0x10]  }
0x39: {  	s14 =	simm.s32 $0x1F020;
	v2 =	vld.idx.msk [tilespmem:v10+s2+$0x0], $0xffff  }
0x3a: {  	v12 =	vld [tilespmem:s14+$0x10];
	_ =	sdelay $0x1  }
0x3b: {  	v1 =	vld [tilespmem:s10+$0xFFFFFFF0]  }
0x3c: {  	v4 =	vld [tilespmem:s10+$0xFFFFFFE0]  }
0x3d: {  	v5 =	vld [tilespmem:s10+$0x0];
	v3 =	vshll.u32 v2, $0x10  }
0x3e: {  	v9 =	vld [tilespmem:s14+$0xFFFFFFE0];
	v2 =	vand.u32 $0xFFFF0000, v2;
	v3 =	vmul.f32 v3, v12  }
0x3f: {  	v6 =	vld [tilespmem:s13+$0xFFFFFFE0];
	v2 =	vmul.f32 v2, v12  }
0x40: {  	[tilespmem:v11+s19+$0x0] =	vst.idx.add.f32.msk $0xffff, v3  }
0x41: {  	[tilespmem:v11+s20+$0x0] =	vst.idx.add.f32.msk $0xffff, v2  }
0x42: {  	v3 =	vld.idx.msk [tilespmem:v10+s21+$0x0], $0xffff  }
0x43: {  	v8 =	vld [tilespmem:s14+$0xFFFFFFF0]  }
0x44: {  	v7 =	vld [tilespmem:s14+$0x0]  }
0x45: {  	v13 =	vld.idx.msk [tilespmem:v4+s2+$0x0], $0xffff  }
0x46: {  	v14 =	vld.idx.msk [tilespmem:v1+s2+$0x0], $0xffff  }
0x47: {  	v2 =	vld [tilespmem:s13+$0xFFFFFFF0];
	v16 =	vshll.u32 v3, $0x10  }
0x48: {  	v15 =	vld.idx.msk [tilespmem:v5+s2+$0x0], $0xffff;
	v17 =	vand.u32 $0xFFFF0000, v3;
	v16 =	vmul.f32 v16, v12  }
0x49: {  	v3 =	vld [tilespmem:s13+$0x0];
	v17 =	vmul.f32 v17, v12  }
0x4a: {  	v18 =	vshll.u32 v13, $0x10;
	[tilespmem:v11+s22+$0x0] =	vst.idx.add.f32.msk $0xffff, v16  }
0x4b: {  	v13 =	vand.u32 $0xFFFF0000, v13;
	v57 =	vmul.f32 v18, v9;
	[tilespmem:v11+s23+$0x0] =	vst.idx.add.f32.msk $0xffff, v17  }
0x4c: {  	v58 =	vshll.u32 v14, $0x10;
	v13 =	vmul.f32 v13, v9;
	v59 =	vld.idx.msk [tilespmem:v10+s24+$0x0], $0xffff  }
0x4d: {  	v14 =	vand.u32 $0xFFFF0000, v14;
	[tilespmem:v6+s19+$0x0] =	vst.idx.add.f32.msk $0xffff, v57;
	v17 =	vmul.f32 v58, v8  }
0x4e: {  	v60 =	vshll.u32 v15, $0x10;
	v14 =	vmul.f32 v14, v8;
	[tilespmem:v6+s20+$0x0] =	vst.idx.add.f32.msk $0xffff, v13  }
0x4f: {  	v13 =	vmul.f32 v60, v7;
	[tilespmem:v2+s19+$0x0] =	vst.idx.add.f32.msk $0xffff, v17  }
0x50: {  	[tilespmem:v2+s20+$0x0] =	vst.idx.add.f32.msk $0xffff, v14  }
0x51: {  	[tilespmem:v3+s19+$0x0] =	vst.idx.add.f32.msk $0xffff, v13;
	v13 =	vshll.u32 v59, $0x10  }
0x52: {  	v14 =	vld.idx.msk [tilespmem:v4+s21+$0x0], $0xffff;
	v61 =	vand.u32 $0xFFFF0000, v59;
	v13 =	vmul.f32 v13, v12  }
0x53: {  	v17 =	vld.idx.msk [tilespmem:v1+s21+$0x0], $0xffff;
	v16 =	vmul.f32 v61, v12  }
0x54: {  	v15 =	vand.u32 $0xFFFF0000, v15;
	[tilespmem:v11+s25+$0x0] =	vst.idx.add.f32.msk $0xffff, v13  }
0x55: {  	v13 =	vmul.f32 v15, v7;
	[tilespmem:v11+s26+$0x0] =	vst.idx.add.f32.msk $0xffff, v16  }
0x56: {  	v10 =	vld.idx.msk [tilespmem:v10+s28+$0x0], $0xffff  }
0x57: {  	[tilespmem:v3+s20+$0x0] =	vst.idx.add.f32.msk $0xffff, v13;
	v13 =	vshll.u32 v14, $0x10  }
0x58: {  	v14 =	vand.u32 $0xFFFF0000, v14;
	v15 =	vld.idx.msk [tilespmem:v5+s21+$0x0], $0xffff;
	v13 =	vmul.f32 v13, v9  }
0x59: {  	v62 =	vshll.u32 v17, $0x10;
	v14 =	vmul.f32 v14, v9  }
0x5a: {  	v17 =	vand.u32 $0xFFFF0000, v17;
	v16 =	vmul.f32 v62, v8;
	[tilespmem:v6+s22+$0x0] =	vst.idx.add.f32.msk $0xffff, v13  }
0x5b: {  	v13 =	vmul.f32 v17, v8;
	[tilespmem:v6+s23+$0x0] =	vst.idx.add.f32.msk $0xffff, v14;
	v14 =	vshll.u32 v10, $0x10  }
0x5c: {  	[tilespmem:v2+s22+$0x0] =	vst.idx.add.f32.msk $0xffff, v16;
	v10 =	vand.u32 $0xFFFF0000, v10;
	v14 =	vmul.f32 v14, v12  }
0x5d: {  	[tilespmem:v2+s23+$0x0] =	vst.idx.add.f32.msk $0xffff, v13;
	v63 =	vshll.u32 v15, $0x10;
	v10 =	vmul.f32 v10, v12  }
0x5e: {  	v13 =	vmul.f32 v63, v7;
	[tilespmem:v11+s29+$0x0] =	vst.idx.add.f32.msk $0xffff, v14  }
0x5f: {  	v12 =	vand.u32 $0xFFFF0000, v15;
	[tilespmem:v11+s30+$0x0] =	vst.idx.add.f32.msk $0xffff, v10  }
0x60: {  	v12 =	vmul.f32 v12, v7;
	[tilespmem:v3+s22+$0x0] =	vst.idx.add.f32.msk $0xffff, v13  }
0x61: {  	v13 =	vld.idx.msk [tilespmem:v4+s24+$0x0], $0xffff  }
0x62: {  	[tilespmem:v3+s23+$0x0] =	vst.idx.add.f32.msk $0xffff, v12  }
0x63: {  	v12 =	vld.idx.msk [tilespmem:v1+s24+$0x0], $0xffff  }
0x64: {  	v10 =	vld.idx.msk [tilespmem:v5+s24+$0x0], $0xffff;
	_ =	sdelay $0x1  }
0x65: {  	s9 =	simm.s32 $0x0;
	s10 =	simm.s32 $0x1E060  }
.LBB2_5:
0x66: {  	v11 =	vld [tilespmem:s10+$0x10];
	v14 =	vshll.u32 v13, $0x10;
	v13 =	vand.u32 $0xFFFF0000, v13  }
0x67: {  	v16 =	vshll.u32 v12, $0x10;
	v12 =	vand.u32 $0xFFFF0000, v12;
	v15 =	vld [tilespmem:s10+$0xFFFFFFF0];
	v14 =	vmul.f32 v14, v9  }
0x68: {  	v13 =	vmul.f32 v13, v9;
	v18 =	vshll.u32 v10, $0x10;
	v10 =	vand.u32 $0xFFFF0000, v10;
	v17 =	vld [tilespmem:s10+$0x0]  }
0x69: {  	v16 =	vmul.f32 v16, v8;
	v12 =	vmul.f32 v12, v8;
	v19 =	vld [tilespmem:s10+$0xFFFFFFE0]  }
0x6a: {  	s9 =	sadd.s32 $0x4, s9;
	[tilespmem:v6+s25+$0x0] =	vst.idx.add.f32.msk $0xffff, v14;
	v14 =	vmul.f32 v18, v7;
	v18 =	vmul.f32 v10, v7  }
0x6b: {  	p0 =	slt.u32 s9, $0x3C;
	[tilespmem:v6+s26+$0x0] =	vst.idx.add.f32.msk $0xffff, v13  }
0x6c: {  	[tilespmem:v2+s25+$0x0] =	vst.idx.add.f32.msk $0xffff, v16  }
0x6d: {  	[tilespmem:v2+s26+$0x0] =	vst.idx.add.f32.msk $0xffff, v12  }
0x6e: {  	s13 =	sadd.s32 $0x40, s13;
	v13 =	vld.idx.msk [tilespmem:v11+s2+$0x0], $0xffff  }
0x6f: {  	s14 =	sadd.s32 $0x40, s14;
	v10 =	vld [tilespmem:s13+$0x10]  }
0x70: {  	v12 =	vld [tilespmem:s14+$0x10]  }
0x71: {  	v16 =	vld.idx.msk [tilespmem:v19+s2+$0x0], $0xffff  }
0x72: {  	v20 =	vld.idx.msk [tilespmem:v15+s2+$0x0], $0xffff  }
0x73: {  	v21 =	vld.idx.msk [tilespmem:v17+s2+$0x0], $0xffff  }
0x74: {  	v23 =	vshll.u32 v13, $0x10;
	v22 =	vld [tilespmem:s14+$0xFFFFFFE0]  }
0x75: {  	v13 =	vand.u32 $0xFFFF0000, v13;
	v24 =	vld [tilespmem:s14+$0xFFFFFFF0];
	v23 =	vmul.f32 v23, v12  }
0x76: {  	v13 =	vmul.f32 v13, v12;
	v25 =	vld [tilespmem:s14+$0x0]  }
0x77: {  	v26 =	vshll.u32 v16, $0x10;
	v16 =	vand.u32 $0xFFFF0000, v16;
	[tilespmem:v10+s19+$0x0] =	vst.idx.add.f32.msk $0xffff, v23  }
0x78: {  	v23 =	vshll.u32 v20, $0x10;
	v20 =	vand.u32 $0xFFFF0000, v20;
	[tilespmem:v10+s20+$0x0] =	vst.idx.add.f32.msk $0xffff, v13  }
0x79: {  	v13 =	vmul.f32 v26, v22;
	v26 =	vshll.u32 v21, $0x10;
	v21 =	vand.u32 $0xFFFF0000, v21;
	v27 =	vld.idx.msk [tilespmem:v11+s21+$0x0], $0xffff  }
0x7a: {  	v16 =	vmul.f32 v16, v22;
	v28 =	vld [tilespmem:s13+$0xFFFFFFE0];
	v23 =	vmul.f32 v23, v24  }
0x7b: {  	v20 =	vmul.f32 v20, v24;
	v29 =	vld [tilespmem:s13+$0xFFFFFFF0];
	v26 =	vmul.f32 v26, v25  }
0x7c: {  	v21 =	vmul.f32 v21, v25;
	v30 =	vld [tilespmem:s13+$0x0]  }
0x7d: {  	[tilespmem:v3+s25+$0x0] =	vst.idx.add.f32.msk $0xffff, v14  }
0x7e: {  	[tilespmem:v3+s26+$0x0] =	vst.idx.add.f32.msk $0xffff, v18  }
0x7f: {  	v14 =	vshll.u32 v27, $0x10;
	v18 =	vld.idx.msk [tilespmem:v4+s28+$0x0], $0xffff;
	v4 =	vmov v19  }
0x80: {  	v19 =	vand.u32 $0xFFFF0000, v27;
	v14 =	vmul.f32 v14, v12;
	v27 =	vld.idx.msk [tilespmem:v1+s28+$0x0], $0xffff;
	v1 =	vmov v15  }
0x81: {  	v15 =	vmul.f32 v19, v12;
	v19 =	vld.idx.msk [tilespmem:v5+s28+$0x0], $0xffff;
	v5 =	vmov v17  }
0x82: {  	[tilespmem:v10+s22+$0x0] =	vst.idx.add.f32.msk $0xffff, v14  }
0x83: {  	[tilespmem:v10+s23+$0x0] =	vst.idx.add.f32.msk $0xffff, v15  }
0x84: {  	v14 =	vld.idx.msk [tilespmem:v11+s24+$0x0], $0xffff  }
0x85: {  	v15 =	vand.u32 $0xFFFF0000, v18;
	[tilespmem:v28+s19+$0x0] =	vst.idx.add.f32.msk $0xffff, v13;
	v13 =	vshll.u32 v18, $0x10  }
0x86: {  	v17 =	vand.u32 $0xFFFF0000, v27;
	[tilespmem:v28+s20+$0x0] =	vst.idx.add.f32.msk $0xffff, v16;
	v13 =	vmul.f32 v13, v9;
	v16 =	vshll.u32 v27, $0x10  }
0x87: {  	v15 =	vmul.f32 v15, v9;
	v18 =	vshll.u32 v19, $0x10;
	v19 =	vand.u32 $0xFFFF0000, v19;
	v9 =	vmovc v22;
	[tilespmem:v29+s19+$0x0] =	vst.idx.add.f32.msk $0xffff, v23  }
0x88: {  	v17 =	vmul.f32 v17, v8;
	v16 =	vmul.f32 v16, v8;
	v8 =	vmov v24;
	[tilespmem:v29+s20+$0x0] =	vst.idx.add.f32.msk $0xffff, v20  }
0x89: {  	v18 =	vmul.f32 v18, v7;
	v19 =	vmul.f32 v19, v7;
	v7 =	vmov v25;
	[tilespmem:v30+s19+$0x0] =	vst.idx.add.f32.msk $0xffff, v26  }
0x8a: {  	v20 =	vshll.u32 v14, $0x10;
	[tilespmem:v30+s20+$0x0] =	vst.idx.add.f32.msk $0xffff, v21  }
0x8b: {  	v14 =	vand.u32 $0xFFFF0000, v14;
	v20 =	vmul.f32 v20, v12;
	v21 =	vld.idx.msk [tilespmem:v4+s21+$0x0], $0xffff  }
0x8c: {  	v14 =	vmul.f32 v14, v12;
	v22 =	vld.idx.msk [tilespmem:v1+s21+$0x0], $0xffff  }
0x8d: {  	[tilespmem:v10+s25+$0x0] =	vst.idx.add.f32.msk $0xffff, v20  }
0x8e: {  	[tilespmem:v10+s26+$0x0] =	vst.idx.add.f32.msk $0xffff, v14  }
0x8f: {  	v11 =	vld.idx.msk [tilespmem:v11+s28+$0x0], $0xffff  }
0x90: {  	v14 =	vld.idx.msk [tilespmem:v5+s21+$0x0], $0xffff  }
0x91: {  	v20 =	vshll.u32 v21, $0x10;
	v21 =	vand.u32 $0xFFFF0000, v21;
	[tilespmem:v6+s29+$0x0] =	vst.idx.add.f32.msk $0xffff, v13  }
0x92: {  	v13 =	vmul.f32 v20, v9;
	v20 =	vshll.u32 v22, $0x10;
	v22 =	vand.u32 $0xFFFF0000, v22;
	[tilespmem:v6+s30+$0x0] =	vst.idx.add.f32.msk $0xffff, v15;
	v6 =	vmovc v28  }
0x93: {  	v15 =	vmul.f32 v21, v9;
	v20 =	vmul.f32 v20, v8;
	[tilespmem:v2+s29+$0x0] =	vst.idx.add.f32.msk $0xffff, v16  }
0x94: {  	[tilespmem:v28+s22+$0x0] =	vst.idx.add.f32.msk $0xffff, v13;
	v13 =	vmul.f32 v22, v8  }
0x95: {  	[tilespmem:v28+s23+$0x0] =	vst.idx.add.f32.msk $0xffff, v15;
	v15 =	vshll.u32 v11, $0x10  }
0x96: {  	v16 =	vshll.u32 v14, $0x10;
	v11 =	vand.u32 $0xFFFF0000, v11;
	[tilespmem:v29+s22+$0x0] =	vst.idx.add.f32.msk $0xffff, v20;
	v15 =	vmul.f32 v15, v12  }
0x97: {  	v11 =	vmul.f32 v11, v12;
	[tilespmem:v29+s23+$0x0] =	vst.idx.add.f32.msk $0xffff, v13;
	v13 =	vand.u32 $0xFFFF0000, v14;
	v14 =	vmul.f32 v16, v7  }
0x98: {  	v12 =	vmul.f32 v13, v7;
	[tilespmem:v10+s29+$0x0] =	vst.idx.add.f32.msk $0xffff, v15  }
0x99: {  	[tilespmem:v10+s30+$0x0] =	vst.idx.add.f32.msk $0xffff, v11  }
0x9a: {  	[tilespmem:v30+s22+$0x0] =	vst.idx.add.f32.msk $0xffff, v14  }
0x9b: {  	[tilespmem:v30+s23+$0x0] =	vst.idx.add.f32.msk $0xffff, v12  }
0x9c: {  	v13 =	vld.idx.msk [tilespmem:v4+s24+$0x0], $0xffff  }
.Ltmp1:
0x9d: {  	v12 =	vld.idx.msk [tilespmem:v1+s24+$0x0], $0xffff;
	(pc) =	sbr.rel @p0 .LBB2_5-.Ltmp1, $4  }
0x9e: {  	v10 =	vld.idx.msk [tilespmem:v5+s24+$0x0], $0xffff  }
0x9f: {  	[tilespmem:v2+s30+$0x0] =	vst.idx.add.f32.msk $0xffff, v17;
	v2 =	vmov v29  }
0xa0: {  	[tilespmem:v3+s29+$0x0] =	vst.idx.add.f32.msk $0xffff, v18  }
0xa1: {  	s10 =	sadd.s32 $0x40, s10;
	[tilespmem:v3+s30+$0x0] =	vst.idx.add.f32.msk $0xffff, v19;
	v3 =	vmov v30  }
0xa2: {  	_ = 	snop  }
0xa3: {  	v11 =	vshll.u32 v13, $0x10  }
0xa4: {  	v14 =	vshll.u32 v12, $0x10;
	v11 =	vmul.f32 v11, v9  }
0xa5: {  	v13 =	vand.u32 $0xFFFF0000, v13;
	v14 =	vmul.f32 v14, v8  }
0xa6: {  	v12 =	vand.u32 $0xFFFF0000, v12;
	v13 =	vmul.f32 v13, v9;
	[tilespmem:v6+s25+$0x0] =	vst.idx.add.f32.msk $0xffff, v11  }
0xa7: {  	v11 =	vmul.f32 v12, v8;
	[tilespmem:v2+s25+$0x0] =	vst.idx.add.f32.msk $0xffff, v14  }
0xa8: {  	v12 =	vshll.u32 v10, $0x10;
	[tilespmem:v6+s26+$0x0] =	vst.idx.add.f32.msk $0xffff, v13  }
0xa9: {  	v12 =	vmul.f32 v12, v7;
	[tilespmem:v2+s26+$0x0] =	vst.idx.add.f32.msk $0xffff, v11  }
0xaa: {  	v10 =	vand.u32 $0xFFFF0000, v10;
	v4 =	vld.idx.msk [tilespmem:v4+s28+$0x0], $0xffff  }
0xab: {  	v10 =	vmul.f32 v10, v7;
	[tilespmem:v3+s25+$0x0] =	vst.idx.add.f32.msk $0xffff, v12  }
0xac: {  	v1 =	vld.idx.msk [tilespmem:v1+s28+$0x0], $0xffff  }
0xad: {  	[tilespmem:v3+s26+$0x0] =	vst.idx.add.f32.msk $0xffff, v10  }
0xae: {  	v5 =	vld.idx.msk [tilespmem:v5+s28+$0x0], $0xffff  }
0xaf: {  	v10 =	vshll.u32 v4, $0x10  }
0xb0: {  	v4 =	vand.u32 $0xFFFF0000, v4;
	v10 =	vmul.f32 v10, v9  }
0xb1: {  	v11 =	vshll.u32 v1, $0x10;
	v4 =	vmul.f32 v4, v9  }
0xb2: {  	v1 =	vand.u32 $0xFFFF0000, v1;
	v9 =	vmul.f32 v11, v8;
	[tilespmem:v6+s29+$0x0] =	vst.idx.add.f32.msk $0xffff, v10  }
0xb3: {  	v1 =	vmul.f32 v1, v8;
	v10 =	vshll.u32 v5, $0x10;
	[tilespmem:v6+s30+$0x0] =	vst.idx.add.f32.msk $0xffff, v4  }
0xb4: {  	v4 =	vand.u32 $0xFFFF0000, v5;
	v5 =	vmul.f32 v10, v7;
	[tilespmem:v2+s29+$0x0] =	vst.idx.add.f32.msk $0xffff, v9  }
0xb5: {  	p0 =	seq.s32 s1, $0x4F;
	v4 =	vmul.f32 v4, v7;
	[tilespmem:v2+s30+$0x0] =	vst.idx.add.f32.msk $0xffff, v1  }
0xb6: {  	s9 =	sadd.s32 @!p0 $0x100, s12;
	[tilespmem:v3+s29+$0x0] =	vst.idx.add.f32.msk $0xffff, v5  }
0xb7: {  	s12 =	simm.s32 @!p0 $0x0;
	s13 =	simm.s32 @!p0 $0x1E000;
	s10 =	sadd.s32 @!p0 s3, s9;
	[tilespmem:v3+s30+$0x0] =	vst.idx.add.f32.msk $0xffff, v4  }
0xb8: {  	[tilespmem:s13], [sflag:$0x1] =	stream.linear.gather @!p0 [hbm4b:s10+s12], $0x400, $0x38;
	[tilespmem:$0x1F800] =	vst v63  }
0xb9: {  	s10 =	sadd.s32 @!p0 s4, s9;
	s13 =	simm.s32 @!p0 $0x1E800  }
0xba: {  	[tilespmem:s13], [sflag:$0x1] =	stream.linear.gather @!p0 [hbm4b:s10+s12], $0x400, $0x38;
	[tilespmem:$0x1F800] =	vst v63  }
0xbb: {  	s9 =	sadd.s32 @!p0 s5, s9;
	s10 =	simm.s32 @!p0 $0x1F000  }
0xbc: {  	[tilespmem:s10], [sflag:$0x1] =	stream.linear.gather @!p0 [hbm4b:s9+s12], $0x400, $0x38;
	[tilespmem:$0x1F800] =	vst v63  }
0xbd: {  	_ =	swait.ge [sflag:s31], $0x400  }
0xbe: {  	[sflag:s31] =	ssyncset.done $0x0  }
0xbf: {  	[sflag:s31] =	ssyncadd.s32 $0xFFFFFC00  }
0xc0: {  	_ =	swait.ge [sflag:s31], $0x400  }
0xc1: {  	[sflag:s31] =	ssyncset.done $0x0  }
0xc2: {  	[sflag:s31] =	ssyncadd.s32 $0xFFFFFC00  }
0xc3: {  	_ =	swait.ge [sflag:s31], $0x400  }
0xc4: {  	[sflag:s31] =	ssyncset.done $0x0  }
0xc5: {  	s14 =	simm.s32 $0x1E420;
	[sflag:s31] =	ssyncadd.s32 $0xFFFFFC00  }
0xc6: {  	v10 =	vld [tilespmem:s14+$0x10];
	_ =	sdelay $0x5  }
0xc7: {  	s12 =	simm.s32 $0x1EC20  }
0xc8: {  	v11 =	vld [tilespmem:s12+$0x10]  }
0xc9: {  	s13 =	simm.s32 $0x1F420;
	v2 =	vld.idx.msk [tilespmem:v10+s2+$0x0], $0xffff  }
0xca: {  	v12 =	vld [tilespmem:s13+$0x10];
	_ =	sdelay $0x1  }
0xcb: {  	v1 =	vld [tilespmem:s14+$0xFFFFFFF0]  }
0xcc: {  	v4 =	vld [tilespmem:s14+$0xFFFFFFE0]  }
0xcd: {  	v5 =	vld [tilespmem:s14+$0x0];
	v3 =	vshll.u32 v2, $0x10  }
0xce: {  	v9 =	vld [tilespmem:s13+$0xFFFFFFE0];
	v2 =	vand.u32 $0xFFFF0000, v2;
	v3 =	vmul.f32 v3, v12  }
0xcf: {  	v6 =	vld [tilespmem:s12+$0xFFFFFFE0];
	v2 =	vmul.f32 v2, v12  }
0xd0: {  	[tilespmem:v11+s19+$0x0] =	vst.idx.add.f32.msk $0xffff, v3  }
0xd1: {  	[tilespmem:v11+s20+$0x0] =	vst.idx.add.f32.msk $0xffff, v2  }
0xd2: {  	v3 =	vld.idx.msk [tilespmem:v10+s21+$0x0], $0xffff  }
0xd3: {  	v8 =	vld [tilespmem:s13+$0xFFFFFFF0]  }
0xd4: {  	v7 =	vld [tilespmem:s13+$0x0]  }
0xd5: {  	v13 =	vld.idx.msk [tilespmem:v4+s2+$0x0], $0xffff  }
0xd6: {  	v14 =	vld.idx.msk [tilespmem:v1+s2+$0x0], $0xffff  }
0xd7: {  	v2 =	vld [tilespmem:s12+$0xFFFFFFF0];
	v16 =	vshll.u32 v3, $0x10  }
0xd8: {  	v15 =	vld.idx.msk [tilespmem:v5+s2+$0x0], $0xffff;
	v17 =	vand.u32 $0xFFFF0000, v3;
	v16 =	vmul.f32 v16, v12  }
0xd9: {  	v3 =	vld [tilespmem:s12+$0x0];
	v17 =	vmul.f32 v17, v12  }
0xda: {  	v18 =	vshll.u32 v13, $0x10;
	[tilespmem:v11+s22+$0x0] =	vst.idx.add.f32.msk $0xffff, v16  }
0xdb: {  	v13 =	vand.u32 $0xFFFF0000, v13;
	v57 =	vmul.f32 v18, v9;
	[tilespmem:v11+s23+$0x0] =	vst.idx.add.f32.msk $0xffff, v17  }
0xdc: {  	v58 =	vshll.u32 v14, $0x10;
	v13 =	vmul.f32 v13, v9;
	v59 =	vld.idx.msk [tilespmem:v10+s24+$0x0], $0xffff  }
0xdd: {  	v14 =	vand.u32 $0xFFFF0000, v14;
	[tilespmem:v6+s19+$0x0] =	vst.idx.add.f32.msk $0xffff, v57;
	v17 =	vmul.f32 v58, v8  }
0xde: {  	v60 =	vshll.u32 v15, $0x10;
	v14 =	vmul.f32 v14, v8;
	[tilespmem:v6+s20+$0x0] =	vst.idx.add.f32.msk $0xffff, v13  }
0xdf: {  	v13 =	vmul.f32 v60, v7;
	[tilespmem:v2+s19+$0x0] =	vst.idx.add.f32.msk $0xffff, v17  }
0xe0: {  	[tilespmem:v2+s20+$0x0] =	vst.idx.add.f32.msk $0xffff, v14  }
0xe1: {  	[tilespmem:v3+s19+$0x0] =	vst.idx.add.f32.msk $0xffff, v13;
	v13 =	vshll.u32 v59, $0x10  }
0xe2: {  	v14 =	vld.idx.msk [tilespmem:v4+s21+$0x0], $0xffff;
	v61 =	vand.u32 $0xFFFF0000, v59;
	v13 =	vmul.f32 v13, v12  }
0xe3: {  	v17 =	vld.idx.msk [tilespmem:v1+s21+$0x0], $0xffff;
	v16 =	vmul.f32 v61, v12  }
0xe4: {  	v15 =	vand.u32 $0xFFFF0000, v15;
	[tilespmem:v11+s25+$0x0] =	vst.idx.add.f32.msk $0xffff, v13  }
0xe5: {  	v13 =	vmul.f32 v15, v7;
	[tilespmem:v11+s26+$0x0] =	vst.idx.add.f32.msk $0xffff, v16  }
0xe6: {  	v10 =	vld.idx.msk [tilespmem:v10+s28+$0x0], $0xffff  }
0xe7: {  	[tilespmem:v3+s20+$0x0] =	vst.idx.add.f32.msk $0xffff, v13;
	v13 =	vshll.u32 v14, $0x10  }
0xe8: {  	v14 =	vand.u32 $0xFFFF0000, v14;
	v15 =	vld.idx.msk [tilespmem:v5+s21+$0x0], $0xffff;
	v13 =	vmul.f32 v13, v9  }
0xe9: {  	v62 =	vshll.u32 v17, $0x10;
	v14 =	vmul.f32 v14, v9  }
0xea: {  	v17 =	vand.u32 $0xFFFF0000, v17;
	v16 =	vmul.f32 v62, v8;
	[tilespmem:v6+s22+$0x0] =	vst.idx.add.f32.msk $0xffff, v13  }
0xeb: {  	v13 =	vmul.f32 v17, v8;
	[tilespmem:v6+s23+$0x0] =	vst.idx.add.f32.msk $0xffff, v14;
	v14 =	vshll.u32 v10, $0x10  }
0xec: {  	[tilespmem:v2+s22+$0x0] =	vst.idx.add.f32.msk $0xffff, v16;
	v10 =	vand.u32 $0xFFFF0000, v10;
	v14 =	vmul.f32 v14, v12  }
0xed: {  	[tilespmem:v2+s23+$0x0] =	vst.idx.add.f32.msk $0xffff, v13;
	v63 =	vshll.u32 v15, $0x10;
	v10 =	vmul.f32 v10, v12  }
0xee: {  	v13 =	vmul.f32 v63, v7;
	[tilespmem:v11+s29+$0x0] =	vst.idx.add.f32.msk $0xffff, v14  }
0xef: {  	v12 =	vand.u32 $0xFFFF0000, v15;
	[tilespmem:v11+s30+$0x0] =	vst.idx.add.f32.msk $0xffff, v10  }
0xf0: {  	v12 =	vmul.f32 v12, v7;
	[tilespmem:v3+s22+$0x0] =	vst.idx.add.f32.msk $0xffff, v13  }
0xf1: {  	v13 =	vld.idx.msk [tilespmem:v4+s24+$0x0], $0xffff  }
0xf2: {  	[tilespmem:v3+s23+$0x0] =	vst.idx.add.f32.msk $0xffff, v12  }
0xf3: {  	v12 =	vld.idx.msk [tilespmem:v1+s24+$0x0], $0xffff  }
0xf4: {  	v10 =	vld.idx.msk [tilespmem:v5+s24+$0x0], $0xffff;
	_ =	sdelay $0x1  }
0xf5: {  	s9 =	simm.s32 $0x0;
	s10 =	simm.s32 $0x1E460  }
.LBB2_7:
0xf6: {  	v11 =	vld [tilespmem:s10+$0x10];
	v14 =	vshll.u32 v13, $0x10;
	v13 =	vand.u32 $0xFFFF0000, v13  }
0xf7: {  	v16 =	vshll.u32 v12, $0x10;
	v12 =	vand.u32 $0xFFFF0000, v12;
	v15 =	vld [tilespmem:s10+$0xFFFFFFF0];
	v14 =	vmul.f32 v14, v9  }
0xf8: {  	v13 =	vmul.f32 v13, v9;
	v18 =	vshll.u32 v10, $0x10;
	v10 =	vand.u32 $0xFFFF0000, v10;
	v17 =	vld [tilespmem:s10+$0x0]  }
0xf9: {  	v16 =	vmul.f32 v16, v8;
	v12 =	vmul.f32 v12, v8;
	v19 =	vld [tilespmem:s10+$0xFFFFFFE0]  }
0xfa: {  	s9 =	sadd.s32 $0x4, s9;
	[tilespmem:v6+s25+$0x0] =	vst.idx.add.f32.msk $0xffff, v14;
	v14 =	vmul.f32 v18, v7;
	v18 =	vmul.f32 v10, v7  }
0xfb: {  	p0 =	slt.u32 s9, $0x3C;
	[tilespmem:v6+s26+$0x0] =	vst.idx.add.f32.msk $0xffff, v13  }
0xfc: {  	[tilespmem:v2+s25+$0x0] =	vst.idx.add.f32.msk $0xffff, v16  }
0xfd: {  	[tilespmem:v2+s26+$0x0] =	vst.idx.add.f32.msk $0xffff, v12  }
0xfe: {  	s12 =	sadd.s32 $0x40, s12;
	v13 =	vld.idx.msk [tilespmem:v11+s2+$0x0], $0xffff  }
0xff: {  	s13 =	sadd.s32 $0x40, s13;
	v10 =	vld [tilespmem:s12+$0x10]  }
0x100: {  	v12 =	vld [tilespmem:s13+$0x10]  }
0x101: {  	v16 =	vld.idx.msk [tilespmem:v19+s2+$0x0], $0xffff  }
0x102: {  	v20 =	vld.idx.msk [tilespmem:v15+s2+$0x0], $0xffff  }
0x103: {  	v21 =	vld.idx.msk [tilespmem:v17+s2+$0x0], $0xffff  }
0x104: {  	v23 =	vshll.u32 v13, $0x10;
	v22 =	vld [tilespmem:s13+$0xFFFFFFE0]  }
0x105: {  	v13 =	vand.u32 $0xFFFF0000, v13;
	v24 =	vld [tilespmem:s13+$0xFFFFFFF0];
	v23 =	vmul.f32 v23, v12  }
0x106: {  	v13 =	vmul.f32 v13, v12;
	v25 =	vld [tilespmem:s13+$0x0]  }
0x107: {  	v26 =	vshll.u32 v16, $0x10;
	v16 =	vand.u32 $0xFFFF0000, v16;
	[tilespmem:v10+s19+$0x0] =	vst.idx.add.f32.msk $0xffff, v23  }
0x108: {  	v23 =	vshll.u32 v20, $0x10;
	v20 =	vand.u32 $0xFFFF0000, v20;
	[tilespmem:v10+s20+$0x0] =	vst.idx.add.f32.msk $0xffff, v13  }
0x109: {  	v13 =	vmul.f32 v26, v22;
	v26 =	vshll.u32 v21, $0x10;
	v21 =	vand.u32 $0xFFFF0000, v21;
	v27 =	vld.idx.msk [tilespmem:v11+s21+$0x0], $0xffff  }
0x10a: {  	v16 =	vmul.f32 v16, v22;
	v28 =	vld [tilespmem:s12+$0xFFFFFFE0];
	v23 =	vmul.f32 v23, v24  }
0x10b: {  	v20 =	vmul.f32 v20, v24;
	v29 =	vld [tilespmem:s12+$0xFFFFFFF0];
	v26 =	vmul.f32 v26, v25  }
0x10c: {  	v21 =	vmul.f32 v21, v25;
	v30 =	vld [tilespmem:s12+$0x0]  }
0x10d: {  	[tilespmem:v3+s25+$0x0] =	vst.idx.add.f32.msk $0xffff, v14  }
0x10e: {  	[tilespmem:v3+s26+$0x0] =	vst.idx.add.f32.msk $0xffff, v18  }
0x10f: {  	v14 =	vshll.u32 v27, $0x10;
	v18 =	vld.idx.msk [tilespmem:v4+s28+$0x0], $0xffff;
	v4 =	vmov v19  }
0x110: {  	v19 =	vand.u32 $0xFFFF0000, v27;
	v14 =	vmul.f32 v14, v12;
	v27 =	vld.idx.msk [tilespmem:v1+s28+$0x0], $0xffff;
	v1 =	vmov v15  }
0x111: {  	v15 =	vmul.f32 v19, v12;
	v19 =	vld.idx.msk [tilespmem:v5+s28+$0x0], $0xffff;
	v5 =	vmov v17  }
0x112: {  	[tilespmem:v10+s22+$0x0] =	vst.idx.add.f32.msk $0xffff, v14  }
0x113: {  	[tilespmem:v10+s23+$0x0] =	vst.idx.add.f32.msk $0xffff, v15  }
0x114: {  	v14 =	vld.idx.msk [tilespmem:v11+s24+$0x0], $0xffff  }
0x115: {  	v15 =	vand.u32 $0xFFFF0000, v18;
	[tilespmem:v28+s19+$0x0] =	vst.idx.add.f32.msk $0xffff, v13;
	v13 =	vshll.u32 v18, $0x10  }
0x116: {  	v17 =	vand.u32 $0xFFFF0000, v27;
	[tilespmem:v28+s20+$0x0] =	vst.idx.add.f32.msk $0xffff, v16;
	v13 =	vmul.f32 v13, v9;
	v16 =	vshll.u32 v27, $0x10  }
0x117: {  	v15 =	vmul.f32 v15, v9;
	v18 =	vshll.u32 v19, $0x10;
	v19 =	vand.u32 $0xFFFF0000, v19;
	v9 =	vmovc v22;
	[tilespmem:v29+s19+$0x0] =	vst.idx.add.f32.msk $0xffff, v23  }
0x118: {  	v17 =	vmul.f32 v17, v8;
	v16 =	vmul.f32 v16, v8;
	v8 =	vmov v24;
	[tilespmem:v29+s20+$0x0] =	vst.idx.add.f32.msk $0xffff, v20  }
0x119: {  	v18 =	vmul.f32 v18, v7;
	v19 =	vmul.f32 v19, v7;
	v7 =	vmov v25;
	[tilespmem:v30+s19+$0x0] =	vst.idx.add.f32.msk $0xffff, v26  }
0x11a: {  	v20 =	vshll.u32 v14, $0x10;
	[tilespmem:v30+s20+$0x0] =	vst.idx.add.f32.msk $0xffff, v21  }
0x11b: {  	v14 =	vand.u32 $0xFFFF0000, v14;
	v20 =	vmul.f32 v20, v12;
	v21 =	vld.idx.msk [tilespmem:v4+s21+$0x0], $0xffff  }
0x11c: {  	v14 =	vmul.f32 v14, v12;
	v22 =	vld.idx.msk [tilespmem:v1+s21+$0x0], $0xffff  }
0x11d: {  	[tilespmem:v10+s25+$0x0] =	vst.idx.add.f32.msk $0xffff, v20  }
0x11e: {  	[tilespmem:v10+s26+$0x0] =	vst.idx.add.f32.msk $0xffff, v14  }
0x11f: {  	v11 =	vld.idx.msk [tilespmem:v11+s28+$0x0], $0xffff  }
0x120: {  	v14 =	vld.idx.msk [tilespmem:v5+s21+$0x0], $0xffff  }
0x121: {  	v20 =	vshll.u32 v21, $0x10;
	v21 =	vand.u32 $0xFFFF0000, v21;
	[tilespmem:v6+s29+$0x0] =	vst.idx.add.f32.msk $0xffff, v13  }
0x122: {  	v13 =	vmul.f32 v20, v9;
	v20 =	vshll.u32 v22, $0x10;
	v22 =	vand.u32 $0xFFFF0000, v22;
	[tilespmem:v6+s30+$0x0] =	vst.idx.add.f32.msk $0xffff, v15;
	v6 =	vmovc v28  }
0x123: {  	v15 =	vmul.f32 v21, v9;
	v20 =	vmul.f32 v20, v8;
	[tilespmem:v2+s29+$0x0] =	vst.idx.add.f32.msk $0xffff, v16  }
0x124: {  	[tilespmem:v28+s22+$0x0] =	vst.idx.add.f32.msk $0xffff, v13;
	v13 =	vmul.f32 v22, v8  }
0x125: {  	[tilespmem:v28+s23+$0x0] =	vst.idx.add.f32.msk $0xffff, v15;
	v15 =	vshll.u32 v11, $0x10  }
0x126: {  	v16 =	vshll.u32 v14, $0x10;
	v11 =	vand.u32 $0xFFFF0000, v11;
	[tilespmem:v29+s22+$0x0] =	vst.idx.add.f32.msk $0xffff, v20;
	v15 =	vmul.f32 v15, v12  }
0x127: {  	v11 =	vmul.f32 v11, v12;
	[tilespmem:v29+s23+$0x0] =	vst.idx.add.f32.msk $0xffff, v13;
	v13 =	vand.u32 $0xFFFF0000, v14;
	v14 =	vmul.f32 v16, v7  }
0x128: {  	v12 =	vmul.f32 v13, v7;
	[tilespmem:v10+s29+$0x0] =	vst.idx.add.f32.msk $0xffff, v15  }
0x129: {  	[tilespmem:v10+s30+$0x0] =	vst.idx.add.f32.msk $0xffff, v11  }
0x12a: {  	[tilespmem:v30+s22+$0x0] =	vst.idx.add.f32.msk $0xffff, v14  }
0x12b: {  	[tilespmem:v30+s23+$0x0] =	vst.idx.add.f32.msk $0xffff, v12  }
0x12c: {  	v13 =	vld.idx.msk [tilespmem:v4+s24+$0x0], $0xffff  }
.Ltmp2:
0x12d: {  	v12 =	vld.idx.msk [tilespmem:v1+s24+$0x0], $0xffff;
	(pc) =	sbr.rel @p0 .LBB2_7-.Ltmp2, $4  }
0x12e: {  	v10 =	vld.idx.msk [tilespmem:v5+s24+$0x0], $0xffff  }
0x12f: {  	[tilespmem:v2+s30+$0x0] =	vst.idx.add.f32.msk $0xffff, v17;
	v2 =	vmov v29  }
0x130: {  	[tilespmem:v3+s29+$0x0] =	vst.idx.add.f32.msk $0xffff, v18  }
0x131: {  	s10 =	sadd.s32 $0x40, s10;
	[tilespmem:v3+s30+$0x0] =	vst.idx.add.f32.msk $0xffff, v19;
	v3 =	vmov v30  }
0x132: {  	_ = 	snop  }
0x133: {  	v11 =	vshll.u32 v13, $0x10  }
0x134: {  	v14 =	vshll.u32 v12, $0x10;
	v11 =	vmul.f32 v11, v9  }
0x135: {  	v53 =	vand.u32 $0xFFFF0000, v13;
	v14 =	vmul.f32 v14, v8  }
0x136: {  	v54 =	vand.u32 $0xFFFF0000, v12;
	v13 =	vmul.f32 v53, v9;
	[tilespmem:v6+s25+$0x0] =	vst.idx.add.f32.msk $0xffff, v11  }
0x137: {  	v55 =	vmul.f32 v54, v8;
	[tilespmem:v2+s25+$0x0] =	vst.idx.add.f32.msk $0xffff, v14  }
0x138: {  	[tilespmem:v6+s26+$0x0] =	vst.idx.add.f32.msk $0xffff, v13  }
0x139: {  	v56 =	vshll.u32 v10, $0x10;
	[tilespmem:v2+s26+$0x0] =	vst.idx.add.f32.msk $0xffff, v55  }
0x13a: {  	v57 =	vand.u32 $0xFFFF0000, v10;
	v12 =	vmul.f32 v56, v7;
	v4 =	vld.idx.msk [tilespmem:v4+s28+$0x0], $0xffff  }
0x13b: {  	v10 =	vmul.f32 v57, v7;
	v1 =	vld.idx.msk [tilespmem:v1+s28+$0x0], $0xffff  }
0x13c: {  	[tilespmem:v3+s25+$0x0] =	vst.idx.add.f32.msk $0xffff, v12  }
0x13d: {  	[tilespmem:v3+s26+$0x0] =	vst.idx.add.f32.msk $0xffff, v10  }
0x13e: {  	v5 =	vld.idx.msk [tilespmem:v5+s28+$0x0], $0xffff  }
0x13f: {  	v58 =	vshll.u32 v4, $0x10  }
0x140: {  	v59 =	vshll.u32 v1, $0x10;
	v10 =	vmul.f32 v58, v9  }
0x141: {  	s1 =	sadd.s32 $0x1, s1;
	v4 =	vand.u32 $0xFFFF0000, v4;
	v60 =	vmul.f32 v59, v8  }
0x142: {  	p0 =	sne.s32 s1, $0x50;
	v1 =	vand.u32 $0xFFFF0000, v1;
	v4 =	vmul.f32 v4, v9;
	[tilespmem:v6+s29+$0x0] =	vst.idx.add.f32.msk $0xffff, v10  }
.Ltmp3:
0x143: {  	v61 =	vshll.u32 v5, $0x10;
	v1 =	vmul.f32 v1, v8;
	[tilespmem:v2+s29+$0x0] =	vst.idx.add.f32.msk $0xffff, v60;
	(pc) =	sbr.rel @p0 .LBB2_4-.Ltmp3, $4  }
0x144: {  	v62 =	vand.u32 $0xFFFF0000, v5;
	v63 =	vmul.f32 v61, v7;
	[tilespmem:v6+s30+$0x0] =	vst.idx.add.f32.msk $0xffff, v4  }
0x145: {  	v4 =	vmul.f32 v62, v7;
	[tilespmem:v2+s30+$0x0] =	vst.idx.add.f32.msk $0xffff, v1  }
0x146: {  	[tilespmem:v3+s29+$0x0] =	vst.idx.add.f32.msk $0xffff, v63  }
0x147: {  	[tilespmem:v3+s30+$0x0] =	vst.idx.add.f32.msk $0xffff, v4  }
0x148: {  	s0 =	sadd.s32 $0x1, s0  }
0x149: {  	p0 =	sne.s32 s0, s8  }
.Ltmp4:
0x14a: {  	s1 =	simm.s32 $0x80;
	s9 =	simm.s32 $0x400;
	(pc) =	sbr.rel @p0 .LBB2_1-.Ltmp4, $4  }
0x14b: {  	[hbm4b:s7+s1] =	stream.strided.scatter [tilespmem:s19], [sflag:$0x3], $0x14000, s9, s1, $0x38;
	[tilespmem:$0x1F800] =	vst v63  }
0x14c: {  	_ =	swait.ge [sflag:s11], $0x14000  }
0x14d: {  	[sflag:s11] =	ssyncset.done $0x0  }
0x14e: {  	[sflag:s11] =	ssyncadd.s32 $0xFFFEC000  }
0x14f: {  	_ =	sfence.sel $0x180000  }
0x150: {  	[bflag:$0x0] =	sbarrier.arrive $0xFFFF  }
0x151: {  	_ =	strace $0x90000050  }
0x152: {  	s0 =	stileid.u32;
	[bflag:$0x2] =	sbarrier.arrive $0xFFFF  }
0x153: {  	p0 =	sne.s32 s0, $0x0;
	s0 =	rddreg [dreg:$0x2]  }
0x154: {  	s0 =	sadd.s32 @!p0 $0x100000, s0  }
0x155: {  	[sflag:s0] =	ssyncadd.tile.s32 @!p0 $0x1;
	_ =	shalt  }
.Lfunc_end2:
_tile_overlayer_lowered:
.L_overlay_start_2:
0x156: {  	(tag) =	ssettag $0x2  }
0x157: {  	s0 =	rddreg [dreg:$0x0];
	s2 =	stileid.u32  }
0x158: {  	s1 =	rddreg [dreg:$0x1];
	p0 =	sne.s32 s2, $0x0  }
0x159: {  	s3 =	rddreg [dreg:$0x2];
	[bflag:$0x3] =	sbarrier.arrive $0xFFFF;
	s2 =	simm.s32 @!p0 $0x1C03  }
0x15a: {  	[timem:s3], [sflag:s2] =	dma.local @!p0 [hbm:s0], s1  }
0x15b: {  	s0 =	simm.s32 @!p0 $0x3  }
0x15c: {  	_ =	swait.ge @!p0 [sflag:s0], s1  }
0x15d: {  	s1 =	ssub.s32 @!p0 $0x0, s1;
	[sflag:s0] =	ssyncset.done @!p0 $0x0  }
0x15e: {  	[sflag:s0] =	ssyncadd.s32 @!p0 s1  }
0x15f: {  	[bflag:$0x3] =	sbarrier.arrive $0xFFFF  }
0x160: {  	_ =	shalt  }

// kernel: kernel.9.cloned.1.call-start
scs
__scs_entry_jumppad:
0x0: {  	(pc) =	sbr.rel $0x88, $3  }
0x1: {  	(tag) =	ssettag $0x0;
	lr =	simm.s32 $0x1  }
0x2: {  	[smem:$0x3F97] =	sst lr;
	_ =	strace $0xD0000000  }
0x3: {  	_ = 	snop  }
0x4: {  	_ = 	snop  }
0x5: {  	_ = 	snop  }
0x6: {  	_ = 	snop  }
0x7: {  	_ = 	snop  }
__scs_overlays_trampoline_lowered:
0x8: {  	[smem:$0x3FA6] =	sst s0  }
0x9: {  	[smem:$0x3FA7] =	sst s1  }
0xa: {  	[smem:$0x3FA8] =	sst s2  }
0xb: {  	[smem:$0x3FA9] =	sst s3  }
0xc: {  	[smem:$0x3FAA] =	sst s4  }
0xd: {  	[smem:$0x3FAB] =	sst s5  }
0xe: {  	[smem:$0x3FAC] =	sst s6  }
0xf: {  	[smem:$0x3FAD] =	sst s7  }
0x10: {  	[smem:$0x3FAE] =	sst s8  }
0x11: {  	[smem:$0x3FAF] =	sst s9;
	s0 =	simm.s32 @!p0 $0x0  }
0x12: {  	s1 =	sld [smem:$0x3F95];
	s0 =	simm.s32 @p0 $0x1  }
0x13: {  	[smem:$0x3FB0] =	sst s0;
	s0 =	simm.s32 @!p1 $0x0  }
0x14: {  	s2 =	sld [smem:$0x3F94];
	s0 =	simm.s32 @p1 $0x1  }
0x15: {  	[smem:$0x3FB1] =	sst s0;
	s0 =	simm.s32 @!p2 $0x0  }
0x16: {  	s3 =	sld [smem:$0x3FDB];
	s0 =	simm.s32 @p2 $0x1  }
0x17: {  	s4 =	simm.s32 $0x1BF5;
	[smem:$0x3FB3] =	sst s0  }
0x18: {  	s0 =	sld [smem:$0x3F96];
	_ =	swait.ge [sflag:s4], $0x0  }
0x19: {  	s7 =	sld [smem:$0x3F97]  }
0x1a: {  	s8 =	sadd.s32 $0xFFFFE003, lr  }
0x1b: {  	s9 =	sadd.s32 $0xFFFFFEF7, lr;
	s5 =	simm.s32 $0xFFFFFFFF;
	p2 =	slt.u32 s8, $0xFFFFF086  }
0x1c: {  	p1 =	slt.u32 s9, $0xF7A;
	s5 =	simm.s32 @!p2 $0x0  }
0x1d: {  	s5 =	simm.s32 @p1 $0x1;
	p0 =	seq.s32 s7, s2  }
0x1e: {  	s7 =	smul.u32 @!p0 $0xF7A, s2;
	p2 =	seq.s32 @!p0 s5, $0x0  }
0x1f: {  	s9 =	smul.u32 $0xF7A, s1;
	s8 =	simm.s32 @!p0 $0x1BF5;
	p2 =	por !p2, p0  }
0x20: {  	[sflag:s8] =	ssyncset.s32 @!p0 $0xFFFFF086;
	s6 =	sadd.s32 @!p0 s3, s7;
	s7 =	simm.s32 @!p0 $0x108  }
0x21: {  	s3 =	sadd.s32 s3, s9;
	s6 =	sadd.s32 @!p0 $0x88, s6;
	s7 =	simm.s32 @p2 $0x1082  }
0x22: {  	[simem:s7], [sflag:s8] =	dma.local @!p0 [hbm:s6], $0xF7A  }
0x23: {  	s9 =	sor.u32 $0xD0000000, s2;
	s6 =	simm.s32 $0x108;
	_ =	swait.ge @!p0 [sflag:s8], $0x0  }
0x24: {  	s3 =	sadd.s32 $0x88, s3;
	s6 =	simm.s32 @!p1 $0x1082;
	[sflag:s4] =	ssyncset.s32 $0xFFFFF086  }
0x25: {  	[simem:s6], [sflag:s4] =	dma.local [hbm:s3], $0xF7A  }
0x26: {  	[smem:$0x3F97] =	sst s1;
	(tag) =	ssettag s2;
	_ =	strace s9  }
0x27: {  	s1 =	sld [smem:$0x3FA7]  }
0x28: {  	s2 =	sld [smem:$0x3FA8]  }
0x29: {  	s4 =	sld [smem:$0x3FAA]  }
0x2a: {  	p0 =	seq.s32 s5, $0x0;
	s5 =	sld [smem:$0x3FAB]  }
0x2b: {  	s6 =	sld [smem:$0x3FAC]  }
0x2c: {  	s7 =	sld [smem:$0x3FAD]  }
0x2d: {  	s3 =	simm.s32 $0x108;
	s8 =	sld [smem:$0x3FAE]  }
0x2e: {  	s3 =	simm.s32 @!p0 $0x1082;
	s9 =	sld [smem:$0x3FAF]  }
0x2f: {  	lr =	sadd.s32 s0, s3;
	s0 =	sld [smem:$0x3FA6]  }
0x30: {  	s3 =	sld [smem:$0x3FA9]  }
0x31: {  	[smem:$0x3FB2] =	sst s10  }
0x32: {  	s10 =	sld [smem:$0x3FB0];
	_ =	sdelay $0x3  }
0x33: {  	p0 =	seq.s32 s10, $0x1;
	s10 =	sld [smem:$0x3FB2];
	_ =	sdelay $0x3  }
0x34: {  	[smem:$0x3FB2] =	sst s10  }
0x35: {  	s10 =	sld [smem:$0x3FB1];
	_ =	sdelay $0x3  }
0x36: {  	p1 =	seq.s32 s10, $0x1;
	s10 =	sld [smem:$0x3FB2];
	_ =	sdelay $0x3  }
0x37: {  	[smem:$0x3FB2] =	sst s10  }
0x38: {  	s10 =	sld [smem:$0x3FB3]  }
0x39: {  	_ = 	snop;
	(pc) =	sbr.ind lr, $3  }
0x3a: {  	_ = 	snop  }
0x3b: {  	_ = 	snop  }
0x3c: {  	p2 =	seq.s32 s10, $0x1;
	s10 =	sld [smem:$0x3FB2]  }
0x3d: {  	_ =	shalt  }
0x3e: {  	_ =	shalt  }
0x3f: {  	_ =	shalt  }
0x40: {  	_ =	shalt  }
0x41: {  	_ =	shalt  }
0x42: {  	_ =	shalt  }
0x43: {  	_ =	shalt  }
0x44: {  	_ =	shalt  }
0x45: {  	_ =	shalt  }
0x46: {  	_ =	shalt  }
0x47: {  	_ =	shalt  }
0x48: {  	_ =	shalt  }
0x49: {  	_ =	shalt  }
0x4a: {  	_ =	shalt  }
0x4b: {  	_ =	shalt  }
0x4c: {  	_ =	shalt  }
0x4d: {  	_ =	shalt  }
0x4e: {  	_ =	shalt  }
0x4f: {  	_ =	shalt  }
0x50: {  	_ =	shalt  }
0x51: {  	_ =	shalt  }
0x52: {  	_ =	shalt  }
0x53: {  	_ =	shalt  }
0x54: {  	_ =	shalt  }
0x55: {  	_ =	shalt  }
0x56: {  	_ =	shalt  }
0x57: {  	_ =	shalt  }
0x58: {  	_ =	shalt  }
0x59: {  	_ =	shalt  }
0x5a: {  	_ =	shalt  }
0x5b: {  	_ =	shalt  }
0x5c: {  	_ =	shalt  }
0x5d: {  	_ =	shalt  }
0x5e: {  	_ =	shalt  }
0x5f: {  	_ =	shalt  }
0x60: {  	_ =	shalt  }
0x61: {  	_ =	shalt  }
0x62: {  	_ =	shalt  }
0x63: {  	_ =	shalt  }
0x64: {  	_ =	shalt  }
0x65: {  	_ =	shalt  }
0x66: {  	_ =	shalt  }
0x67: {  	_ =	shalt  }
0x68: {  	_ =	shalt  }
0x69: {  	_ =	shalt  }
0x6a: {  	_ =	shalt  }
0x6b: {  	_ =	shalt  }
0x6c: {  	_ =	shalt  }
0x6d: {  	_ =	shalt  }
0x6e: {  	_ =	shalt  }
0x6f: {  	_ =	shalt  }
0x70: {  	_ =	shalt  }
0x71: {  	_ =	shalt  }
0x72: {  	_ =	shalt  }
0x73: {  	_ =	shalt  }
0x74: {  	_ =	shalt  }
0x75: {  	_ =	shalt  }
0x76: {  	_ =	shalt  }
0x77: {  	_ =	shalt  }
0x78: {  	_ =	shalt  }
0x79: {  	_ =	shalt  }
0x7a: {  	_ =	shalt  }
0x7b: {  	_ =	shalt  }
0x7c: {  	_ =	shalt  }
0x7d: {  	_ =	shalt  }
0x7e: {  	_ =	shalt  }
0x7f: {  	_ =	shalt  }
0x80: {  	_ =	shalt  }
0x81: {  	_ =	shalt  }
0x82: {  	_ =	shalt  }
0x83: {  	_ =	shalt  }
0x84: {  	_ =	shalt  }
0x85: {  	_ =	shalt  }
0x86: {  	_ =	shalt  }
0x87: {  	_ =	shalt  }
.Lfunc_end0:
.L_simem_size_0:
called_computation_lowered:
.L_overlay_start_0:
0x88: {  	s2 =	sld [smem:$0x3FD9]  }
0x89: {  	s3 =	sld [smem:$0x3FFE];
	_ =	sdelay $0x1  }
0x8a: {  	s1 =	srdreg.scid  }
0x8b: {  	s0 =	sand.u32 $0x1, s1  }
0x8c: {  	s16 =	sshll.u32 s0, $0xA;
	s2 =	sadd.s32 s3, s2  }
0x8d: {  	s2 =	sadd.s32 s2, s16  }
0x8e: {  	[smem:$0x3FBE] =	sst s2  }
0x8f: {  	_ = 	snop  }
0x90: {  	(tm) =	ssettm $0x1  }
0x91: {  	s17 =	sld [smem:$0x3FFB];
	_ =	sdelay $0x3  }
0x92: {  	_ =	strace s17  }
0x93: {  	s2 =	sld [smem:$0x3FFC];
	_ =	sdelay $0x3  }
0x94: {  	_ =	strace s2  }
0x95: {  	s2 =	sld [smem:$0x3FFD];
	_ =	sdelay $0x3  }
0x96: {  	_ =	strace s2  }
0x97: {  	_ =	strace $0x8FFFFFFF  }
0x98: {  	s18 =	sld [smem:$0x3FDB];
	_ =	sdelay $0x1  }
0x99: {  	s19 =	simm.s32 $_scs_section_size  }
0x9a: {  	s4 =	simm.s32 $_size__tile_overlayer_lowered;
	s5 =	simm.s32 $_tile_overlayer_lowered  }
0x9b: {  	s22 =	simm.s32 $0x1BFF;
	s21 =	sshll.u32 s5, $0x1;
	s2 =	sadd.s32 s19, s18  }
0x9c: {  	s6 =	simm.s32 $0x0;
	s20 =	sshll.u32 s4, $0x1;
	s4 =	sadd.s32 s21, s2  }
0x9d: {  	[timem:s6], [sflag:s22] =	dma.local [hbm:s4], s20  }
0x9e: {  	_ =	swait.ge [sflag:s22], s20  }
0x9f: {  	s3 =	ssub.s32 $0x0, s20;
	[sflag:s22] =	ssyncset.done $0x0  }
0xa0: {  	[sflag:s22] =	ssyncadd.s32 s3;
	_ =	sdelay $0x1  }
0xa1: {  	s23 =	simm.s32 $0x1B8B  }
0xa2: {  	_ =	swait.ge [sflag:s23], $0x1  }
0xa3: {  	[sflag:s23] =	ssyncset.done $0x0  }
0xa4: {  	s25 =	simm.s32 $0x1B8E;
	s24 =	sld [smem:$0x3FFE];
	[sflag:s23] =	ssyncadd.s32 $0xFFFFFFFF  }
0xa5: {  	s26 =	simm.s32 $execute0_lowered;
	[smem:$0x3FD2] =	sst s25  }
0xa6: {  	s4 =	sshll.u32 s26, $0x1;
	_ =	strace $0x80000046;
	[dreg:$0x1] =	wrdreg $0xFFFFFFFF  }
0xa7: {  	s28 =	simm.s32 $_size_execute0_lowered;
	s2 =	sadd.s32 s2, s4;
	[dreg:$0x0] =	wrdreg $0x0  }
0xa8: {  	s4 =	sshll.u32 s28, $0x1;
	[dreg:$0x2] =	wrdreg s2  }
0xa9: {  	[dreg:$0x3] =	wrdreg s4  }
0xaa: {  	[dreg:$0x4] =	wrdreg $0xC0  }
0xab: {  	_ =	task [dreg:s6], $0x5FFFF  }
0xac: {  	[dreg:$0x1] =	wrdreg $0xFFFFFFFF  }
0xad: {  	[dreg:$0x0] =	wrdreg $0x60  }
0xae: {  	[dreg:$0x2] =	wrdreg s24  }
0xaf: {  	[dreg:$0x3] =	wrdreg $0x9  }
0xb0: {  	_ =	task.clear_ibuf [dreg:s6], $0x4FFFF;
	_ =	strace $0x90000046  }
0xb1: {  	s29 =	simm.s32 $0x9;
	_ =	strace $0x80000048  }
0xb2: {  	_ =	swait.ge [sflag:s29], $0x1  }
0xb3: {  	[sflag:s29] =	ssyncadd.s32 $0xFFFFFFFF  }
0xb4: {  	_ =	strace $0x90000048  }
0xb5: {  	_ =	sfence  }
0xb6: {  	s30 =	sld [smem:$0x0];
	_ =	sdelay $0x2  }
0xb7: {  	s31 =	sshll.u32 s1, $0xD;
	s1 =	sshrl.u32 s1, $0x2  }
0xb8: {  	s3 =	sand.u32 $0x4000, s31;
	s1 =	sadd.s32 s1, s30  }
0xb9: {  	s0 =	sor.u32 s3, s0;
	s1 =	sshll.u32 s1, $0x11  }
0xba: {  	s0 =	sor.u32 s1, s0  }
0xbb: {  	s0 =	sadd.s32 $0x8F2B, s0  }
0xbc: {  	[sflag:s0] =	ssyncadd.remote.s32 $0x1  }
0xbd: {  	_ =	sfence.sel $0xFFFF  }
0xbe: {  	[dreg:$0x0] =	wrdreg $0xFFFFFFFF;
	(pc) =	sbr.abs _section_cstart, $3  }
0xbf: {  	[dreg:$0x1] =	wrdreg $0xFFFFFFFF  }
0xc0: {  	_ =	task.clear_ibuf [dreg:s6], $0x2FFFF;
	_ =	strace $0x9FFFFFFF  }
0xc1: {  	(tm) =	ssettm $0x7FFFFFFF  }
tec
execute0_lowered:
.L_overlay_start_1:
0x0: {  	(tag) =	ssettag $0x1  }
0x1: {  	s0 =	srdreg.scid;
	s6 =	rddreg [dreg:$0x0]  }
0x2: {  	s2 =	simm.s32 $0x0;
	s11 =	simm.s32 $0x2800;
	s12 =	simm.s32 $0x5000  }
0x3: {  	s13 =	simm.s32 $0x6400;
	s14 =	simm.s32 $0x8C00;
	s15 =	simm.s32 $0x7800  }
0x4: {  	s16 =	simm.s32 $0x80;
	s17 =	simm.s32 $0x400;
	s5 =	sand.u32 $0x1, s0  }
0x5: {  	s18 =	simm.s32 $0x0;
	s0 =	stileid.u32;
	s1 =	sshll.u32 s5, $0x4  }
0x6: {  	[smem:$0x7FF] =	sst s2;
	s28 =	sshll.u32 s0, $0x7;
	s4 =	sor.u32 s0, s1  }
0x7: {  	s5 =	ssub.s32 $0x2, s5;
	s1 =	rddreg [dreg:$0x1];
	s3 =	sshrl.u32 s4, $0x3  }
0x8: {  	_ =	strace $0x80000047;
	s8 =	sand.u32 $0x380, s28;
	s7 =	smul.u32 $0x14000, s3  }
0x9: {  	s31 =	sshrl.u32 s5, $0x1;
	s9 =	smul.u32 $0x280, s4;
	s4 =	sadd.s32 $0x2200, s6  }
0xa: {  	s10 =	ssub.s32 s5, s31;
	s3 =	sadd.s32 $0x1C00, s6;
	s7 =	sor.u32 s8, s7  }
0xb: {  	s29 =	sadd.s32 s9, s6;
	s9 =	smax.u32 s10, $0x1;
	s7 =	sshrl.u32 s7, $0x3  }
0xc: {  	s10 =	simm.s32 $0x1;
	s5 =	sadd.s32 $0x2800, s29;
	s30 =	sadd.s32 s7, s6  }
0xd: {  	v0 =	vimm.f32 $0.0e+00;
	s6 =	sadd.s32 $0x7800, s29;
	s7 =	sadd.s32 $0xC800, s29;
	s8 =	sadd.s32 $0x11800, s30  }
.LBB2_1:
0xe: {  	[tilespmem:s2], [sflag:$0x1] =	stream.linear.gather [hbm4b:s3+s2], $0x2800, $0x38;
	[tilespmem:$0xB400] =	vst v63  }
0xf: {  	_ =	swait.ge [sflag:s10], $0x2800  }
0x10: {  	[sflag:s10] =	ssyncset.done $0x0  }
0x11: {  	[sflag:s10] =	ssyncadd.s32 $0xFFFFD800  }
0x12: {  	[tilespmem:s11], [sflag:$0x1] =	stream.linear.gather [hbm4b:s4+s2], $0x2800, $0x38;
	[tilespmem:$0xB400] =	vst v63  }
0x13: {  	_ =	swait.ge [sflag:s10], $0x2800  }
0x14: {  	[sflag:s10] =	ssyncset.done $0x0  }
0x15: {  	[sflag:s10] =	ssyncadd.s32 $0xFFFFD800  }
0x16: {  	[tilespmem:s12], [sflag:$0x1] =	stream.linear.gather [hbm4b:s5+s2], $0x1400, $0x38;
	[tilespmem:$0xB400] =	vst v63  }
0x17: {  	_ =	swait.ge [sflag:s10], $0x1400  }
0x18: {  	[sflag:s10] =	ssyncset.done $0x0  }
0x19: {  	[sflag:s10] =	ssyncadd.s32 $0xFFFFEC00  }
0x1a: {  	[tilespmem:s13], [sflag:$0x1] =	stream.linear.gather [hbm4b:s6+s2], $0x1400, $0x38;
	[tilespmem:$0xB400] =	vst v63  }
0x1b: {  	_ =	swait.ge [sflag:s10], $0x1400  }
0x1c: {  	[sflag:s10] =	ssyncset.done $0x0  }
0x1d: {  	s22 =	simm.s32 $0x8C20;
	[sflag:s10] =	ssyncadd.s32 $0xFFFFEC00  }
0x1e: {  	[tilespmem:s22+$0xFFFFFFE0] =	vst v0  }
0x1f: {  	[tilespmem:s22+$0x10] =	vst v0  }
0x20: {  	s23 =	simm.s32 $0x0;
	s21 =	simm.s32 $0x6420;
	s20 =	simm.s32 $0x5020;
	[tilespmem:s22+$0x0] =	vst v0  }
.LBB2_2:
0x21: {  	s23 =	sadd.s32 $0x4, s23  }
0x22: {  	[tilespmem:s22+$0xFFFFFFF0] =	vst v0;
	s22 =	sadd.s32 $0x40, s22;
	s19 =	simm.s32 $0x7820;
	p0 =	slt.u32 s23, $0x27C  }
.Ltmp0:
0x23: {  	[tilespmem:s22+$0xFFFFFFE0] =	vst v0;
	(pc) =	sbr.rel @p0 .LBB2_2-.Ltmp0, $3  }
0x24: {  	_ =	sdelay $0x1  }
0x25: {  	[tilespmem:s22+$0x10] =	vst v0  }
0x26: {  	[tilespmem:s22+$0x0] =	vst v0  }
0x27: {  	[tilespmem:s22+$0xFFFFFFF0] =	vst v0  }
0x28: {  	v16 =	vld [tilespmem:s21+$0xFFFFFFF0]  }
0x29: {  	v1 =	vld [tilespmem:s20+$0xFFFFFFF0]  }
0x2a: {  	v3 =	vld [tilespmem:s21+$0x0]  }
0x2b: {  	v2 =	vld [tilespmem:s21+$0x10]  }
0x2c: {  	v4 =	vld [tilespmem:s21+$0xFFFFFFE0]  }
0x2d: {  	v5 =	vld [tilespmem:s20+$0x10]  }
0x2e: {  	v6 =	vld [tilespmem:s20+$0xFFFFFFE0]  }
0x2f: {  	v7 =	vld [tilespmem:s20+$0x0]  }
0x30: {  	v8 =	vld.idx.msk [tilespmem:v16+s11+$0x0], $0xffff  }
0x31: {  	v1 =	vld.idx.msk [tilespmem:v1+s2+$0x0], $0xffff;
	_ =	sdelay $0x2  }
0x32: {  	v9 =	vld.idx.msk [tilespmem:v3+s11+$0x0], $0xffff  }
0x33: {  	v10 =	vld.idx.msk [tilespmem:v2+s11+$0x0], $0xffff  }
0x34: {  	v12 =	vld.idx.msk [tilespmem:v5+s2+$0x0], $0xffff;
	v5 =	vadd.f32 v8, v1  }
0x35: {  	v13 =	vld.idx.msk [tilespmem:v6+s2+$0x0], $0xffff  }
0x36: {  	v8 =	vld.idx.msk [tilespmem:v7+s2+$0x0], $0xffff;
	v6 =	vmul.f32 $2.000000030e-01, v5  }
0x37: {  	s31 =	simm.s32 $0x6460;
	v11 =	vld.idx.msk [tilespmem:v4+s11+$0x0], $0xffff;
	vm0 =	vge.f32 v5, $0.0e+00  }
0x38: {  	s20 =	simm.s32 $0x5060;
	v1 =	vld [tilespmem:s31+$0x0];
	v6 =	vsel vm0, v5, v6  }
0x39: {  	v15 =	vld [tilespmem:s20+$0xFFFFFFF0];
	v14 =	vmul.f32 $1.442695020e+00, v6  }
0x3a: {  	v7 =	vld [tilespmem:s31+$0x10];
	v12 =	vadd.f32 v10, v12  }
0x3b: {  	v5 =	vld [tilespmem:s31+$0xFFFFFFF0];
	(erf) = vpow2.f32 v14;
	v14 =	vadd.f32 v9, v8  }
0x3c: {  	v17 =	vld [tilespmem:s20+$0x10];
	v11 =	vadd.f32 v11, v13;
	v13 =	vmul.f32 $2.000000030e-01, v12  }
0x3d: {  	v18 =	vld [tilespmem:s20+$0xFFFFFFE0];
	vm13 =	vge.f32 v12, $0.0e+00;
	v19 =	vmul.f32 $2.000000030e-01, v14  }
0x3e: {  	v13 =	vsel vm13, v12, v13;
	v6 =	vld [tilespmem:s31+$0xFFFFFFE0];
	vm14 =	vge.f32 v14, $0.0e+00  }
0x3f: {  	v10 =	vld [tilespmem:s20+$0x0];
	v20 =	vmul.f32 $2.000000030e-01, v11;
	v13 =	vmul.f32 $1.442695020e+00, v13;
	v19 =	vsel vm14, v14, v19  }
0x40: {  	vm15 =	vge.f32 v11, $0.0e+00;
	v8 =	vld.idx.msk [tilespmem:v1+s11+$0x0], $0xffff;
	v19 =	vmul.f32 $1.442695020e+00, v19  }
0x41: {  	(erf) = vpow2.f32 v13;
	v14 =	vld.idx.msk [tilespmem:v15+s2+$0x0], $0xffff;
	v15 =	vsel vm15, v11, v20  }
0x42: {  	v9 =	vld.idx.msk [tilespmem:v7+s11+$0x0], $0xffff;
	v20 =	vmul.f32 $1.442695020e+00, v15;
	(erf) = vpow2.f32 v19  }
0x43: {  	v12 =	vld.idx.msk [tilespmem:v5+s11+$0x0], $0xffff  }
0x44: {  	v15 =	vld.idx.msk [tilespmem:v17+s2+$0x0], $0xffff;
	v17 =	vpop (erf);
	(erf) = vpow2.f32 v20  }
0x45: {  	v13 =	vld.idx.msk [tilespmem:v18+s2+$0x0], $0xffff  }
0x46: {  	v11 =	vld.idx.msk [tilespmem:v6+s11+$0x0], $0xffff;
	[tilespmem:s19+$0xFFFFFFF0] =	vst v17  }
0x47: {  	s22 =	simm.s32 $0x4;
	s23 =	simm.s32 $0x64A0;
	s21 =	simm.s32 $0x7820;
	[tilespmem:v16+s14+$0x0] =	vst.idx.add.f32.msk $0xffff, v17  }
.LBB2_4:
0x48: {  	v16 =	vld [tilespmem:s23+$0x0];
	s22 =	sadd.s32 $0x4, s22;
	s20 =	sadd.s32 $0x40, s20;
	s19 =	sadd.s32 $0x40, s19  }
0x49: {  	v12 =	vadd.f32 v12, v14;
	p0 =	slt.u32 s22, $0x13C;
	v10 =	vld.idx.msk [tilespmem:v10+s2+$0x0], $0xffff  }
0x4a: {  	v14 =	vld [tilespmem:s23+$0x10];
	v17 =	vpop (erf)  }
0x4b: {  	v19 =	vmul.f32 $2.000000030e-01, v12;
	v9 =	vadd.f32 v9, v15;
	v18 =	vld [tilespmem:s20+$0xFFFFFFF0];
	[tilespmem:s21+$0x10] =	vst v17;
	v15 =	vpop (erf)  }
0x4c: {  	vm0 =	vge.f32 v12, $0.0e+00;
	v11 =	vadd.f32 v11, v13;
	v20 =	vld [tilespmem:s23+$0xFFFFFFF0];
	[tilespmem:s21+$0x0] =	vst v15  }
0x4d: {  	v12 =	vsel vm0, v12, v19;
	v13 =	vmul.f32 $2.000000030e-01, v9;
	[tilespmem:v2+s14+$0x0] =	vst.idx.add.f32.msk $0xffff, v17;
	v17 =	vpop (erf);
	v2 =	vmov v7  }
0x4e: {  	vm0 =	vge.f32 v9, $0.0e+00;
	v21 =	vmul.f32 $1.442695020e+00, v12;
	v19 =	vld [tilespmem:s23+$0xFFFFFFE0];
	[tilespmem:s21+$0xFFFFFFE0] =	vst v17;
	s21 =	smov.u32 s19  }
0x4f: {  	v12 =	vmul.f32 $2.000000030e-01, v11;
	v10 =	vadd.f32 v8, v10;
	v8 =	vsel vm0, v9, v13;
	[tilespmem:v3+s14+$0x0] =	vst.idx.add.f32.msk $0xffff, v15  }
0x50: {  	vm0 =	vge.f32 v11, $0.0e+00;
	v13 =	vmul.f32 $1.442695020e+00, v8;
	v3 =	vmovc v1;
	v1 =	vmovc v16;
	(erf) = vpow2.f32 v21;
	[tilespmem:v4+s14+$0x0] =	vst.idx.add.f32.msk $0xffff, v17  }
0x51: {  	v8 =	vsel vm0, v11, v12;
	v7 =	vmovc v14;
	v9 =	vmul.f32 $2.000000030e-01, v10;
	v4 =	vmov v6;
	v15 =	vld [tilespmem:s20+$0x10]  }
0x52: {  	v21 =	vmul.f32 $1.442695020e+00, v8;
	vm0 =	vge.f32 v10, $0.0e+00;
	v17 =	vld [tilespmem:s20+$0xFFFFFFE0]  }
0x53: {  	v9 =	vsel vm0, v10, v9;
	v8 =	vld.idx.msk [tilespmem:v16+s11+$0x0], $0xffff;
	v6 =	vmov v19  }
0x54: {  	v11 =	vmul.f32 $1.442695020e+00, v9;
	v10 =	vld [tilespmem:s20+$0x0]  }
0x55: {  	v9 =	vld.idx.msk [tilespmem:v14+s11+$0x0], $0xffff;
	(erf) = vpow2.f32 v13  }
0x56: {  	v12 =	vld.idx.msk [tilespmem:v20+s11+$0x0], $0xffff;
	(erf) = vpow2.f32 v11  }
.Ltmp1:
0x57: {  	v14 =	vld.idx.msk [tilespmem:v18+s2+$0x0], $0xffff;
	(pc) =	sbr.rel @p0 .LBB2_4-.Ltmp1, $4  }
0x58: {  	v11 =	vld.idx.msk [tilespmem:v19+s11+$0x0], $0xffff;
	(erf) = vpow2.f32 v21  }
0x59: {  	v15 =	vld.idx.msk [tilespmem:v15+s2+$0x0], $0xffff;
	v16 =	vpop (erf)  }
0x5a: {  	v13 =	vld.idx.msk [tilespmem:v17+s2+$0x0], $0xffff;
	[tilespmem:s19+$0xFFFFFFF0] =	vst v16  }
0x5b: {  	s23 =	sadd.s32 $0x40, s23;
	[tilespmem:v5+s14+$0x0] =	vst.idx.add.f32.msk $0xffff, v16;
	v5 =	vmov v20  }
0x5c: {  	_ =	sdelay $0x3  }
0x5d: {  	v10 =	vld.idx.msk [tilespmem:v10+s2+$0x0], $0xffff  }
0x5e: {  	v12 =	vadd.f32 v12, v14;
	_ =	sdelay $0x1  }
0x5f: {  	v14 =	vmul.f32 $2.000000030e-01, v12;
	v9 =	vadd.f32 v9, v15  }
0x60: {  	vm0 =	vge.f32 v12, $0.0e+00;
	v56 =	vadd.f32 v11, v13  }
0x61: {  	v57 =	vsel vm0, v12, v14;
	v58 =	vmul.f32 $2.000000030e-01, v9;
	v8 =	vadd.f32 v8, v10  }
0x62: {  	vm13 =	vge.f32 v9, $0.0e+00;
	v11 =	vmul.f32 $1.442695020e+00, v57  }
0x63: {  	v60 =	vmul.f32 $2.000000030e-01, v56;
	v9 =	vsel vm13, v9, v58;
	v59 =	vmul.f32 $2.000000030e-01, v8  }
0x64: {  	vm14 =	vge.f32 v8, $0.0e+00;
	v9 =	vmul.f32 $1.442695020e+00, v9;
	(erf) = vpow2.f32 v11  }
0x65: {  	vm15 =	vge.f32 v56, $0.0e+00;
	v8 =	vsel vm14, v8, v59  }
0x66: {  	v10 =	vsel vm15, v56, v60;
	(erf) = vpow2.f32 v9;
	v8 =	vmul.f32 $1.442695020e+00, v8  }
0x67: {  	v61 =	vpop (erf);
	v10 =	vmul.f32 $1.442695020e+00, v10  }
0x68: {  	[tilespmem:s21+$0x10] =	vst v61;
	v62 =	vpop (erf);
	(erf) = vpow2.f32 v8  }
0x69: {  	[tilespmem:s21+$0x0] =	vst v62;
	(erf) = vpow2.f32 v10  }
0x6a: {  	[tilespmem:v2+s14+$0x0] =	vst.idx.add.f32.msk $0xffff, v61  }
0x6b: {  	v63 =	vpop (erf);
	[tilespmem:v3+s14+$0x0] =	vst.idx.add.f32.msk $0xffff, v62  }
0x6c: {  	[tilespmem:s21+$0xFFFFFFE0] =	vst v63  }
0x6d: {  	s19 =	sadd.s32 $0x40, s19;
	[tilespmem:v4+s14+$0x0] =	vst.idx.add.f32.msk $0xffff, v63;
	v2 =	vpop (erf)  }
0x6e: {  	[tilespmem:s19+$0xFFFFFFF0] =	vst v2  }
0x6f: {  	[tilespmem:v5+s14+$0x0] =	vst.idx.add.f32.msk $0xffff, v2;
	v2 =	vpop (erf)  }
0x70: {  	[tilespmem:s19+$0x10] =	vst v2  }
0x71: {  	[tilespmem:v7+s14+$0x0] =	vst.idx.add.f32.msk $0xffff, v2;
	v3 =	vpop (erf)  }
0x72: {  	[tilespmem:s19+$0x0] =	vst v3;
	v2 =	vpop (erf)  }
0x73: {  	[tilespmem:s19+$0xFFFFFFE0] =	vst v2  }
0x74: {  	[tilespmem:v1+s14+$0x0] =	vst.idx.add.f32.msk $0xffff, v3  }
0x75: {  	[tilespmem:v6+s14+$0x0] =	vst.idx.add.f32.msk $0xffff, v2  }
0x76: {  	[hbm4b:s7+s2] =	stream.linear.scatter [tilespmem:s15], [sflag:$0x1], $0x1400, $0x38;
	[tilespmem:$0xB400] =	vst v63  }
0x77: {  	s18 =	sadd.s32 $0x1, s18;
	_ =	swait.ge [sflag:s10], $0x1400  }
0x78: {  	p0 =	sne.s32 s18, s9;
	[sflag:s10] =	ssyncset.done $0x0  }
.Ltmp2:
0x79: {  	[sflag:s10] =	ssyncadd.s32 $0xFFFFEC00;
	(pc) =	sbr.rel @p0 .LBB2_1-.Ltmp2, $4  }
0x7a: {  	[hbm4b:s8+s16] =	stream.strided.scatter [tilespmem:s14], [sflag:$0x1], $0x2800, s17, s16, $0x38;
	[tilespmem:$0xB400] =	vst v63  }
0x7b: {  	_ =	swait.ge [sflag:s10], $0x2800  }
0x7c: {  	[sflag:s10] =	ssyncset.done $0x0  }
0x7d: {  	[sflag:s10] =	ssyncadd.s32 $0xFFFFD800  }
0x7e: {  	_ =	sfence.sel $0x180000  }
0x7f: {  	[bflag:$0x0] =	sbarrier.arrive $0xFFFF  }
0x80: {  	p0 =	sne.s32 s0, $0x0;
	_ =	strace $0x90000047  }
0x81: {  	s0 =	sadd.s32 @!p0 $0x100000, s1;
	[bflag:$0x2] =	sbarrier.arrive $0xFFFF  }
0x82: {  	[sflag:s0] =	ssyncadd.tile.s32 @!p0 $0x1;
	_ =	shalt  }
.Lfunc_end2:
_tile_overlayer_lowered:
.L_overlay_start_2:
0x83: {  	(tag) =	ssettag $0x2  }
0x84: {  	s0 =	rddreg [dreg:$0x0];
	s2 =	stileid.u32  }
0x85: {  	s1 =	rddreg [dreg:$0x1];
	p0 =	sne.s32 s2, $0x0  }
0x86: {  	s3 =	rddreg [dreg:$0x2];
	[bflag:$0x3] =	sbarrier.arrive $0xFFFF;
	s2 =	simm.s32 @!p0 $0x1C01  }
0x87: {  	[timem:s3], [sflag:s2] =	dma.local @!p0 [hbm:s0], s1  }
0x88: {  	s0 =	simm.s32 @!p0 $0x1  }
0x89: {  	_ =	swait.ge @!p0 [sflag:s0], s1  }
0x8a: {  	s1 =	ssub.s32 @!p0 $0x0, s1;
	[sflag:s0] =	ssyncset.done @!p0 $0x0  }
0x8b: {  	[sflag:s0] =	ssyncadd.s32 @!p0 s1  }
0x8c: {  	[bflag:$0x3] =	sbarrier.arrive $0xFFFF  }
0x8d: {  	_ =	shalt  }

</sc_bundles>
